<compile_context>
chip_gen: v7x
topology: tpu7x:2x2x1
jax: 0.10.2.dev20260603
libtpu: 0.0.44.dev20260713+nightly
codegen_flags: <defaults>
</compile_context>

<pallas_src>
import functools

import jax
import jax.numpy as jnp
from jax import lax
from jax.experimental import pallas as pl
from jax.experimental.pallas import tpu as pltpu
from jax.experimental.pallas import tpu_sc as plsc

N = 10000
E = 320000
D = 128
NPAD = 10240
NC, NS, L = 2, 16, 16
NW = NC * NS
EPT = E // NW
EPT_PAD = 10240
ROWS = 80
G = 128
SCH = 16
NSC = ROWS // SCH
CH = 64
NCHK = EPT_PAD // CH
NSLOT = 4
ORP = 10112
RPS = ORP // NS
PAD_DST = N + 40

_mesh = plsc.VectorSubcoreMesh(core_axis_name="c", subcore_axis_name="s")
_sc_params = pltpu.CompilerParams(needs_layout_passes=False,
                                  use_tc_tiling_on_sc=False)


def _k1_body(h_ref, wt_ref, w12_ref, z_ref, aa_ref):
    z = jnp.dot(h_ref[...], wt_ref[...], preferred_element_type=jnp.float32)
    z_ref[...] = z.astype(jnp.bfloat16)
    aa_ref[:, :N] = lax.dot_general(
        w12_ref[...], z, (((1,), (1,)), ((), ())),
        preferred_element_type=jnp.float32)
    aa_ref[:, N:] = jnp.zeros((2, NPAD - N), jnp.float32)


def _k1(h, wfcT, w12):
    return pl.pallas_call(
        _k1_body,
        out_shape=(jax.ShapeDtypeStruct((N, D), jnp.bfloat16),
                   jax.ShapeDtypeStruct((2, NPAD), jnp.float32)),
    )(h, wfcT, w12)


def _k2_body(src_ref, dst_ref, aa_ref, s_out, den_out,
             asrc_v, adst_v, den_v, src_v, dst_v, s_v):
    cid = lax.axis_index("c")
    sid = lax.axis_index("s")
    wid = sid * NC + cid
    zeros = jnp.zeros((L,), jnp.float32)

    pltpu.sync_copy(aa_ref.at[0], asrc_v)
    pltpu.sync_copy(aa_ref.at[1], adst_v)

    @plsc.parallel_loop(0, NPAD // L, unroll=4)
    def _zero(i):
        den_v[pl.ds(i * L, L)] = zeros

    pltpu.sync_copy(src_ref.at[wid], src_v)
    pltpu.sync_copy(dst_ref.at[wid], dst_v)

    @plsc.parallel_loop(0, EPT_PAD // L, unroll=2)
    def _edge(i):
        sl = pl.ds(i * L, L)
        a = (plsc.load_gather(asrc_v, [src_v[sl]]) +
             plsc.load_gather(adst_v, [dst_v[sl]]))
        e = jnp.maximum(a, a * jnp.float32(0.01))
        s_v[sl] = jnp.exp(e)

    def _den(i, carry):
        sl = pl.ds(i * L, L)
        plsc.addupdate_scatter(den_v, [dst_v[sl]], s_v[sl])
        return carry
    lax.fori_loop(0, EPT_PAD // L, _den, 0)

    pltpu.sync_copy(s_v, s_out.at[wid])
    pltpu.sync_copy(den_v, den_out.at[wid])


def _k2(src_p, dst_p, aa):
    f = pl.kernel(
        _k2_body,
        out_type=(jax.ShapeDtypeStruct((NW, EPT_PAD), jnp.float32),
                  jax.ShapeDtypeStruct((NW, NPAD), jnp.float32)),
        mesh=_mesh,
        scratch_types=[
            pltpu.VMEM((NPAD,), jnp.float32),
            pltpu.VMEM((NPAD,), jnp.float32),
            pltpu.VMEM((NPAD,), jnp.float32),
            pltpu.VMEM((EPT_PAD,), jnp.int32),
            pltpu.VMEM((EPT_PAD,), jnp.int32),
            pltpu.VMEM((EPT_PAD,), jnp.float32),
        ],
        compiler_params=_sc_params,
    )
    return f(src_p, dst_p, aa)


def _k4_body(src_ref, dst_ref, s_ref, z_ref, out_ref,
             srcb, dstb, sb, srci, dsti, zbuf, fbuf, out_sp, semg, sems):
    cid = lax.axis_index("c")
    sid = lax.axis_index("s")
    wid = sid * NC + cid
    zeros = jnp.zeros((L,), jnp.float32)

    def _zrow(r, carry):
        for c in range(D // L):
            fbuf[0, r, pl.ds(c * L, L)] = zeros
        return carry
    lax.fori_loop(0, CH, _zrow, 0)
    base = sid * RPS
    for k in range(RPS // CH):
        pltpu.sync_copy(fbuf.at[0], out_sp.at[pl.ds(base + k * CH, CH)])
    rem = RPS % CH
    if rem:
        pltpu.sync_copy(fbuf.at[0, pl.ds(0, rem)],
                        out_sp.at[pl.ds(base + (RPS // CH) * CH, rem)])
    plsc.subcore_barrier()

    def _stage(g, p):
        sl = pl.ds(g * SCH, SCH)
        pltpu.sync_copy(src_ref.at[wid, sl], srcb.at[p])
        pltpu.sync_copy(dst_ref.at[wid, sl], dstb.at[p])
        pltpu.sync_copy(s_ref.at[wid, sl], sb.at[p])

    def _slot_fill(t, b):
        rt = t // 2
        g = rt // SCH
        k = rt - g * SCH
        p = g & 1
        hv = (t & 1) * CH
        for c in range(CH // L):
            srci[b, pl.ds(c * L, L)] = srcb[p, k, pl.ds(hv + c * L, L)]

    def _dst_fill(t, h2):
        rt = t // 2
        g = rt // SCH
        k = rt - g * SCH
        p = g & 1
        hv = (t & 1) * CH
        for c in range(CH // L):
            dsti[h2, pl.ds(c * L, L)] = dstb[p, k, pl.ds(hv + c * L, L)]

    _stage(0, 0)
    for t0 in range(NSLOT):
        _slot_fill(t0, t0)
        pltpu.async_copy(z_ref.at[srci.at[t0]], zbuf.at[t0],
                         semg.at[t0 & 3])

    def _iter(t, carry):
        rt = t // 2
        g = rt // SCH
        k = rt - g * SCH
        p = g & 1
        b = t & 3
        sg = t & 3
        pltpu.make_async_copy(z_ref.at[srci.at[b]], zbuf.at[b],
                              semg.at[sg]).wait()

        @pl.when(jnp.logical_and(lax.rem(t, 2 * SCH) == 0, g + 1 < NSC))
        def _():
            _stage(g + 1, 1 - p)

        h2 = t & 1

        @pl.when(t >= 2)
        def _():
            pltpu.make_async_copy(fbuf.at[h2], out_sp.at[dsti.at[h2]],
                                  sems.at[h2]).wait()
        _dst_fill(t, h2)

        pv = jnp.full((L,), p, jnp.int32)
        kv = jnp.full((L,), k, jnp.int32)
        off = jnp.zeros((L,), jnp.int32) + (t & 1) * CH
        h2v = jnp.full((L,), h2, jnp.int32)
        mhi = jnp.full((L,), jnp.int32(-65536))

        @plsc.parallel_loop(0, CH, unroll=2)
        def _row(j):
            av = plsc.load_gather(sb, [pv, kv, off + j])
            jv = jnp.zeros((L,), jnp.int32) + j
            for c in range(D // (2 * L)):
                x = zbuf[b, j, pl.ds(c * L, L)]
                ev = plsc.bitcast(x << 16, jnp.float32) * av
                ov = plsc.bitcast(x & mhi, jnp.float32) * av
                pe = jnp.arange(0, 2 * L, 2, dtype=jnp.int32) + (2 * L * c)
                plsc.store_scatter(fbuf, [h2v, jv, pe], ev)
                plsc.store_scatter(fbuf, [h2v, jv, pe + 1], ov)

        @pl.when(t + 4 < NCHK)
        def _():
            _slot_fill(t + 4, b)
            pltpu.async_copy(z_ref.at[srci.at[b]], zbuf.at[b],
                             semg.at[sg])

        pltpu.async_copy(fbuf.at[h2], out_sp.at[dsti.at[h2]],
                         sems.at[h2], add=True)
        return carry
    lax.fori_loop(0, NCHK, _iter, 0)

    for h2 in range(2):
        pltpu.make_async_copy(fbuf.at[h2], out_sp.at[dsti.at[h2]],
                              sems.at[h2]).wait()

    plsc.subcore_barrier()
    pltpu.sync_copy(out_sp.at[pl.ds(base, RPS)],
                    out_ref.at[cid, pl.ds(base, RPS)])


def _k4(src_p3, dst_p3, s_p3, z):
    f = pl.kernel(
        _k4_body,
        out_type=jax.ShapeDtypeStruct((NC, ORP, D), jnp.float32),
        mesh=_mesh,
        scratch_types=[
            pltpu.VMEM((2, SCH, G), jnp.int32),
            pltpu.VMEM((2, SCH, G), jnp.int32),
            pltpu.VMEM((2, SCH, G), jnp.float32),
            pltpu.VMEM((NSLOT, CH), jnp.int32),
            pltpu.VMEM((2, CH), jnp.int32),
            pltpu.VMEM((NSLOT, CH, D // 2), jnp.int32),
            pltpu.VMEM((2, CH, D), jnp.float32),
            pltpu.VMEM_SHARED((ORP, D), jnp.float32),
            pltpu.SemaphoreType.DMA((4,)),
            pltpu.SemaphoreType.DMA((2,)),
        ],
        compiler_params=_sc_params,
    )
    return f(src_p3, dst_p3, s_p3, z)


def _k5_body(x_ref, den32_ref, o_ref):
    den = jnp.sum(den32_ref[...], axis=0)[:N]
    acc = x_ref[0, :N, :] + x_ref[1, :N, :]
    o_ref[...] = acc / (den[:, None] + jnp.float32(1e-16))


def _k5(out2, den32):
    return pl.pallas_call(
        _k5_body,
        out_shape=jax.ShapeDtypeStruct((N, D), jnp.float32),
    )(out2, den32)


def kernel(h, edge_index, W_fc, W_attn):
    ei = edge_index.astype(jnp.int32)
    src = ei[0]
    dst = ei[1]
    pad = EPT_PAD - EPT
    src_p = jnp.pad(src.reshape(NW, EPT), ((0, 0), (0, pad)))
    dst_p = jnp.pad(dst.reshape(NW, EPT), ((0, 0), (0, pad)),
                    constant_values=PAD_DST)
    wfcT = W_fc.T
    w12 = W_attn.reshape(2, D)

    z, aa = _k1(h, wfcT, w12)
    s_p, den32 = _k2(src_p, dst_p, aa)
    out2 = _k4(src_p.reshape(NW, ROWS, G), dst_p.reshape(NW, ROWS, G),
               s_p.reshape(NW, ROWS, G),
               lax.bitcast_convert_type(z.reshape(N, D // 2, 2),
                                        jnp.int32))
    return _k5(out2, den32)

# --- scband reference (transcript-rebuilt; emitter-appended) ---
"""Pipeline reference for scband-node-apply-module-44702019616958 (READ-ONLY COPY).

The authoritative reference and input builder live on the scoring server;
editing this copy changes nothing except your own understanding.
"""

import jax, jax.numpy as jnp
import numpy as np

N = 10000
E = 320000
IN_DIM = 128
OUT_DIM = 128


def setup_inputs(seed: int = 0) -> dict:
    key = jax.random.key(seed)
    k1, k2, k3, k4 = jax.random.split(key, 4)
    h = jax.random.normal(k1, (N, IN_DIM), dtype=jnp.float32)
    edge_index = jax.random.randint(k2, (2, E), 0, N).astype(jnp.int64)
    # xavier-normal-ish init with relu gain, scaled
    gain = float(np.sqrt(2.0))
    W_fc = jax.random.normal(k3, (OUT_DIM, IN_DIM), dtype=jnp.float32) * (gain * np.sqrt(2.0 / (IN_DIM + OUT_DIM)))
    W_attn = jax.random.normal(k4, (1, 2 * OUT_DIM), dtype=jnp.float32) * (gain * np.sqrt(2.0 / (2 * OUT_DIM + 1)))
    return {"h": h, "edge_index": edge_index, "W_fc": W_fc, "W_attn": W_attn}


def reference(h, edge_index, W_fc, W_attn):
    # z = fc(h)  (no bias)
    z = h @ W_fc.T  # [N, OUT_DIM]
    src = edge_index[0]
    dst = edge_index[1]
    # edge_attention: e = leaky_relu(attn_fc(cat[z_src, z_dst]))
    z_src = jnp.take(z, src, axis=0)  # [E, OUT_DIM]
    z_dst = jnp.take(z, dst, axis=0)  # [E, OUT_DIM]
    z2 = jnp.concatenate([z_src, z_dst], axis=1)  # [E, 2*OUT_DIM]
    e = jax.nn.leaky_relu(z2 @ W_attn.T, negative_slope=0.01)[:, 0]  # [E]
    # reduce: softmax over incoming edges per destination node, then weighted sum of source features
    e_max = jax.ops.segment_max(e, dst, num_segments=N)  # [N], -inf for empty segments
    e_max = jnp.where(jnp.isfinite(e_max), e_max, 0.0)
    e_exp = jnp.exp(e - jax.lax.stop_gradient(e_max)[dst])  # [E]
    denom = jax.ops.segment_sum(e_exp, dst, num_segments=N)  # [N]
    alpha = e_exp / (denom[dst] + 1e-16)  # [E]
    out = jax.ops.segment_sum(alpha[:, None] * z_src, dst, num_segments=N)  # [N, OUT_DIM]
    return out

if __name__ == "__main__":
    import jax
    _d = setup_inputs()
    print(jax.jit(kernel)(*tuple(_d.values())))

</pallas_src>

<mosaic_0001>
#map = affine_map<(d0, d1) -> (0, 0, 0)>
#map1 = affine_map<(d0, d1) -> (0, 0)>
module attributes {stable_mosaic.version = 14 : i64} {
  func.func @_k4_body(%arg0: i32, %arg1: i32, %arg2: memref<32x80x128xi32, #tpu.memory_space<hbm>>, %arg3: memref<32x80x128xi32, #tpu.memory_space<hbm>>, %arg4: memref<32x80x128xf32, #tpu.memory_space<hbm>>, %arg5: memref<10000x64xi32, #tpu.memory_space<hbm>>, %arg6: memref<2x10112x128xf32, #tpu.memory_space<hbm>>, %arg7: memref<2x16x128xi32, #tpu.memory_space<vmem>>, %arg8: memref<2x16x128xi32, #tpu.memory_space<vmem>>, %arg9: memref<2x16x128xf32, #tpu.memory_space<vmem>>, %arg10: memref<4x64xi32, #tpu.memory_space<vmem>>, %arg11: memref<2x64xi32, #tpu.memory_space<vmem>>, %arg12: memref<4x64x64xi32, #tpu.memory_space<vmem>>, %arg13: memref<2x64x128xf32, #tpu.memory_space<vmem>>, %arg14: memref<10112x128xf32, #tpu.memory_space<vmem_shared>>, %arg15: memref<4x!tpu.dma_semaphore, #tpu.memory_space<semaphore_mem>>, %arg16: memref<2x!tpu.dma_semaphore, #tpu.memory_space<semaphore_mem>>) attributes {dimension_semantics = [#tpu.dimension_semantics<core_parallel>, #tpu.dimension_semantics<subcore_parallel>], iteration_bounds = array<i64: 2, 16>, scalar_prefetch = 0 : i64, scratch_operands = 10 : i64, tpu.core_type = #tpu.core_type<sc_vector_subcore>, window_params = [{transform_indices = #map}, {transform_indices = #map}, {transform_indices = #map}, {transform_indices = #map1}, {transform_indices = #map}]} {
    %mul3A = arith.constant 2 : i32
    %mul3A_0 = arith.muli %arg1, %mul3A : i32
    %add3A = arith.addi %mul3A_0, %arg0 : i32
    %broadcast_in_dim3A = arith.constant 0.000000e+00 : f32
    %broadcast_in_dim3A_1 = vector.broadcast %broadcast_in_dim3A : f32 to vector<16xf32>
    %scan3A = arith.constant 0 : i32
    %scan3A_2 = arith.constant 0 : i32
    %scan3A_3 = arith.constant 64 : i32
    %scan3A_4 = arith.addi %scan3A_2, %scan3A_3 : i32
    %scan3A_5 = arith.constant 1 : i32
    scf.for %scan3A_294 = %scan3A_2 to %scan3A_4 step %scan3A_5  : i32 {
      %swap3A_295 = arith.constant 0 : i32
      %swap3A_296 = arith.index_cast %swap3A_295 : i32 to index
      %swap3A_297 = arith.index_cast %scan3A_294 : i32 to index
      %swap3A_298 = arith.constant 0 : index
      %swap3A_299 = tpu.vector_load %arg13[%swap3A_296, %swap3A_297, %swap3A_298] {strides = array<i32>} : memref<2x64x128xf32, #tpu.memory_space<vmem>>, vector<16xf32>,
      tpu.vector_store %arg13[%swap3A_296, %swap3A_297, %swap3A_298], %broadcast_in_dim3A_1 {strides = array<i32>} : memref<2x64x128xf32, #tpu.memory_space<vmem>>, vector<16xf32>,
      %swap3A_300 = arith.constant 0 : i32
      %swap3A_301 = arith.index_cast %swap3A_300 : i32 to index
      %swap3A_302 = arith.index_cast %scan3A_294 : i32 to index
      %swap3A_303 = arith.constant 16 : index
      %swap3A_304 = tpu.vector_load %arg13[%swap3A_301, %swap3A_302, %swap3A_303] {strides = array<i32>} : memref<2x64x128xf32, #tpu.memory_space<vmem>>, vector<16xf32>,
      tpu.vector_store %arg13[%swap3A_301, %swap3A_302, %swap3A_303], %broadcast_in_dim3A_1 {strides = array<i32>} : memref<2x64x128xf32, #tpu.memory_space<vmem>>, vector<16xf32>,
      %swap3A_305 = arith.constant 0 : i32
      %swap3A_306 = arith.index_cast %swap3A_305 : i32 to index
      %swap3A_307 = arith.index_cast %scan3A_294 : i32 to index
      %swap3A_308 = arith.constant 32 : index
      %swap3A_309 = tpu.vector_load %arg13[%swap3A_306, %swap3A_307, %swap3A_308] {strides = array<i32>} : memref<2x64x128xf32, #tpu.memory_space<vmem>>, vector<16xf32>,
      tpu.vector_store %arg13[%swap3A_306, %swap3A_307, %swap3A_308], %broadcast_in_dim3A_1 {strides = array<i32>} : memref<2x64x128xf32, #tpu.memory_space<vmem>>, vector<16xf32>,
      %swap3A_310 = arith.constant 0 : i32
      %swap3A_311 = arith.index_cast %swap3A_310 : i32 to index
      %swap3A_312 = arith.index_cast %scan3A_294 : i32 to index
      %swap3A_313 = arith.constant 48 : index
      %swap3A_314 = tpu.vector_load %arg13[%swap3A_311, %swap3A_312, %swap3A_313] {strides = array<i32>} : memref<2x64x128xf32, #tpu.memory_space<vmem>>, vector<16xf32>,
      tpu.vector_store %arg13[%swap3A_311, %swap3A_312, %swap3A_313], %broadcast_in_dim3A_1 {strides = array<i32>} : memref<2x64x128xf32, #tpu.memory_space<vmem>>, vector<16xf32>,
      %swap3A_315 = arith.constant 0 : i32
      %swap3A_316 = arith.index_cast %swap3A_315 : i32 to index
      %swap3A_317 = arith.index_cast %scan3A_294 : i32 to index
      %swap3A_318 = arith.constant 64 : index
      %swap3A_319 = tpu.vector_load %arg13[%swap3A_316, %swap3A_317, %swap3A_318] {strides = array<i32>} : memref<2x64x128xf32, #tpu.memory_space<vmem>>, vector<16xf32>,
      tpu.vector_store %arg13[%swap3A_316, %swap3A_317, %swap3A_318], %broadcast_in_dim3A_1 {strides = array<i32>} : memref<2x64x128xf32, #tpu.memory_space<vmem>>, vector<16xf32>,
      %swap3A_320 = arith.constant 0 : i32
      %swap3A_321 = arith.index_cast %swap3A_320 : i32 to index
      %swap3A_322 = arith.index_cast %scan3A_294 : i32 to index
      %swap3A_323 = arith.constant 80 : index
      %swap3A_324 = tpu.vector_load %arg13[%swap3A_321, %swap3A_322, %swap3A_323] {strides = array<i32>} : memref<2x64x128xf32, #tpu.memory_space<vmem>>, vector<16xf32>,
      tpu.vector_store %arg13[%swap3A_321, %swap3A_322, %swap3A_323], %broadcast_in_dim3A_1 {strides = array<i32>} : memref<2x64x128xf32, #tpu.memory_space<vmem>>, vector<16xf32>,
      %swap3A_325 = arith.constant 0 : i32
      %swap3A_326 = arith.index_cast %swap3A_325 : i32 to index
      %swap3A_327 = arith.index_cast %scan3A_294 : i32 to index
      %swap3A_328 = arith.constant 96 : index
      %swap3A_329 = tpu.vector_load %arg13[%swap3A_326, %swap3A_327, %swap3A_328] {strides = array<i32>} : memref<2x64x128xf32, #tpu.memory_space<vmem>>, vector<16xf32>,
      tpu.vector_store %arg13[%swap3A_326, %swap3A_327, %swap3A_328], %broadcast_in_dim3A_1 {strides = array<i32>} : memref<2x64x128xf32, #tpu.memory_space<vmem>>, vector<16xf32>,
      %swap3A_330 = arith.constant 0 : i32
      %swap3A_331 = arith.index_cast %swap3A_330 : i32 to index
      %swap3A_332 = arith.index_cast %scan3A_294 : i32 to index
      %swap3A_333 = arith.constant 112 : index
      %swap3A_334 = tpu.vector_load %arg13[%swap3A_331, %swap3A_332, %swap3A_333] {strides = array<i32>} : memref<2x64x128xf32, #tpu.memory_space<vmem>>, vector<16xf32>,
      tpu.vector_store %arg13[%swap3A_331, %swap3A_332, %swap3A_333], %broadcast_in_dim3A_1 {strides = array<i32>} : memref<2x64x128xf32, #tpu.memory_space<vmem>>, vector<16xf32>,
    }
    %scan3A_6 = arith.constant 64 : i32
    %mul3A_7 = arith.constant 632 : i32
    %mul3A_8 = arith.muli %arg1, %mul3A_7 : i32
    %add3A_9 = arith.constant 0 : i32
    %add3A_10 = arith.addi %mul3A_8, %add3A_9 : i32
    %run_scoped3A = arith.constant 0 : i32
    "tpu.region"() ({
      %run_scoped3A_294 = tpu.sem_alloc : memref<!tpu.dma_semaphore, #tpu.memory_space<semaphore_mem>>
      %dma_start3A_295 = arith.constant 0 : i32
      %dma_start3A_296 = arith.constant 0 : i32
      %dma_start3A_297 = tpu.memref_slice %arg13[%run_scoped3A, %dma_start3A_295, %dma_start3A_296] : memref<2x64x128xf32, #tpu.memory_space<vmem>> -> memref<1x64x128xf32, #tpu.memory_space<vmem>>
      %dma_start3A_298 = tpu.memref_squeeze %dma_start3A_297 : memref<1x64x128xf32, #tpu.memory_space<vmem>> -> memref<64x128xf32, #tpu.memory_space<vmem>>
      %dma_start3A_299 = arith.constant 0 : i32
      %dma_start3A_300 = tpu.memref_slice %arg14[%add3A_10, %dma_start3A_299] : memref<10112x128xf32, #tpu.memory_space<vmem_shared>> -> memref<64x128xf32, #tpu.memory_space<vmem_shared>>
      %dma_start3A_301 = arith.constant 0 : i32
      %dma_start3A_302 = tpu.memref_slice %arg14[%add3A_10, %dma_start3A_301] : memref<10112x128xf32, #tpu.memory_space<vmem_shared>> -> memref<64x128xf32, #tpu.memory_space<vmem_shared>>
      %dma_start3A_303 = arith.constant 0 : i32
      %dma_start3A_304 = arith.constant 0 : i32
      %dma_start3A_305 = tpu.memref_slice %arg13[%run_scoped3A, %dma_start3A_303, %dma_start3A_304] : memref<2x64x128xf32, #tpu.memory_space<vmem>> -> memref<1x64x128xf32, #tpu.memory_space<vmem>>
      %dma_start3A_306 = tpu.memref_squeeze %dma_start3A_305 : memref<1x64x128xf32, #tpu.memory_space<vmem>> -> memref<64x128xf32, #tpu.memory_space<vmem>>
      tpu.enqueue_dma source(%dma_start3A_306 : memref<64x128xf32, #tpu.memory_space<vmem>>) target(%dma_start3A_302 : memref<64x128xf32, #tpu.memory_space<vmem_shared>>) target_semaphore(%run_scoped3A_294 : memref<!tpu.dma_semaphore, #tpu.memory_space<semaphore_mem>>)
      %dma_wait3A_307 = arith.constant 0 : i32
      %dma_wait3A_308 = arith.constant 0 : i32
      %dma_wait3A_309 = tpu.memref_slice %arg13[%run_scoped3A, %dma_wait3A_307, %dma_wait3A_308] : memref<2x64x128xf32, #tpu.memory_space<vmem>> -> memref<1x64x128xf32, #tpu.memory_space<vmem>>
      %dma_wait3A_310 = tpu.memref_squeeze %dma_wait3A_309 : memref<1x64x128xf32, #tpu.memory_space<vmem>> -> memref<64x128xf32, #tpu.memory_space<vmem>>
      %dma_wait3A_311 = arith.constant 0 : i32
      %dma_wait3A_312 = tpu.memref_slice %arg14[%add3A_10, %dma_wait3A_311] : memref<10112x128xf32, #tpu.memory_space<vmem_shared>> -> memref<64x128xf32, #tpu.memory_space<vmem_shared>>
      %dma_wait3A_313 = arith.constant 0 : i32
      %dma_wait3A_314 = tpu.memref_slice %arg14[%add3A_10, %dma_wait3A_313] : memref<10112x128xf32, #tpu.memory_space<vmem_shared>> -> memref<64x128xf32, #tpu.memory_space<vmem_shared>>
      %dma_wait3A_315 = arith.constant 0 : i32
      %dma_wait3A_316 = arith.constant 0 : i32
      %dma_wait3A_317 = tpu.memref_slice %arg13[%run_scoped3A, %dma_wait3A_315, %dma_wait3A_316] : memref<2x64x128xf32, #tpu.memory_space<vmem>> -> memref<1x64x128xf32, #tpu.memory_space<vmem>>
      %dma_wait3A_318 = tpu.memref_squeeze %dma_wait3A_317 : memref<1x64x128xf32, #tpu.memory_space<vmem>> -> memref<64x128xf32, #tpu.memory_space<vmem>>
      tpu.wait_dma2 semaphore(%run_scoped3A_294 : memref<!tpu.dma_semaphore, #tpu.memory_space<semaphore_mem>>) src(%dma_wait3A_318 : memref<64x128xf32, #tpu.memory_space<vmem>>) dst(%dma_wait3A_314 : memref<64x128xf32, #tpu.memory_space<vmem_shared>>)
      tpu.yield
    }) : () -> ()
    %add3A_11 = arith.constant 64 : i32
    %add3A_12 = arith.addi %mul3A_8, %add3A_11 : i32
    %run_scoped3A_13 = arith.constant 0 : i32
    "tpu.region"() ({
      %run_scoped3A_294 = tpu.sem_alloc : memref<!tpu.dma_semaphore, #tpu.memory_space<semaphore_mem>>
      %dma_start3A_295 = arith.constant 0 : i32
      %dma_start3A_296 = arith.constant 0 : i32
      %dma_start3A_297 = tpu.memref_slice %arg13[%run_scoped3A_13, %dma_start3A_295, %dma_start3A_296] : memref<2x64x128xf32, #tpu.memory_space<vmem>> -> memref<1x64x128xf32, #tpu.memory_space<vmem>>
      %dma_start3A_298 = tpu.memref_squeeze %dma_start3A_297 : memref<1x64x128xf32, #tpu.memory_space<vmem>> -> memref<64x128xf32, #tpu.memory_space<vmem>>
      %dma_start3A_299 = arith.constant 0 : i32
      %dma_start3A_300 = tpu.memref_slice %arg14[%add3A_12, %dma_start3A_299] : memref<10112x128xf32, #tpu.memory_space<vmem_shared>> -> memref<64x128xf32, #tpu.memory_space<vmem_shared>>
      %dma_start3A_301 = arith.constant 0 : i32
      %dma_start3A_302 = tpu.memref_slice %arg14[%add3A_12, %dma_start3A_301] : memref<10112x128xf32, #tpu.memory_space<vmem_shared>> -> memref<64x128xf32, #tpu.memory_space<vmem_shared>>
      %dma_start3A_303 = arith.constant 0 : i32
      %dma_start3A_304 = arith.constant 0 : i32
      %dma_start3A_305 = tpu.memref_slice %arg13[%run_scoped3A_13, %dma_start3A_303, %dma_start3A_304] : memref<2x64x128xf32, #tpu.memory_space<vmem>> -> memref<1x64x128xf32, #tpu.memory_space<vmem>>
      %dma_start3A_306 = tpu.memref_squeeze %dma_start3A_305 : memref<1x64x128xf32, #tpu.memory_space<vmem>> -> memref<64x128xf32, #tpu.memory_space<vmem>>
      tpu.enqueue_dma source(%dma_start3A_306 : memref<64x128xf32, #tpu.memory_space<vmem>>) target(%dma_start3A_302 : memref<64x128xf32, #tpu.memory_space<vmem_shared>>) target_semaphore(%run_scoped3A_294 : memref<!tpu.dma_semaphore, #tpu.memory_space<semaphore_mem>>)
      %dma_wait3A_307 = arith.constant 0 : i32
      %dma_wait3A_308 = arith.constant 0 : i32
      %dma_wait3A_309 = tpu.memref_slice %arg13[%run_scoped3A_13, %dma_wait3A_307, %dma_wait3A_308] : memref<2x64x128xf32, #tpu.memory_space<vmem>> -> memref<1x64x128xf32, #tpu.memory_space<vmem>>
      %dma_wait3A_310 = tpu.memref_squeeze %dma_wait3A_309 : memref<1x64x128xf32, #tpu.memory_space<vmem>> -> memref<64x128xf32, #tpu.memory_space<vmem>>
      %dma_wait3A_311 = arith.constant 0 : i32
      %dma_wait3A_312 = tpu.memref_slice %arg14[%add3A_12, %dma_wait3A_311] : memref<10112x128xf32, #tpu.memory_space<vmem_shared>> -> memref<64x128xf32, #tpu.memory_space<vmem_shared>>
      %dma_wait3A_313 = arith.constant 0 : i32
      %dma_wait3A_314 = tpu.memref_slice %arg14[%add3A_12, %dma_wait3A_313] : memref<10112x128xf32, #tpu.memory_space<vmem_shared>> -> memref<64x128xf32, #tpu.memory_space<vmem_shared>>
      %dma_wait3A_315 = arith.constant 0 : i32
      %dma_wait3A_316 = arith.constant 0 : i32
      %dma_wait3A_317 = tpu.memref_slice %arg13[%run_scoped3A_13, %dma_wait3A_315, %dma_wait3A_316] : memref<2x64x128xf32, #tpu.memory_space<vmem>> -> memref<1x64x128xf32, #tpu.memory_space<vmem>>
      %dma_wait3A_318 = tpu.memref_squeeze %dma_wait3A_317 : memref<1x64x128xf32, #tpu.memory_space<vmem>> -> memref<64x128xf32, #tpu.memory_space<vmem>>
      tpu.wait_dma2 semaphore(%run_scoped3A_294 : memref<!tpu.dma_semaphore, #tpu.memory_space<semaphore_mem>>) src(%dma_wait3A_318 : memref<64x128xf32, #tpu.memory_space<vmem>>) dst(%dma_wait3A_314 : memref<64x128xf32, #tpu.memory_space<vmem_shared>>)
      tpu.yield
    }) : () -> ()
    %add3A_14 = arith.constant 128 : i32
    %add3A_15 = arith.addi %mul3A_8, %add3A_14 : i32
    %run_scoped3A_16 = arith.constant 0 : i32
    "tpu.region"() ({
      %run_scoped3A_294 = tpu.sem_alloc : memref<!tpu.dma_semaphore, #tpu.memory_space<semaphore_mem>>
      %dma_start3A_295 = arith.constant 0 : i32
      %dma_start3A_296 = arith.constant 0 : i32
      %dma_start3A_297 = tpu.memref_slice %arg13[%run_scoped3A_16, %dma_start3A_295, %dma_start3A_296] : memref<2x64x128xf32, #tpu.memory_space<vmem>> -> memref<1x64x128xf32, #tpu.memory_space<vmem>>
      %dma_start3A_298 = tpu.memref_squeeze %dma_start3A_297 : memref<1x64x128xf32, #tpu.memory_space<vmem>> -> memref<64x128xf32, #tpu.memory_space<vmem>>
      %dma_start3A_299 = arith.constant 0 : i32
      %dma_start3A_300 = tpu.memref_slice %arg14[%add3A_15, %dma_start3A_299] : memref<10112x128xf32, #tpu.memory_space<vmem_shared>> -> memref<64x128xf32, #tpu.memory_space<vmem_shared>>
      %dma_start3A_301 = arith.constant 0 : i32
      %dma_start3A_302 = tpu.memref_slice %arg14[%add3A_15, %dma_start3A_301] : memref<10112x128xf32, #tpu.memory_space<vmem_shared>> -> memref<64x128xf32, #tpu.memory_space<vmem_shared>>
      %dma_start3A_303 = arith.constant 0 : i32
      %dma_start3A_304 = arith.constant 0 : i32
      %dma_start3A_305 = tpu.memref_slice %arg13[%run_scoped3A_16, %dma_start3A_303, %dma_start3A_304] : memref<2x64x128xf32, #tpu.memory_space<vmem>> -> memref<1x64x128xf32, #tpu.memory_space<vmem>>
      %dma_start3A_306 = tpu.memref_squeeze %dma_start3A_305 : memref<1x64x128xf32, #tpu.memory_space<vmem>> -> memref<64x128xf32, #tpu.memory_space<vmem>>
      tpu.enqueue_dma source(%dma_start3A_306 : memref<64x128xf32, #tpu.memory_space<vmem>>) target(%dma_start3A_302 : memref<64x128xf32, #tpu.memory_space<vmem_shared>>) target_semaphore(%run_scoped3A_294 : memref<!tpu.dma_semaphore, #tpu.memory_space<semaphore_mem>>)
      %dma_wait3A_307 = arith.constant 0 : i32
      %dma_wait3A_308 = arith.constant 0 : i32
      %dma_wait3A_309 = tpu.memref_slice %arg13[%run_scoped3A_16, %dma_wait3A_307, %dma_wait3A_308] : memref<2x64x128xf32, #tpu.memory_space<vmem>> -> memref<1x64x128xf32, #tpu.memory_space<vmem>>
      %dma_wait3A_310 = tpu.memref_squeeze %dma_wait3A_309 : memref<1x64x128xf32, #tpu.memory_space<vmem>> -> memref<64x128xf32, #tpu.memory_space<vmem>>
      %dma_wait3A_311 = arith.constant 0 : i32
      %dma_wait3A_312 = tpu.memref_slice %arg14[%add3A_15, %dma_wait3A_311] : memref<10112x128xf32, #tpu.memory_space<vmem_shared>> -> memref<64x128xf32, #tpu.memory_space<vmem_shared>>
      %dma_wait3A_313 = arith.constant 0 : i32
      %dma_wait3A_314 = tpu.memref_slice %arg14[%add3A_15, %dma_wait3A_313] : memref<10112x128xf32, #tpu.memory_space<vmem_shared>> -> memref<64x128xf32, #tpu.memory_space<vmem_shared>>
      %dma_wait3A_315 = arith.constant 0 : i32
      %dma_wait3A_316 = arith.constant 0 : i32
      %dma_wait3A_317 = tpu.memref_slice %arg13[%run_scoped3A_16, %dma_wait3A_315, %dma_wait3A_316] : memref<2x64x128xf32, #tpu.memory_space<vmem>> -> memref<1x64x128xf32, #tpu.memory_space<vmem>>
      %dma_wait3A_318 = tpu.memref_squeeze %dma_wait3A_317 : memref<1x64x128xf32, #tpu.memory_space<vmem>> -> memref<64x128xf32, #tpu.memory_space<vmem>>
      tpu.wait_dma2 semaphore(%run_scoped3A_294 : memref<!tpu.dma_semaphore, #tpu.memory_space<semaphore_mem>>) src(%dma_wait3A_318 : memref<64x128xf32, #tpu.memory_space<vmem>>) dst(%dma_wait3A_314 : memref<64x128xf32, #tpu.memory_space<vmem_shared>>)
      tpu.yield
    }) : () -> ()
    %add3A_17 = arith.constant 192 : i32
    %add3A_18 = arith.addi %mul3A_8, %add3A_17 : i32
    %run_scoped3A_19 = arith.constant 0 : i32
    "tpu.region"() ({
      %run_scoped3A_294 = tpu.sem_alloc : memref<!tpu.dma_semaphore, #tpu.memory_space<semaphore_mem>>
      %dma_start3A_295 = arith.constant 0 : i32
      %dma_start3A_296 = arith.constant 0 : i32
      %dma_start3A_297 = tpu.memref_slice %arg13[%run_scoped3A_19, %dma_start3A_295, %dma_start3A_296] : memref<2x64x128xf32, #tpu.memory_space<vmem>> -> memref<1x64x128xf32, #tpu.memory_space<vmem>>
      %dma_start3A_298 = tpu.memref_squeeze %dma_start3A_297 : memref<1x64x128xf32, #tpu.memory_space<vmem>> -> memref<64x128xf32, #tpu.memory_space<vmem>>
      %dma_start3A_299 = arith.constant 0 : i32
      %dma_start3A_300 = tpu.memref_slice %arg14[%add3A_18, %dma_start3A_299] : memref<10112x128xf32, #tpu.memory_space<vmem_shared>> -> memref<64x128xf32, #tpu.memory_space<vmem_shared>>
      %dma_start3A_301 = arith.constant 0 : i32
      %dma_start3A_302 = tpu.memref_slice %arg14[%add3A_18, %dma_start3A_301] : memref<10112x128xf32, #tpu.memory_space<vmem_shared>> -> memref<64x128xf32, #tpu.memory_space<vmem_shared>>
      %dma_start3A_303 = arith.constant 0 : i32
      %dma_start3A_304 = arith.constant 0 : i32
      %dma_start3A_305 = tpu.memref_slice %arg13[%run_scoped3A_19, %dma_start3A_303, %dma_start3A_304] : memref<2x64x128xf32, #tpu.memory_space<vmem>> -> memref<1x64x128xf32, #tpu.memory_space<vmem>>
      %dma_start3A_306 = tpu.memref_squeeze %dma_start3A_305 : memref<1x64x128xf32, #tpu.memory_space<vmem>> -> memref<64x128xf32, #tpu.memory_space<vmem>>
      tpu.enqueue_dma source(%dma_start3A_306 : memref<64x128xf32, #tpu.memory_space<vmem>>) target(%dma_start3A_302 : memref<64x128xf32, #tpu.memory_space<vmem_shared>>) target_semaphore(%run_scoped3A_294 : memref<!tpu.dma_semaphore, #tpu.memory_space<semaphore_mem>>)
      %dma_wait3A_307 = arith.constant 0 : i32
      %dma_wait3A_308 = arith.constant 0 : i32
      %dma_wait3A_309 = tpu.memref_slice %arg13[%run_scoped3A_19, %dma_wait3A_307, %dma_wait3A_308] : memref<2x64x128xf32, #tpu.memory_space<vmem>> -> memref<1x64x128xf32, #tpu.memory_space<vmem>>
      %dma_wait3A_310 = tpu.memref_squeeze %dma_wait3A_309 : memref<1x64x128xf32, #tpu.memory_space<vmem>> -> memref<64x128xf32, #tpu.memory_space<vmem>>
      %dma_wait3A_311 = arith.constant 0 : i32
      %dma_wait3A_312 = tpu.memref_slice %arg14[%add3A_18, %dma_wait3A_311] : memref<10112x128xf32, #tpu.memory_space<vmem_shared>> -> memref<64x128xf32, #tpu.memory_space<vmem_shared>>
      %dma_wait3A_313 = arith.constant 0 : i32
      %dma_wait3A_314 = tpu.memref_slice %arg14[%add3A_18, %dma_wait3A_313] : memref<10112x128xf32, #tpu.memory_space<vmem_shared>> -> memref<64x128xf32, #tpu.memory_space<vmem_shared>>
      %dma_wait3A_315 = arith.constant 0 : i32
      %dma_wait3A_316 = arith.constant 0 : i32
      %dma_wait3A_317 = tpu.memref_slice %arg13[%run_scoped3A_19, %dma_wait3A_315, %dma_wait3A_316] : memref<2x64x128xf32, #tpu.memory_space<vmem>> -> memref<1x64x128xf32, #tpu.memory_space<vmem>>
      %dma_wait3A_318 = tpu.memref_squeeze %dma_wait3A_317 : memref<1x64x128xf32, #tpu.memory_space<vmem>> -> memref<64x128xf32, #tpu.memory_space<vmem>>
      tpu.wait_dma2 semaphore(%run_scoped3A_294 : memref<!tpu.dma_semaphore, #tpu.memory_space<semaphore_mem>>) src(%dma_wait3A_318 : memref<64x128xf32, #tpu.memory_space<vmem>>) dst(%dma_wait3A_314 : memref<64x128xf32, #tpu.memory_space<vmem_shared>>)
      tpu.yield
    }) : () -> ()
    %add3A_20 = arith.constant 256 : i32
    %add3A_21 = arith.addi %mul3A_8, %add3A_20 : i32
    %run_scoped3A_22 = arith.constant 0 : i32
    "tpu.region"() ({
      %run_scoped3A_294 = tpu.sem_alloc : memref<!tpu.dma_semaphore, #tpu.memory_space<semaphore_mem>>
      %dma_start3A_295 = arith.constant 0 : i32
      %dma_start3A_296 = arith.constant 0 : i32
      %dma_start3A_297 = tpu.memref_slice %arg13[%run_scoped3A_22, %dma_start3A_295, %dma_start3A_296] : memref<2x64x128xf32, #tpu.memory_space<vmem>> -> memref<1x64x128xf32, #tpu.memory_space<vmem>>
      %dma_start3A_298 = tpu.memref_squeeze %dma_start3A_297 : memref<1x64x128xf32, #tpu.memory_space<vmem>> -> memref<64x128xf32, #tpu.memory_space<vmem>>
      %dma_start3A_299 = arith.constant 0 : i32
      %dma_start3A_300 = tpu.memref_slice %arg14[%add3A_21, %dma_start3A_299] : memref<10112x128xf32, #tpu.memory_space<vmem_shared>> -> memref<64x128xf32, #tpu.memory_space<vmem_shared>>
      %dma_start3A_301 = arith.constant 0 : i32
      %dma_start3A_302 = tpu.memref_slice %arg14[%add3A_21, %dma_start3A_301] : memref<10112x128xf32, #tpu.memory_space<vmem_shared>> -> memref<64x128xf32, #tpu.memory_space<vmem_shared>>
      %dma_start3A_303 = arith.constant 0 : i32
      %dma_start3A_304 = arith.constant 0 : i32
      %dma_start3A_305 = tpu.memref_slice %arg13[%run_scoped3A_22, %dma_start3A_303, %dma_start3A_304] : memref<2x64x128xf32, #tpu.memory_space<vmem>> -> memref<1x64x128xf32, #tpu.memory_space<vmem>>
      %dma_start3A_306 = tpu.memref_squeeze %dma_start3A_305 : memref<1x64x128xf32, #tpu.memory_space<vmem>> -> memref<64x128xf32, #tpu.memory_space<vmem>>
      tpu.enqueue_dma source(%dma_start3A_306 : memref<64x128xf32, #tpu.memory_space<vmem>>) target(%dma_start3A_302 : memref<64x128xf32, #tpu.memory_space<vmem_shared>>) target_semaphore(%run_scoped3A_294 : memref<!tpu.dma_semaphore, #tpu.memory_space<semaphore_mem>>)
      %dma_wait3A_307 = arith.constant 0 : i32
      %dma_wait3A_308 = arith.constant 0 : i32
      %dma_wait3A_309 = tpu.memref_slice %arg13[%run_scoped3A_22, %dma_wait3A_307, %dma_wait3A_308] : memref<2x64x128xf32, #tpu.memory_space<vmem>> -> memref<1x64x128xf32, #tpu.memory_space<vmem>>
      %dma_wait3A_310 = tpu.memref_squeeze %dma_wait3A_309 : memref<1x64x128xf32, #tpu.memory_space<vmem>> -> memref<64x128xf32, #tpu.memory_space<vmem>>
      %dma_wait3A_311 = arith.constant 0 : i32
      %dma_wait3A_312 = tpu.memref_slice %arg14[%add3A_21, %dma_wait3A_311] : memref<10112x128xf32, #tpu.memory_space<vmem_shared>> -> memref<64x128xf32, #tpu.memory_space<vmem_shared>>
      %dma_wait3A_313 = arith.constant 0 : i32
      %dma_wait3A_314 = tpu.memref_slice %arg14[%add3A_21, %dma_wait3A_313] : memref<10112x128xf32, #tpu.memory_space<vmem_shared>> -> memref<64x128xf32, #tpu.memory_space<vmem_shared>>
      %dma_wait3A_315 = arith.constant 0 : i32
      %dma_wait3A_316 = arith.constant 0 : i32
      %dma_wait3A_317 = tpu.memref_slice %arg13[%run_scoped3A_22, %dma_wait3A_315, %dma_wait3A_316] : memref<2x64x128xf32, #tpu.memory_space<vmem>> -> memref<1x64x128xf32, #tpu.memory_space<vmem>>
      %dma_wait3A_318 = tpu.memref_squeeze %dma_wait3A_317 : memref<1x64x128xf32, #tpu.memory_space<vmem>> -> memref<64x128xf32, #tpu.memory_space<vmem>>
      tpu.wait_dma2 semaphore(%run_scoped3A_294 : memref<!tpu.dma_semaphore, #tpu.memory_space<semaphore_mem>>) src(%dma_wait3A_318 : memref<64x128xf32, #tpu.memory_space<vmem>>) dst(%dma_wait3A_314 : memref<64x128xf32, #tpu.memory_space<vmem_shared>>)
      tpu.yield
    }) : () -> ()
    %add3A_23 = arith.constant 320 : i32
    %add3A_24 = arith.addi %mul3A_8, %add3A_23 : i32
    %run_scoped3A_25 = arith.constant 0 : i32
    "tpu.region"() ({
      %run_scoped3A_294 = tpu.sem_alloc : memref<!tpu.dma_semaphore, #tpu.memory_space<semaphore_mem>>
      %dma_start3A_295 = arith.constant 0 : i32
      %dma_start3A_296 = arith.constant 0 : i32
      %dma_start3A_297 = tpu.memref_slice %arg13[%run_scoped3A_25, %dma_start3A_295, %dma_start3A_296] : memref<2x64x128xf32, #tpu.memory_space<vmem>> -> memref<1x64x128xf32, #tpu.memory_space<vmem>>
      %dma_start3A_298 = tpu.memref_squeeze %dma_start3A_297 : memref<1x64x128xf32, #tpu.memory_space<vmem>> -> memref<64x128xf32, #tpu.memory_space<vmem>>
      %dma_start3A_299 = arith.constant 0 : i32
      %dma_start3A_300 = tpu.memref_slice %arg14[%add3A_24, %dma_start3A_299] : memref<10112x128xf32, #tpu.memory_space<vmem_shared>> -> memref<64x128xf32, #tpu.memory_space<vmem_shared>>
      %dma_start3A_301 = arith.constant 0 : i32
      %dma_start3A_302 = tpu.memref_slice %arg14[%add3A_24, %dma_start3A_301] : memref<10112x128xf32, #tpu.memory_space<vmem_shared>> -> memref<64x128xf32, #tpu.memory_space<vmem_shared>>
      %dma_start3A_303 = arith.constant 0 : i32
      %dma_start3A_304 = arith.constant 0 : i32
      %dma_start3A_305 = tpu.memref_slice %arg13[%run_scoped3A_25, %dma_start3A_303, %dma_start3A_304] : memref<2x64x128xf32, #tpu.memory_space<vmem>> -> memref<1x64x128xf32, #tpu.memory_space<vmem>>
      %dma_start3A_306 = tpu.memref_squeeze %dma_start3A_305 : memref<1x64x128xf32, #tpu.memory_space<vmem>> -> memref<64x128xf32, #tpu.memory_space<vmem>>
      tpu.enqueue_dma source(%dma_start3A_306 : memref<64x128xf32, #tpu.memory_space<vmem>>) target(%dma_start3A_302 : memref<64x128xf32, #tpu.memory_space<vmem_shared>>) target_semaphore(%run_scoped3A_294 : memref<!tpu.dma_semaphore, #tpu.memory_space<semaphore_mem>>)
      %dma_wait3A_307 = arith.constant 0 : i32
      %dma_wait3A_308 = arith.constant 0 : i32
      %dma_wait3A_309 = tpu.memref_slice %arg13[%run_scoped3A_25, %dma_wait3A_307, %dma_wait3A_308] : memref<2x64x128xf32, #tpu.memory_space<vmem>> -> memref<1x64x128xf32, #tpu.memory_space<vmem>>
      %dma_wait3A_310 = tpu.memref_squeeze %dma_wait3A_309 : memref<1x64x128xf32, #tpu.memory_space<vmem>> -> memref<64x128xf32, #tpu.memory_space<vmem>>
      %dma_wait3A_311 = arith.constant 0 : i32
      %dma_wait3A_312 = tpu.memref_slice %arg14[%add3A_24, %dma_wait3A_311] : memref<10112x128xf32, #tpu.memory_space<vmem_shared>> -> memref<64x128xf32, #tpu.memory_space<vmem_shared>>
      %dma_wait3A_313 = arith.constant 0 : i32
      %dma_wait3A_314 = tpu.memref_slice %arg14[%add3A_24, %dma_wait3A_313] : memref<10112x128xf32, #tpu.memory_space<vmem_shared>> -> memref<64x128xf32, #tpu.memory_space<vmem_shared>>
      %dma_wait3A_315 = arith.constant 0 : i32
      %dma_wait3A_316 = arith.constant 0 : i32
      %dma_wait3A_317 = tpu.memref_slice %arg13[%run_scoped3A_25, %dma_wait3A_315, %dma_wait3A_316] : memref<2x64x128xf32, #tpu.memory_space<vmem>> -> memref<1x64x128xf32, #tpu.memory_space<vmem>>
      %dma_wait3A_318 = tpu.memref_squeeze %dma_wait3A_317 : memref<1x64x128xf32, #tpu.memory_space<vmem>> -> memref<64x128xf32, #tpu.memory_space<vmem>>
      tpu.wait_dma2 semaphore(%run_scoped3A_294 : memref<!tpu.dma_semaphore, #tpu.memory_space<semaphore_mem>>) src(%dma_wait3A_318 : memref<64x128xf32, #tpu.memory_space<vmem>>) dst(%dma_wait3A_314 : memref<64x128xf32, #tpu.memory_space<vmem_shared>>)
      tpu.yield
    }) : () -> ()
    %add3A_26 = arith.constant 384 : i32
    %add3A_27 = arith.addi %mul3A_8, %add3A_26 : i32
    %run_scoped3A_28 = arith.constant 0 : i32
    "tpu.region"() ({
      %run_scoped3A_294 = tpu.sem_alloc : memref<!tpu.dma_semaphore, #tpu.memory_space<semaphore_mem>>
      %dma_start3A_295 = arith.constant 0 : i32
      %dma_start3A_296 = arith.constant 0 : i32
      %dma_start3A_297 = tpu.memref_slice %arg13[%run_scoped3A_28, %dma_start3A_295, %dma_start3A_296] : memref<2x64x128xf32, #tpu.memory_space<vmem>> -> memref<1x64x128xf32, #tpu.memory_space<vmem>>
      %dma_start3A_298 = tpu.memref_squeeze %dma_start3A_297 : memref<1x64x128xf32, #tpu.memory_space<vmem>> -> memref<64x128xf32, #tpu.memory_space<vmem>>
      %dma_start3A_299 = arith.constant 0 : i32
      %dma_start3A_300 = tpu.memref_slice %arg14[%add3A_27, %dma_start3A_299] : memref<10112x128xf32, #tpu.memory_space<vmem_shared>> -> memref<64x128xf32, #tpu.memory_space<vmem_shared>>
      %dma_start3A_301 = arith.constant 0 : i32
      %dma_start3A_302 = tpu.memref_slice %arg14[%add3A_27, %dma_start3A_301] : memref<10112x128xf32, #tpu.memory_space<vmem_shared>> -> memref<64x128xf32, #tpu.memory_space<vmem_shared>>
      %dma_start3A_303 = arith.constant 0 : i32
      %dma_start3A_304 = arith.constant 0 : i32
      %dma_start3A_305 = tpu.memref_slice %arg13[%run_scoped3A_28, %dma_start3A_303, %dma_start3A_304] : memref<2x64x128xf32, #tpu.memory_space<vmem>> -> memref<1x64x128xf32, #tpu.memory_space<vmem>>
      %dma_start3A_306 = tpu.memref_squeeze %dma_start3A_305 : memref<1x64x128xf32, #tpu.memory_space<vmem>> -> memref<64x128xf32, #tpu.memory_space<vmem>>
      tpu.enqueue_dma source(%dma_start3A_306 : memref<64x128xf32, #tpu.memory_space<vmem>>) target(%dma_start3A_302 : memref<64x128xf32, #tpu.memory_space<vmem_shared>>) target_semaphore(%run_scoped3A_294 : memref<!tpu.dma_semaphore, #tpu.memory_space<semaphore_mem>>)
      %dma_wait3A_307 = arith.constant 0 : i32
      %dma_wait3A_308 = arith.constant 0 : i32
      %dma_wait3A_309 = tpu.memref_slice %arg13[%run_scoped3A_28, %dma_wait3A_307, %dma_wait3A_308] : memref<2x64x128xf32, #tpu.memory_space<vmem>> -> memref<1x64x128xf32, #tpu.memory_space<vmem>>
      %dma_wait3A_310 = tpu.memref_squeeze %dma_wait3A_309 : memref<1x64x128xf32, #tpu.memory_space<vmem>> -> memref<64x128xf32, #tpu.memory_space<vmem>>
      %dma_wait3A_311 = arith.constant 0 : i32
      %dma_wait3A_312 = tpu.memref_slice %arg14[%add3A_27, %dma_wait3A_311] : memref<10112x128xf32, #tpu.memory_space<vmem_shared>> -> memref<64x128xf32, #tpu.memory_space<vmem_shared>>
      %dma_wait3A_313 = arith.constant 0 : i32
      %dma_wait3A_314 = tpu.memref_slice %arg14[%add3A_27, %dma_wait3A_313] : memref<10112x128xf32, #tpu.memory_space<vmem_shared>> -> memref<64x128xf32, #tpu.memory_space<vmem_shared>>
      %dma_wait3A_315 = arith.constant 0 : i32
      %dma_wait3A_316 = arith.constant 0 : i32
      %dma_wait3A_317 = tpu.memref_slice %arg13[%run_scoped3A_28, %dma_wait3A_315, %dma_wait3A_316] : memref<2x64x128xf32, #tpu.memory_space<vmem>> -> memref<1x64x128xf32, #tpu.memory_space<vmem>>
      %dma_wait3A_318 = tpu.memref_squeeze %dma_wait3A_317 : memref<1x64x128xf32, #tpu.memory_space<vmem>> -> memref<64x128xf32, #tpu.memory_space<vmem>>
      tpu.wait_dma2 semaphore(%run_scoped3A_294 : memref<!tpu.dma_semaphore, #tpu.memory_space<semaphore_mem>>) src(%dma_wait3A_318 : memref<64x128xf32, #tpu.memory_space<vmem>>) dst(%dma_wait3A_314 : memref<64x128xf32, #tpu.memory_space<vmem_shared>>)
      tpu.yield
    }) : () -> ()
    %add3A_29 = arith.constant 448 : i32
    %add3A_30 = arith.addi %mul3A_8, %add3A_29 : i32
    %run_scoped3A_31 = arith.constant 0 : i32
    "tpu.region"() ({
      %run_scoped3A_294 = tpu.sem_alloc : memref<!tpu.dma_semaphore, #tpu.memory_space<semaphore_mem>>
      %dma_start3A_295 = arith.constant 0 : i32
      %dma_start3A_296 = arith.constant 0 : i32
      %dma_start3A_297 = tpu.memref_slice %arg13[%run_scoped3A_31, %dma_start3A_295, %dma_start3A_296] : memref<2x64x128xf32, #tpu.memory_space<vmem>> -> memref<1x64x128xf32, #tpu.memory_space<vmem>>
      %dma_start3A_298 = tpu.memref_squeeze %dma_start3A_297 : memref<1x64x128xf32, #tpu.memory_space<vmem>> -> memref<64x128xf32, #tpu.memory_space<vmem>>
      %dma_start3A_299 = arith.constant 0 : i32
      %dma_start3A_300 = tpu.memref_slice %arg14[%add3A_30, %dma_start3A_299] : memref<10112x128xf32, #tpu.memory_space<vmem_shared>> -> memref<64x128xf32, #tpu.memory_space<vmem_shared>>
      %dma_start3A_301 = arith.constant 0 : i32
      %dma_start3A_302 = tpu.memref_slice %arg14[%add3A_30, %dma_start3A_301] : memref<10112x128xf32, #tpu.memory_space<vmem_shared>> -> memref<64x128xf32, #tpu.memory_space<vmem_shared>>
      %dma_start3A_303 = arith.constant 0 : i32
      %dma_start3A_304 = arith.constant 0 : i32
      %dma_start3A_305 = tpu.memref_slice %arg13[%run_scoped3A_31, %dma_start3A_303, %dma_start3A_304] : memref<2x64x128xf32, #tpu.memory_space<vmem>> -> memref<1x64x128xf32, #tpu.memory_space<vmem>>
      %dma_start3A_306 = tpu.memref_squeeze %dma_start3A_305 : memref<1x64x128xf32, #tpu.memory_space<vmem>> -> memref<64x128xf32, #tpu.memory_space<vmem>>
      tpu.enqueue_dma source(%dma_start3A_306 : memref<64x128xf32, #tpu.memory_space<vmem>>) target(%dma_start3A_302 : memref<64x128xf32, #tpu.memory_space<vmem_shared>>) target_semaphore(%run_scoped3A_294 : memref<!tpu.dma_semaphore, #tpu.memory_space<semaphore_mem>>)
      %dma_wait3A_307 = arith.constant 0 : i32
      %dma_wait3A_308 = arith.constant 0 : i32
      %dma_wait3A_309 = tpu.memref_slice %arg13[%run_scoped3A_31, %dma_wait3A_307, %dma_wait3A_308] : memref<2x64x128xf32, #tpu.memory_space<vmem>> -> memref<1x64x128xf32, #tpu.memory_space<vmem>>
      %dma_wait3A_310 = tpu.memref_squeeze %dma_wait3A_309 : memref<1x64x128xf32, #tpu.memory_space<vmem>> -> memref<64x128xf32, #tpu.memory_space<vmem>>
      %dma_wait3A_311 = arith.constant 0 : i32
      %dma_wait3A_312 = tpu.memref_slice %arg14[%add3A_30, %dma_wait3A_311] : memref<10112x128xf32, #tpu.memory_space<vmem_shared>> -> memref<64x128xf32, #tpu.memory_space<vmem_shared>>
      %dma_wait3A_313 = arith.constant 0 : i32
      %dma_wait3A_314 = tpu.memref_slice %arg14[%add3A_30, %dma_wait3A_313] : memref<10112x128xf32, #tpu.memory_space<vmem_shared>> -> memref<64x128xf32, #tpu.memory_space<vmem_shared>>
      %dma_wait3A_315 = arith.constant 0 : i32
      %dma_wait3A_316 = arith.constant 0 : i32
      %dma_wait3A_317 = tpu.memref_slice %arg13[%run_scoped3A_31, %dma_wait3A_315, %dma_wait3A_316] : memref<2x64x128xf32, #tpu.memory_space<vmem>> -> memref<1x64x128xf32, #tpu.memory_space<vmem>>
      %dma_wait3A_318 = tpu.memref_squeeze %dma_wait3A_317 : memref<1x64x128xf32, #tpu.memory_space<vmem>> -> memref<64x128xf32, #tpu.memory_space<vmem>>
      tpu.wait_dma2 semaphore(%run_scoped3A_294 : memref<!tpu.dma_semaphore, #tpu.memory_space<semaphore_mem>>) src(%dma_wait3A_318 : memref<64x128xf32, #tpu.memory_space<vmem>>) dst(%dma_wait3A_314 : memref<64x128xf32, #tpu.memory_space<vmem_shared>>)
      tpu.yield
    }) : () -> ()
    %add3A_32 = arith.constant 512 : i32
    %add3A_33 = arith.addi %mul3A_8, %add3A_32 : i32
    %run_scoped3A_34 = arith.constant 0 : i32
    "tpu.region"() ({
      %run_scoped3A_294 = tpu.sem_alloc : memref<!tpu.dma_semaphore, #tpu.memory_space<semaphore_mem>>
      %dma_start3A_295 = arith.constant 0 : i32
      %dma_start3A_296 = arith.constant 0 : i32
      %dma_start3A_297 = tpu.memref_slice %arg13[%run_scoped3A_34, %dma_start3A_295, %dma_start3A_296] : memref<2x64x128xf32, #tpu.memory_space<vmem>> -> memref<1x64x128xf32, #tpu.memory_space<vmem>>
      %dma_start3A_298 = tpu.memref_squeeze %dma_start3A_297 : memref<1x64x128xf32, #tpu.memory_space<vmem>> -> memref<64x128xf32, #tpu.memory_space<vmem>>
      %dma_start3A_299 = arith.constant 0 : i32
      %dma_start3A_300 = tpu.memref_slice %arg14[%add3A_33, %dma_start3A_299] : memref<10112x128xf32, #tpu.memory_space<vmem_shared>> -> memref<64x128xf32, #tpu.memory_space<vmem_shared>>
      %dma_start3A_301 = arith.constant 0 : i32
      %dma_start3A_302 = tpu.memref_slice %arg14[%add3A_33, %dma_start3A_301] : memref<10112x128xf32, #tpu.memory_space<vmem_shared>> -> memref<64x128xf32, #tpu.memory_space<vmem_shared>>
      %dma_start3A_303 = arith.constant 0 : i32
      %dma_start3A_304 = arith.constant 0 : i32
      %dma_start3A_305 = tpu.memref_slice %arg13[%run_scoped3A_34, %dma_start3A_303, %dma_start3A_304] : memref<2x64x128xf32, #tpu.memory_space<vmem>> -> memref<1x64x128xf32, #tpu.memory_space<vmem>>
      %dma_start3A_306 = tpu.memref_squeeze %dma_start3A_305 : memref<1x64x128xf32, #tpu.memory_space<vmem>> -> memref<64x128xf32, #tpu.memory_space<vmem>>
      tpu.enqueue_dma source(%dma_start3A_306 : memref<64x128xf32, #tpu.memory_space<vmem>>) target(%dma_start3A_302 : memref<64x128xf32, #tpu.memory_space<vmem_shared>>) target_semaphore(%run_scoped3A_294 : memref<!tpu.dma_semaphore, #tpu.memory_space<semaphore_mem>>)
      %dma_wait3A_307 = arith.constant 0 : i32
      %dma_wait3A_308 = arith.constant 0 : i32
      %dma_wait3A_309 = tpu.memref_slice %arg13[%run_scoped3A_34, %dma_wait3A_307, %dma_wait3A_308] : memref<2x64x128xf32, #tpu.memory_space<vmem>> -> memref<1x64x128xf32, #tpu.memory_space<vmem>>
      %dma_wait3A_310 = tpu.memref_squeeze %dma_wait3A_309 : memref<1x64x128xf32, #tpu.memory_space<vmem>> -> memref<64x128xf32, #tpu.memory_space<vmem>>
      %dma_wait3A_311 = arith.constant 0 : i32
      %dma_wait3A_312 = tpu.memref_slice %arg14[%add3A_33, %dma_wait3A_311] : memref<10112x128xf32, #tpu.memory_space<vmem_shared>> -> memref<64x128xf32, #tpu.memory_space<vmem_shared>>
      %dma_wait3A_313 = arith.constant 0 : i32
      %dma_wait3A_314 = tpu.memref_slice %arg14[%add3A_33, %dma_wait3A_313] : memref<10112x128xf32, #tpu.memory_space<vmem_shared>> -> memref<64x128xf32, #tpu.memory_space<vmem_shared>>
      %dma_wait3A_315 = arith.constant 0 : i32
      %dma_wait3A_316 = arith.constant 0 : i32
      %dma_wait3A_317 = tpu.memref_slice %arg13[%run_scoped3A_34, %dma_wait3A_315, %dma_wait3A_316] : memref<2x64x128xf32, #tpu.memory_space<vmem>> -> memref<1x64x128xf32, #tpu.memory_space<vmem>>
      %dma_wait3A_318 = tpu.memref_squeeze %dma_wait3A_317 : memref<1x64x128xf32, #tpu.memory_space<vmem>> -> memref<64x128xf32, #tpu.memory_space<vmem>>
      tpu.wait_dma2 semaphore(%run_scoped3A_294 : memref<!tpu.dma_semaphore, #tpu.memory_space<semaphore_mem>>) src(%dma_wait3A_318 : memref<64x128xf32, #tpu.memory_space<vmem>>) dst(%dma_wait3A_314 : memref<64x128xf32, #tpu.memory_space<vmem_shared>>)
      tpu.yield
    }) : () -> ()
    %add3A_35 = arith.constant 576 : i32
    %add3A_36 = arith.addi %mul3A_8, %add3A_35 : i32
    %run_scoped3A_37 = arith.constant 0 : i32
    "tpu.region"() ({
      %run_scoped3A_294 = tpu.sem_alloc : memref<!tpu.dma_semaphore, #tpu.memory_space<semaphore_mem>>
      %dma_start3A_295 = arith.constant 0 : i32
      %dma_start3A_296 = arith.constant 0 : i32
      %dma_start3A_297 = tpu.memref_slice %arg13[%run_scoped3A_37, %dma_start3A_295, %dma_start3A_296] : memref<2x64x128xf32, #tpu.memory_space<vmem>> -> memref<1x56x128xf32, #tpu.memory_space<vmem>>
      %dma_start3A_298 = tpu.memref_squeeze %dma_start3A_297 : memref<1x56x128xf32, #tpu.memory_space<vmem>> -> memref<56x128xf32, #tpu.memory_space<vmem>>
      %dma_start3A_299 = arith.constant 0 : i32
      %dma_start3A_300 = tpu.memref_slice %arg14[%add3A_36, %dma_start3A_299] : memref<10112x128xf32, #tpu.memory_space<vmem_shared>> -> memref<56x128xf32, #tpu.memory_space<vmem_shared>>
      %dma_start3A_301 = arith.constant 0 : i32
      %dma_start3A_302 = tpu.memref_slice %arg14[%add3A_36, %dma_start3A_301] : memref<10112x128xf32, #tpu.memory_space<vmem_shared>> -> memref<56x128xf32, #tpu.memory_space<vmem_shared>>
      %dma_start3A_303 = arith.constant 0 : i32
      %dma_start3A_304 = arith.constant 0 : i32
      %dma_start3A_305 = tpu.memref_slice %arg13[%run_scoped3A_37, %dma_start3A_303, %dma_start3A_304] : memref<2x64x128xf32, #tpu.memory_space<vmem>> -> memref<1x56x128xf32, #tpu.memory_space<vmem>>
      %dma_start3A_306 = tpu.memref_squeeze %dma_start3A_305 : memref<1x56x128xf32, #tpu.memory_space<vmem>> -> memref<56x128xf32, #tpu.memory_space<vmem>>
      tpu.enqueue_dma source(%dma_start3A_306 : memref<56x128xf32, #tpu.memory_space<vmem>>) target(%dma_start3A_302 : memref<56x128xf32, #tpu.memory_space<vmem_shared>>) target_semaphore(%run_scoped3A_294 : memref<!tpu.dma_semaphore, #tpu.memory_space<semaphore_mem>>)
      %dma_wait3A_307 = arith.constant 0 : i32
      %dma_wait3A_308 = arith.constant 0 : i32
      %dma_wait3A_309 = tpu.memref_slice %arg13[%run_scoped3A_37, %dma_wait3A_307, %dma_wait3A_308] : memref<2x64x128xf32, #tpu.memory_space<vmem>> -> memref<1x56x128xf32, #tpu.memory_space<vmem>>
      %dma_wait3A_310 = tpu.memref_squeeze %dma_wait3A_309 : memref<1x56x128xf32, #tpu.memory_space<vmem>> -> memref<56x128xf32, #tpu.memory_space<vmem>>
      %dma_wait3A_311 = arith.constant 0 : i32
      %dma_wait3A_312 = tpu.memref_slice %arg14[%add3A_36, %dma_wait3A_311] : memref<10112x128xf32, #tpu.memory_space<vmem_shared>> -> memref<56x128xf32, #tpu.memory_space<vmem_shared>>
      %dma_wait3A_313 = arith.constant 0 : i32
      %dma_wait3A_314 = tpu.memref_slice %arg14[%add3A_36, %dma_wait3A_313] : memref<10112x128xf32, #tpu.memory_space<vmem_shared>> -> memref<56x128xf32, #tpu.memory_space<vmem_shared>>
      %dma_wait3A_315 = arith.constant 0 : i32
      %dma_wait3A_316 = arith.constant 0 : i32
      %dma_wait3A_317 = tpu.memref_slice %arg13[%run_scoped3A_37, %dma_wait3A_315, %dma_wait3A_316] : memref<2x64x128xf32, #tpu.memory_space<vmem>> -> memref<1x56x128xf32, #tpu.memory_space<vmem>>
      %dma_wait3A_318 = tpu.memref_squeeze %dma_wait3A_317 : memref<1x56x128xf32, #tpu.memory_space<vmem>> -> memref<56x128xf32, #tpu.memory_space<vmem>>
      tpu.wait_dma2 semaphore(%run_scoped3A_294 : memref<!tpu.dma_semaphore, #tpu.memory_space<semaphore_mem>>) src(%dma_wait3A_318 : memref<56x128xf32, #tpu.memory_space<vmem>>) dst(%dma_wait3A_314 : memref<56x128xf32, #tpu.memory_space<vmem_shared>>)
      tpu.yield
    }) : () -> ()
    %barrier3A = arith.constant 0 : index
    tpu.barrier barrier_id(%barrier3A)
    %run_scoped3A_38 = arith.constant 0 : i32
    "tpu.region"() ({
      %run_scoped3A_294 = tpu.sem_alloc : memref<!tpu.dma_semaphore, #tpu.memory_space<semaphore_mem>>
      %dma_start3A_295 = arith.constant 0 : i32
      %dma_start3A_296 = arith.constant 0 : i32
      %dma_start3A_297 = tpu.memref_slice %arg7[%run_scoped3A_38, %dma_start3A_295, %dma_start3A_296] : memref<2x16x128xi32, #tpu.memory_space<vmem>> -> memref<1x16x128xi32, #tpu.memory_space<vmem>>
      %dma_start3A_298 = tpu.memref_squeeze %dma_start3A_297 : memref<1x16x128xi32, #tpu.memory_space<vmem>> -> memref<16x128xi32, #tpu.memory_space<vmem>>
      %dma_start3A_299 = arith.constant 0 : i32
      %dma_start3A_300 = arith.constant 0 : i32
      %dma_start3A_301 = tpu.memref_slice %arg2[%add3A, %dma_start3A_299, %dma_start3A_300] : memref<32x80x128xi32, #tpu.memory_space<hbm>> -> memref<1x16x128xi32, #tpu.memory_space<hbm>>
      %dma_start3A_302 = tpu.memref_squeeze %dma_start3A_301 : memref<1x16x128xi32, #tpu.memory_space<hbm>> -> memref<16x128xi32, #tpu.memory_space<hbm>>
      %dma_start3A_303 = arith.constant 0 : i32
      %dma_start3A_304 = arith.constant 0 : i32
      %dma_start3A_305 = tpu.memref_slice %arg7[%run_scoped3A_38, %dma_start3A_303, %dma_start3A_304] : memref<2x16x128xi32, #tpu.memory_space<vmem>> -> memref<1x16x128xi32, #tpu.memory_space<vmem>>
      %dma_start3A_306 = tpu.memref_squeeze %dma_start3A_305 : memref<1x16x128xi32, #tpu.memory_space<vmem>> -> memref<16x128xi32, #tpu.memory_space<vmem>>
      %dma_start3A_307 = arith.constant 0 : i32
      %dma_start3A_308 = arith.constant 0 : i32
      %dma_start3A_309 = tpu.memref_slice %arg2[%add3A, %dma_start3A_307, %dma_start3A_308] : memref<32x80x128xi32, #tpu.memory_space<hbm>> -> memref<1x16x128xi32, #tpu.memory_space<hbm>>
      %dma_start3A_310 = tpu.memref_squeeze %dma_start3A_309 : memref<1x16x128xi32, #tpu.memory_space<hbm>> -> memref<16x128xi32, #tpu.memory_space<hbm>>
      tpu.enqueue_dma source(%dma_start3A_310 : memref<16x128xi32, #tpu.memory_space<hbm>>) target(%dma_start3A_306 : memref<16x128xi32, #tpu.memory_space<vmem>>) target_semaphore(%run_scoped3A_294 : memref<!tpu.dma_semaphore, #tpu.memory_space<semaphore_mem>>)
      %dma_wait3A_311 = arith.constant 0 : i32
      %dma_wait3A_312 = arith.constant 0 : i32
      %dma_wait3A_313 = tpu.memref_slice %arg7[%run_scoped3A_38, %dma_wait3A_311, %dma_wait3A_312] : memref<2x16x128xi32, #tpu.memory_space<vmem>> -> memref<1x16x128xi32, #tpu.memory_space<vmem>>
      %dma_wait3A_314 = tpu.memref_squeeze %dma_wait3A_313 : memref<1x16x128xi32, #tpu.memory_space<vmem>> -> memref<16x128xi32, #tpu.memory_space<vmem>>
      %dma_wait3A_315 = arith.constant 0 : i32
      %dma_wait3A_316 = arith.constant 0 : i32
      %dma_wait3A_317 = tpu.memref_slice %arg2[%add3A, %dma_wait3A_315, %dma_wait3A_316] : memref<32x80x128xi32, #tpu.memory_space<hbm>> -> memref<1x16x128xi32, #tpu.memory_space<hbm>>
      %dma_wait3A_318 = tpu.memref_squeeze %dma_wait3A_317 : memref<1x16x128xi32, #tpu.memory_space<hbm>> -> memref<16x128xi32, #tpu.memory_space<hbm>>
      %dma_wait3A_319 = arith.constant 0 : i32
      %dma_wait3A_320 = arith.constant 0 : i32
      %dma_wait3A_321 = tpu.memref_slice %arg7[%run_scoped3A_38, %dma_wait3A_319, %dma_wait3A_320] : memref<2x16x128xi32, #tpu.memory_space<vmem>> -> memref<1x16x128xi32, #tpu.memory_space<vmem>>
      %dma_wait3A_322 = tpu.memref_squeeze %dma_wait3A_321 : memref<1x16x128xi32, #tpu.memory_space<vmem>> -> memref<16x128xi32, #tpu.memory_space<vmem>>
      %dma_wait3A_323 = arith.constant 0 : i32
      %dma_wait3A_324 = arith.constant 0 : i32
      %dma_wait3A_325 = tpu.memref_slice %arg2[%add3A, %dma_wait3A_323, %dma_wait3A_324] : memref<32x80x128xi32, #tpu.memory_space<hbm>> -> memref<1x16x128xi32, #tpu.memory_space<hbm>>
      %dma_wait3A_326 = tpu.memref_squeeze %dma_wait3A_325 : memref<1x16x128xi32, #tpu.memory_space<hbm>> -> memref<16x128xi32, #tpu.memory_space<hbm>>
      tpu.wait_dma2 semaphore(%run_scoped3A_294 : memref<!tpu.dma_semaphore, #tpu.memory_space<semaphore_mem>>) src(%dma_wait3A_326 : memref<16x128xi32, #tpu.memory_space<hbm>>) dst(%dma_wait3A_322 : memref<16x128xi32, #tpu.memory_space<vmem>>)
      tpu.yield
    }) : () -> ()
    %run_scoped3A_39 = arith.constant 0 : i32
    "tpu.region"() ({
      %run_scoped3A_294 = tpu.sem_alloc : memref<!tpu.dma_semaphore, #tpu.memory_space<semaphore_mem>>
      %dma_start3A_295 = arith.constant 0 : i32
      %dma_start3A_296 = arith.constant 0 : i32
      %dma_start3A_297 = tpu.memref_slice %arg8[%run_scoped3A_39, %dma_start3A_295, %dma_start3A_296] : memref<2x16x128xi32, #tpu.memory_space<vmem>> -> memref<1x16x128xi32, #tpu.memory_space<vmem>>
      %dma_start3A_298 = tpu.memref_squeeze %dma_start3A_297 : memref<1x16x128xi32, #tpu.memory_space<vmem>> -> memref<16x128xi32, #tpu.memory_space<vmem>>
      %dma_start3A_299 = arith.constant 0 : i32
      %dma_start3A_300 = arith.constant 0 : i32
      %dma_start3A_301 = tpu.memref_slice %arg3[%add3A, %dma_start3A_299, %dma_start3A_300] : memref<32x80x128xi32, #tpu.memory_space<hbm>> -> memref<1x16x128xi32, #tpu.memory_space<hbm>>
      %dma_start3A_302 = tpu.memref_squeeze %dma_start3A_301 : memref<1x16x128xi32, #tpu.memory_space<hbm>> -> memref<16x128xi32, #tpu.memory_space<hbm>>
      %dma_start3A_303 = arith.constant 0 : i32
      %dma_start3A_304 = arith.constant 0 : i32
      %dma_start3A_305 = tpu.memref_slice %arg8[%run_scoped3A_39, %dma_start3A_303, %dma_start3A_304] : memref<2x16x128xi32, #tpu.memory_space<vmem>> -> memref<1x16x128xi32, #tpu.memory_space<vmem>>
      %dma_start3A_306 = tpu.memref_squeeze %dma_start3A_305 : memref<1x16x128xi32, #tpu.memory_space<vmem>> -> memref<16x128xi32, #tpu.memory_space<vmem>>
      %dma_start3A_307 = arith.constant 0 : i32
      %dma_start3A_308 = arith.constant 0 : i32
      %dma_start3A_309 = tpu.memref_slice %arg3[%add3A, %dma_start3A_307, %dma_start3A_308] : memref<32x80x128xi32, #tpu.memory_space<hbm>> -> memref<1x16x128xi32, #tpu.memory_space<hbm>>
      %dma_start3A_310 = tpu.memref_squeeze %dma_start3A_309 : memref<1x16x128xi32, #tpu.memory_space<hbm>> -> memref<16x128xi32, #tpu.memory_space<hbm>>
      tpu.enqueue_dma source(%dma_start3A_310 : memref<16x128xi32, #tpu.memory_space<hbm>>) target(%dma_start3A_306 : memref<16x128xi32, #tpu.memory_space<vmem>>) target_semaphore(%run_scoped3A_294 : memref<!tpu.dma_semaphore, #tpu.memory_space<semaphore_mem>>)
      %dma_wait3A_311 = arith.constant 0 : i32
      %dma_wait3A_312 = arith.constant 0 : i32
      %dma_wait3A_313 = tpu.memref_slice %arg8[%run_scoped3A_39, %dma_wait3A_311, %dma_wait3A_312] : memref<2x16x128xi32, #tpu.memory_space<vmem>> -> memref<1x16x128xi32, #tpu.memory_space<vmem>>
      %dma_wait3A_314 = tpu.memref_squeeze %dma_wait3A_313 : memref<1x16x128xi32, #tpu.memory_space<vmem>> -> memref<16x128xi32, #tpu.memory_space<vmem>>
      %dma_wait3A_315 = arith.constant 0 : i32
      %dma_wait3A_316 = arith.constant 0 : i32
      %dma_wait3A_317 = tpu.memref_slice %arg3[%add3A, %dma_wait3A_315, %dma_wait3A_316] : memref<32x80x128xi32, #tpu.memory_space<hbm>> -> memref<1x16x128xi32, #tpu.memory_space<hbm>>
      %dma_wait3A_318 = tpu.memref_squeeze %dma_wait3A_317 : memref<1x16x128xi32, #tpu.memory_space<hbm>> -> memref<16x128xi32, #tpu.memory_space<hbm>>
      %dma_wait3A_319 = arith.constant 0 : i32
      %dma_wait3A_320 = arith.constant 0 : i32
      %dma_wait3A_321 = tpu.memref_slice %arg8[%run_scoped3A_39, %dma_wait3A_319, %dma_wait3A_320] : memref<2x16x128xi32, #tpu.memory_space<vmem>> -> memref<1x16x128xi32, #tpu.memory_space<vmem>>
      %dma_wait3A_322 = tpu.memref_squeeze %dma_wait3A_321 : memref<1x16x128xi32, #tpu.memory_space<vmem>> -> memref<16x128xi32, #tpu.memory_space<vmem>>
      %dma_wait3A_323 = arith.constant 0 : i32
      %dma_wait3A_324 = arith.constant 0 : i32
      %dma_wait3A_325 = tpu.memref_slice %arg3[%add3A, %dma_wait3A_323, %dma_wait3A_324] : memref<32x80x128xi32, #tpu.memory_space<hbm>> -> memref<1x16x128xi32, #tpu.memory_space<hbm>>
      %dma_wait3A_326 = tpu.memref_squeeze %dma_wait3A_325 : memref<1x16x128xi32, #tpu.memory_space<hbm>> -> memref<16x128xi32, #tpu.memory_space<hbm>>
      tpu.wait_dma2 semaphore(%run_scoped3A_294 : memref<!tpu.dma_semaphore, #tpu.memory_space<semaphore_mem>>) src(%dma_wait3A_326 : memref<16x128xi32, #tpu.memory_space<hbm>>) dst(%dma_wait3A_322 : memref<16x128xi32, #tpu.memory_space<vmem>>)
      tpu.yield
    }) : () -> ()
    %run_scoped3A_40 = arith.constant 0 : i32
    "tpu.region"() ({
      %run_scoped3A_294 = tpu.sem_alloc : memref<!tpu.dma_semaphore, #tpu.memory_space<semaphore_mem>>
      %dma_start3A_295 = arith.constant 0 : i32
      %dma_start3A_296 = arith.constant 0 : i32
      %dma_start3A_297 = tpu.memref_slice %arg9[%run_scoped3A_40, %dma_start3A_295, %dma_start3A_296] : memref<2x16x128xf32, #tpu.memory_space<vmem>> -> memref<1x16x128xf32, #tpu.memory_space<vmem>>
      %dma_start3A_298 = tpu.memref_squeeze %dma_start3A_297 : memref<1x16x128xf32, #tpu.memory_space<vmem>> -> memref<16x128xf32, #tpu.memory_space<vmem>>
      %dma_start3A_299 = arith.constant 0 : i32
      %dma_start3A_300 = arith.constant 0 : i32
      %dma_start3A_301 = tpu.memref_slice %arg4[%add3A, %dma_start3A_299, %dma_start3A_300] : memref<32x80x128xf32, #tpu.memory_space<hbm>> -> memref<1x16x128xf32, #tpu.memory_space<hbm>>
      %dma_start3A_302 = tpu.memref_squeeze %dma_start3A_301 : memref<1x16x128xf32, #tpu.memory_space<hbm>> -> memref<16x128xf32, #tpu.memory_space<hbm>>
      %dma_start3A_303 = arith.constant 0 : i32
      %dma_start3A_304 = arith.constant 0 : i32
      %dma_start3A_305 = tpu.memref_slice %arg9[%run_scoped3A_40, %dma_start3A_303, %dma_start3A_304] : memref<2x16x128xf32, #tpu.memory_space<vmem>> -> memref<1x16x128xf32, #tpu.memory_space<vmem>>
      %dma_start3A_306 = tpu.memref_squeeze %dma_start3A_305 : memref<1x16x128xf32, #tpu.memory_space<vmem>> -> memref<16x128xf32, #tpu.memory_space<vmem>>
      %dma_start3A_307 = arith.constant 0 : i32
      %dma_start3A_308 = arith.constant 0 : i32
      %dma_start3A_309 = tpu.memref_slice %arg4[%add3A, %dma_start3A_307, %dma_start3A_308] : memref<32x80x128xf32, #tpu.memory_space<hbm>> -> memref<1x16x128xf32, #tpu.memory_space<hbm>>
      %dma_start3A_310 = tpu.memref_squeeze %dma_start3A_309 : memref<1x16x128xf32, #tpu.memory_space<hbm>> -> memref<16x128xf32, #tpu.memory_space<hbm>>
      tpu.enqueue_dma source(%dma_start3A_310 : memref<16x128xf32, #tpu.memory_space<hbm>>) target(%dma_start3A_306 : memref<16x128xf32, #tpu.memory_space<vmem>>) target_semaphore(%run_scoped3A_294 : memref<!tpu.dma_semaphore, #tpu.memory_space<semaphore_mem>>)
      %dma_wait3A_311 = arith.constant 0 : i32
      %dma_wait3A_312 = arith.constant 0 : i32
      %dma_wait3A_313 = tpu.memref_slice %arg9[%run_scoped3A_40, %dma_wait3A_311, %dma_wait3A_312] : memref<2x16x128xf32, #tpu.memory_space<vmem>> -> memref<1x16x128xf32, #tpu.memory_space<vmem>>
      %dma_wait3A_314 = tpu.memref_squeeze %dma_wait3A_313 : memref<1x16x128xf32, #tpu.memory_space<vmem>> -> memref<16x128xf32, #tpu.memory_space<vmem>>
      %dma_wait3A_315 = arith.constant 0 : i32
      %dma_wait3A_316 = arith.constant 0 : i32
      %dma_wait3A_317 = tpu.memref_slice %arg4[%add3A, %dma_wait3A_315, %dma_wait3A_316] : memref<32x80x128xf32, #tpu.memory_space<hbm>> -> memref<1x16x128xf32, #tpu.memory_space<hbm>>
      %dma_wait3A_318 = tpu.memref_squeeze %dma_wait3A_317 : memref<1x16x128xf32, #tpu.memory_space<hbm>> -> memref<16x128xf32, #tpu.memory_space<hbm>>
      %dma_wait3A_319 = arith.constant 0 : i32
      %dma_wait3A_320 = arith.constant 0 : i32
      %dma_wait3A_321 = tpu.memref_slice %arg9[%run_scoped3A_40, %dma_wait3A_319, %dma_wait3A_320] : memref<2x16x128xf32, #tpu.memory_space<vmem>> -> memref<1x16x128xf32, #tpu.memory_space<vmem>>
      %dma_wait3A_322 = tpu.memref_squeeze %dma_wait3A_321 : memref<1x16x128xf32, #tpu.memory_space<vmem>> -> memref<16x128xf32, #tpu.memory_space<vmem>>
      %dma_wait3A_323 = arith.constant 0 : i32
      %dma_wait3A_324 = arith.constant 0 : i32
      %dma_wait3A_325 = tpu.memref_slice %arg4[%add3A, %dma_wait3A_323, %dma_wait3A_324] : memref<32x80x128xf32, #tpu.memory_space<hbm>> -> memref<1x16x128xf32, #tpu.memory_space<hbm>>
      %dma_wait3A_326 = tpu.memref_squeeze %dma_wait3A_325 : memref<1x16x128xf32, #tpu.memory_space<hbm>> -> memref<16x128xf32, #tpu.memory_space<hbm>>
      tpu.wait_dma2 semaphore(%run_scoped3A_294 : memref<!tpu.dma_semaphore, #tpu.memory_space<semaphore_mem>>) src(%dma_wait3A_326 : memref<16x128xf32, #tpu.memory_space<hbm>>) dst(%dma_wait3A_322 : memref<16x128xf32, #tpu.memory_space<vmem>>)
      tpu.yield
    }) : () -> ()
    %get3A = arith.constant 0 : i32
    %get3A_41 = arith.constant 0 : i32
    %get3A_42 = arith.index_cast %get3A : i32 to index
    %get3A_43 = arith.index_cast %get3A_41 : i32 to index
    %get3A_44 = arith.constant 0 : index
    %get3A_45 = tpu.vector_load %arg7[%get3A_42, %get3A_43, %get3A_44] {strides = array<i32>} : memref<2x16x128xi32, #tpu.memory_space<vmem>>, vector<16xi32>,
    %swap3A = arith.constant 0 : i32
    %swap3A_46 = arith.index_cast %swap3A : i32 to index
    %swap3A_47 = arith.constant 0 : index
    %swap3A_48 = tpu.vector_load %arg10[%swap3A_46, %swap3A_47] {strides = array<i32>} : memref<4x64xi32, #tpu.memory_space<vmem>>, vector<16xi32>,
    tpu.vector_store %arg10[%swap3A_46, %swap3A_47], %get3A_45 {strides = array<i32>} : memref<4x64xi32, #tpu.memory_space<vmem>>, vector<16xi32>,
    %get3A_49 = arith.constant 0 : i32
    %get3A_50 = arith.constant 0 : i32
    %get3A_51 = arith.index_cast %get3A_49 : i32 to index
    %get3A_52 = arith.index_cast %get3A_50 : i32 to index
    %get3A_53 = arith.constant 16 : index
    %get3A_54 = tpu.vector_load %arg7[%get3A_51, %get3A_52, %get3A_53] {strides = array<i32>} : memref<2x16x128xi32, #tpu.memory_space<vmem>>, vector<16xi32>,
    %swap3A_55 = arith.constant 0 : i32
    %swap3A_56 = arith.index_cast %swap3A_55 : i32 to index
    %swap3A_57 = arith.constant 16 : index
    %swap3A_58 = tpu.vector_load %arg10[%swap3A_56, %swap3A_57] {strides = array<i32>} : memref<4x64xi32, #tpu.memory_space<vmem>>, vector<16xi32>,
    tpu.vector_store %arg10[%swap3A_56, %swap3A_57], %get3A_54 {strides = array<i32>} : memref<4x64xi32, #tpu.memory_space<vmem>>, vector<16xi32>,
    %get3A_59 = arith.constant 0 : i32
    %get3A_60 = arith.constant 0 : i32
    %get3A_61 = arith.index_cast %get3A_59 : i32 to index
    %get3A_62 = arith.index_cast %get3A_60 : i32 to index
    %get3A_63 = arith.constant 32 : index
    %get3A_64 = tpu.vector_load %arg7[%get3A_61, %get3A_62, %get3A_63] {strides = array<i32>} : memref<2x16x128xi32, #tpu.memory_space<vmem>>, vector<16xi32>,
    %swap3A_65 = arith.constant 0 : i32
    %swap3A_66 = arith.index_cast %swap3A_65 : i32 to index
    %swap3A_67 = arith.constant 32 : index
    %swap3A_68 = tpu.vector_load %arg10[%swap3A_66, %swap3A_67] {strides = array<i32>} : memref<4x64xi32, #tpu.memory_space<vmem>>, vector<16xi32>,
    tpu.vector_store %arg10[%swap3A_66, %swap3A_67], %get3A_64 {strides = array<i32>} : memref<4x64xi32, #tpu.memory_space<vmem>>, vector<16xi32>,
    %get3A_69 = arith.constant 0 : i32
    %get3A_70 = arith.constant 0 : i32
    %get3A_71 = arith.index_cast %get3A_69 : i32 to index
    %get3A_72 = arith.index_cast %get3A_70 : i32 to index
    %get3A_73 = arith.constant 48 : index
    %get3A_74 = tpu.vector_load %arg7[%get3A_71, %get3A_72, %get3A_73] {strides = array<i32>} : memref<2x16x128xi32, #tpu.memory_space<vmem>>, vector<16xi32>,
    %swap3A_75 = arith.constant 0 : i32
    %swap3A_76 = arith.index_cast %swap3A_75 : i32 to index
    %swap3A_77 = arith.constant 48 : index
    %swap3A_78 = tpu.vector_load %arg10[%swap3A_76, %swap3A_77] {strides = array<i32>} : memref<4x64xi32, #tpu.memory_space<vmem>>, vector<16xi32>,
    tpu.vector_store %arg10[%swap3A_76, %swap3A_77], %get3A_74 {strides = array<i32>} : memref<4x64xi32, #tpu.memory_space<vmem>>, vector<16xi32>,
    %dma_start3A = arith.constant 0 : i32
    %dma_start3A_79 = arith.constant 0 : i32
    %dma_start3A_80 = arith.constant 0 : i32
    %dma_start3A_81 = arith.constant 0 : i32
    %dma_start3A_82 = arith.constant 0 : i32
    %dma_start3A_83 = tpu.memref_slice %arg12[%dma_start3A_79, %dma_start3A_81, %dma_start3A_82] : memref<4x64x64xi32, #tpu.memory_space<vmem>> -> memref<1x64x64xi32, #tpu.memory_space<vmem>>
    %dma_start3A_84 = tpu.memref_squeeze %dma_start3A_83 : memref<1x64x64xi32, #tpu.memory_space<vmem>> -> memref<64x64xi32, #tpu.memory_space<vmem>>
    %dma_start3A_85 = arith.constant 0 : i32
    %dma_start3A_86 = tpu.memref_slice %arg10[%dma_start3A, %dma_start3A_85] : memref<4x64xi32, #tpu.memory_space<vmem>> -> memref<1x64xi32, #tpu.memory_space<vmem>>
    %dma_start3A_87 = tpu.memref_squeeze %dma_start3A_86 : memref<1x64xi32, #tpu.memory_space<vmem>> -> memref<64xi32, #tpu.memory_space<vmem>>
    %dma_start3A_88 = arith.constant 0 : i32
    %dma_start3A_89 = arith.constant 0 : i32
    %dma_start3A_90 = tpu.memref_slice %arg5[%dma_start3A_88, %dma_start3A_89] : memref<10000x64xi32, #tpu.memory_space<hbm>> -> memref<10000x64xi32, #tpu.memory_space<hbm>>
    %dma_start3A_91 = tpu.memref_slice %arg15[%dma_start3A_80] : memref<4x!tpu.dma_semaphore, #tpu.memory_space<semaphore_mem>> -> memref<1x!tpu.dma_semaphore, #tpu.memory_space<semaphore_mem>>
    %dma_start3A_92 = tpu.memref_squeeze %dma_start3A_91 : memref<1x!tpu.dma_semaphore, #tpu.memory_space<semaphore_mem>> -> memref<!tpu.dma_semaphore, #tpu.memory_space<semaphore_mem>>
    tpu.enqueue_indirect_dma source(%dma_start3A_90 : memref<10000x64xi32, #tpu.memory_space<hbm>>) target(%dma_start3A_84 : memref<64x64xi32, #tpu.memory_space<vmem>>) offsets(%dma_start3A_87 : memref<64xi32, #tpu.memory_space<vmem>>) semaphore(%dma_start3A_92 : memref<!tpu.dma_semaphore, #tpu.memory_space<semaphore_mem>>)
    %get3A_93 = arith.constant 0 : i32
    %get3A_94 = arith.constant 0 : i32
    %get3A_95 = arith.index_cast %get3A_93 : i32 to index
    %get3A_96 = arith.index_cast %get3A_94 : i32 to index
    %get3A_97 = arith.constant 64 : index
    %get3A_98 = tpu.vector_load %arg7[%get3A_95, %get3A_96, %get3A_97] {strides = array<i32>} : memref<2x16x128xi32, #tpu.memory_space<vmem>>, vector<16xi32>,
    %swap3A_99 = arith.constant 1 : i32
    %swap3A_100 = arith.index_cast %swap3A_99 : i32 to index
    %swap3A_101 = arith.constant 0 : index
    %swap3A_102 = tpu.vector_load %arg10[%swap3A_100, %swap3A_101] {strides = array<i32>} : memref<4x64xi32, #tpu.memory_space<vmem>>, vector<16xi32>,
    tpu.vector_store %arg10[%swap3A_100, %swap3A_101], %get3A_98 {strides = array<i32>} : memref<4x64xi32, #tpu.memory_space<vmem>>, vector<16xi32>,
    %get3A_103 = arith.constant 0 : i32
    %get3A_104 = arith.constant 0 : i32
    %get3A_105 = arith.index_cast %get3A_103 : i32 to index
    %get3A_106 = arith.index_cast %get3A_104 : i32 to index
    %get3A_107 = arith.constant 80 : index
    %get3A_108 = tpu.vector_load %arg7[%get3A_105, %get3A_106, %get3A_107] {strides = array<i32>} : memref<2x16x128xi32, #tpu.memory_space<vmem>>, vector<16xi32>,
    %swap3A_109 = arith.constant 1 : i32
    %swap3A_110 = arith.index_cast %swap3A_109 : i32 to index
    %swap3A_111 = arith.constant 16 : index
    %swap3A_112 = tpu.vector_load %arg10[%swap3A_110, %swap3A_111] {strides = array<i32>} : memref<4x64xi32, #tpu.memory_space<vmem>>, vector<16xi32>,
    tpu.vector_store %arg10[%swap3A_110, %swap3A_111], %get3A_108 {strides = array<i32>} : memref<4x64xi32, #tpu.memory_space<vmem>>, vector<16xi32>,
    %get3A_113 = arith.constant 0 : i32
    %get3A_114 = arith.constant 0 : i32
    %get3A_115 = arith.index_cast %get3A_113 : i32 to index
    %get3A_116 = arith.index_cast %get3A_114 : i32 to index
    %get3A_117 = arith.constant 96 : index
    %get3A_118 = tpu.vector_load %arg7[%get3A_115, %get3A_116, %get3A_117] {strides = array<i32>} : memref<2x16x128xi32, #tpu.memory_space<vmem>>, vector<16xi32>,
    %swap3A_119 = arith.constant 1 : i32
    %swap3A_120 = arith.index_cast %swap3A_119 : i32 to index
    %swap3A_121 = arith.constant 32 : index
    %swap3A_122 = tpu.vector_load %arg10[%swap3A_120, %swap3A_121] {strides = array<i32>} : memref<4x64xi32, #tpu.memory_space<vmem>>, vector<16xi32>,
    tpu.vector_store %arg10[%swap3A_120, %swap3A_121], %get3A_118 {strides = array<i32>} : memref<4x64xi32, #tpu.memory_space<vmem>>, vector<16xi32>,
    %get3A_123 = arith.constant 0 : i32
    %get3A_124 = arith.constant 0 : i32
    %get3A_125 = arith.index_cast %get3A_123 : i32 to index
    %get3A_126 = arith.index_cast %get3A_124 : i32 to index
    %get3A_127 = arith.constant 112 : index
    %get3A_128 = tpu.vector_load %arg7[%get3A_125, %get3A_126, %get3A_127] {strides = array<i32>} : memref<2x16x128xi32, #tpu.memory_space<vmem>>, vector<16xi32>,
    %swap3A_129 = arith.constant 1 : i32
    %swap3A_130 = arith.index_cast %swap3A_129 : i32 to index
    %swap3A_131 = arith.constant 48 : index
    %swap3A_132 = tpu.vector_load %arg10[%swap3A_130, %swap3A_131] {strides = array<i32>} : memref<4x64xi32, #tpu.memory_space<vmem>>, vector<16xi32>,
    tpu.vector_store %arg10[%swap3A_130, %swap3A_131], %get3A_128 {strides = array<i32>} : memref<4x64xi32, #tpu.memory_space<vmem>>, vector<16xi32>,
    %dma_start3A_133 = arith.constant 1 : i32
    %dma_start3A_134 = arith.constant 1 : i32
    %dma_start3A_135 = arith.constant 1 : i32
    %dma_start3A_136 = arith.constant 0 : i32
    %dma_start3A_137 = arith.constant 0 : i32
    %dma_start3A_138 = tpu.memref_slice %arg12[%dma_start3A_134, %dma_start3A_136, %dma_start3A_137] : memref<4x64x64xi32, #tpu.memory_space<vmem>> -> memref<1x64x64xi32, #tpu.memory_space<vmem>>
    %dma_start3A_139 = tpu.memref_squeeze %dma_start3A_138 : memref<1x64x64xi32, #tpu.memory_space<vmem>> -> memref<64x64xi32, #tpu.memory_space<vmem>>
    %dma_start3A_140 = arith.constant 0 : i32
    %dma_start3A_141 = tpu.memref_slice %arg10[%dma_start3A_133, %dma_start3A_140] : memref<4x64xi32, #tpu.memory_space<vmem>> -> memref<1x64xi32, #tpu.memory_space<vmem>>
    %dma_start3A_142 = tpu.memref_squeeze %dma_start3A_141 : memref<1x64xi32, #tpu.memory_space<vmem>> -> memref<64xi32, #tpu.memory_space<vmem>>
    %dma_start3A_143 = arith.constant 0 : i32
    %dma_start3A_144 = arith.constant 0 : i32
    %dma_start3A_145 = tpu.memref_slice %arg5[%dma_start3A_143, %dma_start3A_144] : memref<10000x64xi32, #tpu.memory_space<hbm>> -> memref<10000x64xi32, #tpu.memory_space<hbm>>
    %dma_start3A_146 = tpu.memref_slice %arg15[%dma_start3A_135] : memref<4x!tpu.dma_semaphore, #tpu.memory_space<semaphore_mem>> -> memref<1x!tpu.dma_semaphore, #tpu.memory_space<semaphore_mem>>
    %dma_start3A_147 = tpu.memref_squeeze %dma_start3A_146 : memref<1x!tpu.dma_semaphore, #tpu.memory_space<semaphore_mem>> -> memref<!tpu.dma_semaphore, #tpu.memory_space<semaphore_mem>>
    tpu.enqueue_indirect_dma source(%dma_start3A_145 : memref<10000x64xi32, #tpu.memory_space<hbm>>) target(%dma_start3A_139 : memref<64x64xi32, #tpu.memory_space<vmem>>) offsets(%dma_start3A_142 : memref<64xi32, #tpu.memory_space<vmem>>) semaphore(%dma_start3A_147 : memref<!tpu.dma_semaphore, #tpu.memory_space<semaphore_mem>>)
    %get3A_148 = arith.constant 0 : i32
    %get3A_149 = arith.constant 1 : i32
    %get3A_150 = arith.index_cast %get3A_148 : i32 to index
    %get3A_151 = arith.index_cast %get3A_149 : i32 to index
    %get3A_152 = arith.constant 0 : index
    %get3A_153 = tpu.vector_load %arg7[%get3A_150, %get3A_151, %get3A_152] {strides = array<i32>} : memref<2x16x128xi32, #tpu.memory_space<vmem>>, vector<16xi32>,
    %swap3A_154 = arith.constant 2 : i32
    %swap3A_155 = arith.index_cast %swap3A_154 : i32 to index
    %swap3A_156 = arith.constant 0 : index
    %swap3A_157 = tpu.vector_load %arg10[%swap3A_155, %swap3A_156] {strides = array<i32>} : memref<4x64xi32, #tpu.memory_space<vmem>>, vector<16xi32>,
    tpu.vector_store %arg10[%swap3A_155, %swap3A_156], %get3A_153 {strides = array<i32>} : memref<4x64xi32, #tpu.memory_space<vmem>>, vector<16xi32>,
    %get3A_158 = arith.constant 0 : i32
    %get3A_159 = arith.constant 1 : i32
    %get3A_160 = arith.index_cast %get3A_158 : i32 to index
    %get3A_161 = arith.index_cast %get3A_159 : i32 to index
    %get3A_162 = arith.constant 16 : index
    %get3A_163 = tpu.vector_load %arg7[%get3A_160, %get3A_161, %get3A_162] {strides = array<i32>} : memref<2x16x128xi32, #tpu.memory_space<vmem>>, vector<16xi32>,
    %swap3A_164 = arith.constant 2 : i32
    %swap3A_165 = arith.index_cast %swap3A_164 : i32 to index
    %swap3A_166 = arith.constant 16 : index
    %swap3A_167 = tpu.vector_load %arg10[%swap3A_165, %swap3A_166] {strides = array<i32>} : memref<4x64xi32, #tpu.memory_space<vmem>>, vector<16xi32>,
    tpu.vector_store %arg10[%swap3A_165, %swap3A_166], %get3A_163 {strides = array<i32>} : memref<4x64xi32, #tpu.memory_space<vmem>>, vector<16xi32>,
    %get3A_168 = arith.constant 0 : i32
    %get3A_169 = arith.constant 1 : i32
    %get3A_170 = arith.index_cast %get3A_168 : i32 to index
    %get3A_171 = arith.index_cast %get3A_169 : i32 to index
    %get3A_172 = arith.constant 32 : index
    %get3A_173 = tpu.vector_load %arg7[%get3A_170, %get3A_171, %get3A_172] {strides = array<i32>} : memref<2x16x128xi32, #tpu.memory_space<vmem>>, vector<16xi32>,
    %swap3A_174 = arith.constant 2 : i32
    %swap3A_175 = arith.index_cast %swap3A_174 : i32 to index
    %swap3A_176 = arith.constant 32 : index
    %swap3A_177 = tpu.vector_load %arg10[%swap3A_175, %swap3A_176] {strides = array<i32>} : memref<4x64xi32, #tpu.memory_space<vmem>>, vector<16xi32>,
    tpu.vector_store %arg10[%swap3A_175, %swap3A_176], %get3A_173 {strides = array<i32>} : memref<4x64xi32, #tpu.memory_space<vmem>>, vector<16xi32>,
    %get3A_178 = arith.constant 0 : i32
    %get3A_179 = arith.constant 1 : i32
    %get3A_180 = arith.index_cast %get3A_178 : i32 to index
    %get3A_181 = arith.index_cast %get3A_179 : i32 to index
    %get3A_182 = arith.constant 48 : index
    %get3A_183 = tpu.vector_load %arg7[%get3A_180, %get3A_181, %get3A_182] {strides = array<i32>} : memref<2x16x128xi32, #tpu.memory_space<vmem>>, vector<16xi32>,
    %swap3A_184 = arith.constant 2 : i32
    %swap3A_185 = arith.index_cast %swap3A_184 : i32 to index
    %swap3A_186 = arith.constant 48 : index
    %swap3A_187 = tpu.vector_load %arg10[%swap3A_185, %swap3A_186] {strides = array<i32>} : memref<4x64xi32, #tpu.memory_space<vmem>>, vector<16xi32>,
    tpu.vector_store %arg10[%swap3A_185, %swap3A_186], %get3A_183 {strides = array<i32>} : memref<4x64xi32, #tpu.memory_space<vmem>>, vector<16xi32>,
    %dma_start3A_188 = arith.constant 2 : i32
    %dma_start3A_189 = arith.constant 2 : i32
    %dma_start3A_190 = arith.constant 2 : i32
    %dma_start3A_191 = arith.constant 0 : i32
    %dma_start3A_192 = arith.constant 0 : i32
    %dma_start3A_193 = tpu.memref_slice %arg12[%dma_start3A_189, %dma_start3A_191, %dma_start3A_192] : memref<4x64x64xi32, #tpu.memory_space<vmem>> -> memref<1x64x64xi32, #tpu.memory_space<vmem>>
    %dma_start3A_194 = tpu.memref_squeeze %dma_start3A_193 : memref<1x64x64xi32, #tpu.memory_space<vmem>> -> memref<64x64xi32, #tpu.memory_space<vmem>>
    %dma_start3A_195 = arith.constant 0 : i32
    %dma_start3A_196 = tpu.memref_slice %arg10[%dma_start3A_188, %dma_start3A_195] : memref<4x64xi32, #tpu.memory_space<vmem>> -> memref<1x64xi32, #tpu.memory_space<vmem>>
    %dma_start3A_197 = tpu.memref_squeeze %dma_start3A_196 : memref<1x64xi32, #tpu.memory_space<vmem>> -> memref<64xi32, #tpu.memory_space<vmem>>
    %dma_start3A_198 = arith.constant 0 : i32
    %dma_start3A_199 = arith.constant 0 : i32
    %dma_start3A_200 = tpu.memref_slice %arg5[%dma_start3A_198, %dma_start3A_199] : memref<10000x64xi32, #tpu.memory_space<hbm>> -> memref<10000x64xi32, #tpu.memory_space<hbm>>
    %dma_start3A_201 = tpu.memref_slice %arg15[%dma_start3A_190] : memref<4x!tpu.dma_semaphore, #tpu.memory_space<semaphore_mem>> -> memref<1x!tpu.dma_semaphore, #tpu.memory_space<semaphore_mem>>
    %dma_start3A_202 = tpu.memref_squeeze %dma_start3A_201 : memref<1x!tpu.dma_semaphore, #tpu.memory_space<semaphore_mem>> -> memref<!tpu.dma_semaphore, #tpu.memory_space<semaphore_mem>>
    tpu.enqueue_indirect_dma source(%dma_start3A_200 : memref<10000x64xi32, #tpu.memory_space<hbm>>) target(%dma_start3A_194 : memref<64x64xi32, #tpu.memory_space<vmem>>) offsets(%dma_start3A_197 : memref<64xi32, #tpu.memory_space<vmem>>) semaphore(%dma_start3A_202 : memref<!tpu.dma_semaphore, #tpu.memory_space<semaphore_mem>>)
    %get3A_203 = arith.constant 0 : i32
    %get3A_204 = arith.constant 1 : i32
    %get3A_205 = arith.index_cast %get3A_203 : i32 to index
    %get3A_206 = arith.index_cast %get3A_204 : i32 to index
    %get3A_207 = arith.constant 64 : index
    %get3A_208 = tpu.vector_load %arg7[%get3A_205, %get3A_206, %get3A_207] {strides = array<i32>} : memref<2x16x128xi32, #tpu.memory_space<vmem>>, vector<16xi32>,
    %swap3A_209 = arith.constant 3 : i32
    %swap3A_210 = arith.index_cast %swap3A_209 : i32 to index
    %swap3A_211 = arith.constant 0 : index
    %swap3A_212 = tpu.vector_load %arg10[%swap3A_210, %swap3A_211] {strides = array<i32>} : memref<4x64xi32, #tpu.memory_space<vmem>>, vector<16xi32>,
    tpu.vector_store %arg10[%swap3A_210, %swap3A_211], %get3A_208 {strides = array<i32>} : memref<4x64xi32, #tpu.memory_space<vmem>>, vector<16xi32>,
    %get3A_213 = arith.constant 0 : i32
    %get3A_214 = arith.constant 1 : i32
    %get3A_215 = arith.index_cast %get3A_213 : i32 to index
    %get3A_216 = arith.index_cast %get3A_214 : i32 to index
    %get3A_217 = arith.constant 80 : index
    %get3A_218 = tpu.vector_load %arg7[%get3A_215, %get3A_216, %get3A_217] {strides = array<i32>} : memref<2x16x128xi32, #tpu.memory_space<vmem>>, vector<16xi32>,
    %swap3A_219 = arith.constant 3 : i32
    %swap3A_220 = arith.index_cast %swap3A_219 : i32 to index
    %swap3A_221 = arith.constant 16 : index
    %swap3A_222 = tpu.vector_load %arg10[%swap3A_220, %swap3A_221] {strides = array<i32>} : memref<4x64xi32, #tpu.memory_space<vmem>>, vector<16xi32>,
    tpu.vector_store %arg10[%swap3A_220, %swap3A_221], %get3A_218 {strides = array<i32>} : memref<4x64xi32, #tpu.memory_space<vmem>>, vector<16xi32>,
    %get3A_223 = arith.constant 0 : i32
    %get3A_224 = arith.constant 1 : i32
    %get3A_225 = arith.index_cast %get3A_223 : i32 to index
    %get3A_226 = arith.index_cast %get3A_224 : i32 to index
    %get3A_227 = arith.constant 96 : index
    %get3A_228 = tpu.vector_load %arg7[%get3A_225, %get3A_226, %get3A_227] {strides = array<i32>} : memref<2x16x128xi32, #tpu.memory_space<vmem>>, vector<16xi32>,
    %swap3A_229 = arith.constant 3 : i32
    %swap3A_230 = arith.index_cast %swap3A_229 : i32 to index
    %swap3A_231 = arith.constant 32 : index
    %swap3A_232 = tpu.vector_load %arg10[%swap3A_230, %swap3A_231] {strides = array<i32>} : memref<4x64xi32, #tpu.memory_space<vmem>>, vector<16xi32>,
    tpu.vector_store %arg10[%swap3A_230, %swap3A_231], %get3A_228 {strides = array<i32>} : memref<4x64xi32, #tpu.memory_space<vmem>>, vector<16xi32>,
    %get3A_233 = arith.constant 0 : i32
    %get3A_234 = arith.constant 1 : i32
    %get3A_235 = arith.index_cast %get3A_233 : i32 to index
    %get3A_236 = arith.index_cast %get3A_234 : i32 to index
    %get3A_237 = arith.constant 112 : index
    %get3A_238 = tpu.vector_load %arg7[%get3A_235, %get3A_236, %get3A_237] {strides = array<i32>} : memref<2x16x128xi32, #tpu.memory_space<vmem>>, vector<16xi32>,
    %swap3A_239 = arith.constant 3 : i32
    %swap3A_240 = arith.index_cast %swap3A_239 : i32 to index
    %swap3A_241 = arith.constant 48 : index
    %swap3A_242 = tpu.vector_load %arg10[%swap3A_240, %swap3A_241] {strides = array<i32>} : memref<4x64xi32, #tpu.memory_space<vmem>>, vector<16xi32>,
    tpu.vector_store %arg10[%swap3A_240, %swap3A_241], %get3A_238 {strides = array<i32>} : memref<4x64xi32, #tpu.memory_space<vmem>>, vector<16xi32>,
    %dma_start3A_243 = arith.constant 3 : i32
    %dma_start3A_244 = arith.constant 3 : i32
    %dma_start3A_245 = arith.constant 3 : i32
    %dma_start3A_246 = arith.constant 0 : i32
    %dma_start3A_247 = arith.constant 0 : i32
    %dma_start3A_248 = tpu.memref_slice %arg12[%dma_start3A_244, %dma_start3A_246, %dma_start3A_247] : memref<4x64x64xi32, #tpu.memory_space<vmem>> -> memref<1x64x64xi32, #tpu.memory_space<vmem>>
    %dma_start3A_249 = tpu.memref_squeeze %dma_start3A_248 : memref<1x64x64xi32, #tpu.memory_space<vmem>> -> memref<64x64xi32, #tpu.memory_space<vmem>>
    %dma_start3A_250 = arith.constant 0 : i32
    %dma_start3A_251 = tpu.memref_slice %arg10[%dma_start3A_243, %dma_start3A_250] : memref<4x64xi32, #tpu.memory_space<vmem>> -> memref<1x64xi32, #tpu.memory_space<vmem>>
    %dma_start3A_252 = tpu.memref_squeeze %dma_start3A_251 : memref<1x64xi32, #tpu.memory_space<vmem>> -> memref<64xi32, #tpu.memory_space<vmem>>
    %dma_start3A_253 = arith.constant 0 : i32
    %dma_start3A_254 = arith.constant 0 : i32
    %dma_start3A_255 = tpu.memref_slice %arg5[%dma_start3A_253, %dma_start3A_254] : memref<10000x64xi32, #tpu.memory_space<hbm>> -> memref<10000x64xi32, #tpu.memory_space<hbm>>
    %dma_start3A_256 = tpu.memref_slice %arg15[%dma_start3A_245] : memref<4x!tpu.dma_semaphore, #tpu.memory_space<semaphore_mem>> -> memref<1x!tpu.dma_semaphore, #tpu.memory_space<semaphore_mem>>
    %dma_start3A_257 = tpu.memref_squeeze %dma_start3A_256 : memref<1x!tpu.dma_semaphore, #tpu.memory_space<semaphore_mem>> -> memref<!tpu.dma_semaphore, #tpu.memory_space<semaphore_mem>>
    tpu.enqueue_indirect_dma source(%dma_start3A_255 : memref<10000x64xi32, #tpu.memory_space<hbm>>) target(%dma_start3A_249 : memref<64x64xi32, #tpu.memory_space<vmem>>) offsets(%dma_start3A_252 : memref<64xi32, #tpu.memory_space<vmem>>) semaphore(%dma_start3A_257 : memref<!tpu.dma_semaphore, #tpu.memory_space<semaphore_mem>>)
    %scan3A_258 = arith.constant 0 : i32
    %scan3A_259 = arith.constant 0 : i32
    %scan3A_260 = arith.constant 160 : i32
    %scan3A_261 = arith.addi %scan3A_259, %scan3A_260 : i32
    %scan3A_262 = arith.constant 1 : i32
    scf.for %scan3A_294 = %scan3A_259 to %scan3A_261 step %scan3A_262  : i32 {
      %jit3A = arith.constant 2 : i32
      %div3A = arith.divsi %scan3A_294, %jit3A : i32
      %sign3A = arith.constant 0 : i32
      %sign3A_295 = arith.cmpi sgt, %scan3A_294, %sign3A : i32
      %sign3A_296 = arith.extui %sign3A_295 : i1 to i32
      %sign3A_297 = arith.constant 0 : i32
      %sign3A_298 = arith.cmpi slt, %scan3A_294, %sign3A_297 : i32
      %sign3A_299 = arith.extui %sign3A_298 : i1 to i32
      %sign3A_300 = arith.subi %sign3A_296, %sign3A_299 : i32
      %sign3A_301 = arith.constant 0 : i32
      %sign3A_302 = arith.cmpi sgt, %jit3A, %sign3A_301 : i32
      %sign3A_303 = arith.extui %sign3A_302 : i1 to i32
      %sign3A_304 = arith.constant 0 : i32
      %sign3A_305 = arith.cmpi slt, %jit3A, %sign3A_304 : i32
      %sign3A_306 = arith.extui %sign3A_305 : i1 to i32
      %sign3A_307 = arith.subi %sign3A_303, %sign3A_306 : i32
      %ne3A = arith.cmpi ne, %sign3A_300, %sign3A_307 : i32
      %rem3A = arith.remsi %scan3A_294, %jit3A : i32
      %ne3A_308 = arith.constant 0 : i32
      %ne3A_309 = arith.cmpi ne, %rem3A, %ne3A_308 : i32
      %and3A = arith.andi %ne3A, %ne3A_309 : i1
      %sub3A = arith.constant 1 : i32
      %sub3A_310 = arith.subi %div3A, %sub3A : i32
      %select_n3A = arith.select %and3A, %sub3A_310, %div3A : i32
      %jit3A_311 = arith.constant 16 : i32
      %div3A_312 = arith.divsi %select_n3A, %jit3A_311 : i32
      %sign3A_313 = arith.constant 0 : i32
      %sign3A_314 = arith.cmpi sgt, %select_n3A, %sign3A_313 : i32
      %sign3A_315 = arith.extui %sign3A_314 : i1 to i32
      %sign3A_316 = arith.constant 0 : i32
      %sign3A_317 = arith.cmpi slt, %select_n3A, %sign3A_316 : i32
      %sign3A_318 = arith.extui %sign3A_317 : i1 to i32
      %sign3A_319 = arith.subi %sign3A_315, %sign3A_318 : i32
      %sign3A_320 = arith.constant 0 : i32
      %sign3A_321 = arith.cmpi sgt, %jit3A_311, %sign3A_320 : i32
      %sign3A_322 = arith.extui %sign3A_321 : i1 to i32
      %sign3A_323 = arith.constant 0 : i32
      %sign3A_324 = arith.cmpi slt, %jit3A_311, %sign3A_323 : i32
      %sign3A_325 = arith.extui %sign3A_324 : i1 to i32
      %sign3A_326 = arith.subi %sign3A_322, %sign3A_325 : i32
      %ne3A_327 = arith.cmpi ne, %sign3A_319, %sign3A_326 : i32
      %rem3A_328 = arith.remsi %select_n3A, %jit3A_311 : i32
      %ne3A_329 = arith.constant 0 : i32
      %ne3A_330 = arith.cmpi ne, %rem3A_328, %ne3A_329 : i32
      %and3A_331 = arith.andi %ne3A_327, %ne3A_330 : i1
      %sub3A_332 = arith.constant 1 : i32
      %sub3A_333 = arith.subi %div3A_312, %sub3A_332 : i32
      %select_n3A_334 = arith.select %and3A_331, %sub3A_333, %div3A_312 : i32
      %mul3A_335 = arith.constant 16 : i32
      %mul3A_336 = arith.muli %select_n3A_334, %mul3A_335 : i32
      %sub3A_337 = arith.subi %select_n3A, %mul3A_336 : i32
      %and3A_338 = arith.constant 1 : i32
      %and3A_339 = arith.andi %select_n3A_334, %and3A_338 : i32
      %and3A_340 = arith.constant 3 : i32
      %and3A_341 = arith.andi %scan3A_294, %and3A_340 : i32
      %and3A_342 = arith.constant 3 : i32
      %and3A_343 = arith.andi %scan3A_294, %and3A_342 : i32
      %dma_wait3A_344 = arith.constant 0 : i32
      %dma_wait3A_345 = arith.constant 0 : i32
      %dma_wait3A_346 = tpu.memref_slice %arg12[%and3A_341, %dma_wait3A_344, %dma_wait3A_345] : memref<4x64x64xi32, #tpu.memory_space<vmem>> -> memref<1x64x64xi32, #tpu.memory_space<vmem>>
      %dma_wait3A_347 = tpu.memref_squeeze %dma_wait3A_346 : memref<1x64x64xi32, #tpu.memory_space<vmem>> -> memref<64x64xi32, #tpu.memory_space<vmem>>
      %dma_wait3A_348 = arith.constant 0 : i32
      %dma_wait3A_349 = tpu.memref_slice %arg10[%and3A_341, %dma_wait3A_348] : memref<4x64xi32, #tpu.memory_space<vmem>> -> memref<1x64xi32, #tpu.memory_space<vmem>>
      %dma_wait3A_350 = tpu.memref_squeeze %dma_wait3A_349 : memref<1x64xi32, #tpu.memory_space<vmem>> -> memref<64xi32, #tpu.memory_space<vmem>>
      %dma_wait3A_351 = arith.constant 0 : i32
      %dma_wait3A_352 = arith.constant 0 : i32
      %dma_wait3A_353 = tpu.memref_slice %arg5[%dma_wait3A_351, %dma_wait3A_352] : memref<10000x64xi32, #tpu.memory_space<hbm>> -> memref<10000x64xi32, #tpu.memory_space<hbm>>
      %dma_wait3A_354 = tpu.memref_slice %arg15[%and3A_343] : memref<4x!tpu.dma_semaphore, #tpu.memory_space<semaphore_mem>> -> memref<1x!tpu.dma_semaphore, #tpu.memory_space<semaphore_mem>>
      %dma_wait3A_355 = tpu.memref_squeeze %dma_wait3A_354 : memref<1x!tpu.dma_semaphore, #tpu.memory_space<semaphore_mem>> -> memref<!tpu.dma_semaphore, #tpu.memory_space<semaphore_mem>>
      tpu.wait_indirect_dma semaphore(%dma_wait3A_355 : memref<!tpu.dma_semaphore, #tpu.memory_space<semaphore_mem>>) src(%dma_wait3A_353 : memref<10000x64xi32, #tpu.memory_space<hbm>>) dst(%dma_wait3A_347 : memref<64x64xi32, #tpu.memory_space<vmem>>)
      %rem3A_356 = arith.constant 32 : i32
      %rem3A_357 = arith.remsi %scan3A_294, %rem3A_356 : i32
      %eq3A = arith.constant 0 : i32
      %eq3A_358 = arith.cmpi eq, %rem3A_357, %eq3A : i32
      %add3A_359 = arith.constant 1 : i32
      %add3A_360 = arith.addi %select_n3A_334, %add3A_359 : i32
      %lt3A = arith.constant 5 : i32
      %lt3A_361 = arith.cmpi slt, %add3A_360, %lt3A : i32
      %and3A_362 = arith.andi %eq3A_358, %lt3A_361 : i1
      %convert_element_type3A = arith.extui %and3A_362 : i1 to i32
      %cond3A = arith.constant 0 : i32
      %cond3A_363 = arith.cmpi ne, %convert_element_type3A, %cond3A : i32
      scf.if %cond3A_363 {
        %add3A_497 = arith.constant 1 : i32
        %add3A_498 = arith.addi %select_n3A_334, %add3A_497 : i32
        %sub3A_499 = arith.constant 1 : i32
        %sub3A_500 = arith.subi %sub3A_499, %and3A_339 : i32
        %mul3A_501 = arith.constant 16 : i32
        %mul3A_502 = arith.muli %add3A_498, %mul3A_501 : i32
        "tpu.region"() ({
          %run_scoped3A_503 = tpu.sem_alloc : memref<!tpu.dma_semaphore, #tpu.memory_space<semaphore_mem>>
          %dma_start3A_504 = arith.constant 0 : i32
          %dma_start3A_505 = arith.constant 0 : i32
          %dma_start3A_506 = tpu.memref_slice %arg7[%sub3A_500, %dma_start3A_504, %dma_start3A_505] : memref<2x16x128xi32, #tpu.memory_space<vmem>> -> memref<1x16x128xi32, #tpu.memory_space<vmem>>
          %dma_start3A_507 = tpu.memref_squeeze %dma_start3A_506 : memref<1x16x128xi32, #tpu.memory_space<vmem>> -> memref<16x128xi32, #tpu.memory_space<vmem>>
          %dma_start3A_508 = arith.constant 0 : i32
          %dma_start3A_509 = tpu.memref_slice %arg2[%add3A, %mul3A_502, %dma_start3A_508] : memref<32x80x128xi32, #tpu.memory_space<hbm>> -> memref<1x16x128xi32, #tpu.memory_space<hbm>>
          %dma_start3A_510 = tpu.memref_squeeze %dma_start3A_509 : memref<1x16x128xi32, #tpu.memory_space<hbm>> -> memref<16x128xi32, #tpu.memory_space<hbm>>
          %dma_start3A_511 = arith.constant 0 : i32
          %dma_start3A_512 = arith.constant 0 : i32
          %dma_start3A_513 = tpu.memref_slice %arg7[%sub3A_500, %dma_start3A_511, %dma_start3A_512] : memref<2x16x128xi32, #tpu.memory_space<vmem>> -> memref<1x16x128xi32, #tpu.memory_space<vmem>>
          %dma_start3A_514 = tpu.memref_squeeze %dma_start3A_513 : memref<1x16x128xi32, #tpu.memory_space<vmem>> -> memref<16x128xi32, #tpu.memory_space<vmem>>
          %dma_start3A_515 = arith.constant 0 : i32
          %dma_start3A_516 = tpu.memref_slice %arg2[%add3A, %mul3A_502, %dma_start3A_515] : memref<32x80x128xi32, #tpu.memory_space<hbm>> -> memref<1x16x128xi32, #tpu.memory_space<hbm>>
          %dma_start3A_517 = tpu.memref_squeeze %dma_start3A_516 : memref<1x16x128xi32, #tpu.memory_space<hbm>> -> memref<16x128xi32, #tpu.memory_space<hbm>>
          tpu.enqueue_dma source(%dma_start3A_517 : memref<16x128xi32, #tpu.memory_space<hbm>>) target(%dma_start3A_514 : memref<16x128xi32, #tpu.memory_space<vmem>>) target_semaphore(%run_scoped3A_503 : memref<!tpu.dma_semaphore, #tpu.memory_space<semaphore_mem>>)
          %dma_wait3A_518 = arith.constant 0 : i32
          %dma_wait3A_519 = arith.constant 0 : i32
          %dma_wait3A_520 = tpu.memref_slice %arg7[%sub3A_500, %dma_wait3A_518, %dma_wait3A_519] : memref<2x16x128xi32, #tpu.memory_space<vmem>> -> memref<1x16x128xi32, #tpu.memory_space<vmem>>
          %dma_wait3A_521 = tpu.memref_squeeze %dma_wait3A_520 : memref<1x16x128xi32, #tpu.memory_space<vmem>> -> memref<16x128xi32, #tpu.memory_space<vmem>>
          %dma_wait3A_522 = arith.constant 0 : i32
          %dma_wait3A_523 = tpu.memref_slice %arg2[%add3A, %mul3A_502, %dma_wait3A_522] : memref<32x80x128xi32, #tpu.memory_space<hbm>> -> memref<1x16x128xi32, #tpu.memory_space<hbm>>
          %dma_wait3A_524 = tpu.memref_squeeze %dma_wait3A_523 : memref<1x16x128xi32, #tpu.memory_space<hbm>> -> memref<16x128xi32, #tpu.memory_space<hbm>>
          %dma_wait3A_525 = arith.constant 0 : i32
          %dma_wait3A_526 = arith.constant 0 : i32
          %dma_wait3A_527 = tpu.memref_slice %arg7[%sub3A_500, %dma_wait3A_525, %dma_wait3A_526] : memref<2x16x128xi32, #tpu.memory_space<vmem>> -> memref<1x16x128xi32, #tpu.memory_space<vmem>>
          %dma_wait3A_528 = tpu.memref_squeeze %dma_wait3A_527 : memref<1x16x128xi32, #tpu.memory_space<vmem>> -> memref<16x128xi32, #tpu.memory_space<vmem>>
          %dma_wait3A_529 = arith.constant 0 : i32
          %dma_wait3A_530 = tpu.memref_slice %arg2[%add3A, %mul3A_502, %dma_wait3A_529] : memref<32x80x128xi32, #tpu.memory_space<hbm>> -> memref<1x16x128xi32, #tpu.memory_space<hbm>>
          %dma_wait3A_531 = tpu.memref_squeeze %dma_wait3A_530 : memref<1x16x128xi32, #tpu.memory_space<hbm>> -> memref<16x128xi32, #tpu.memory_space<hbm>>
          tpu.wait_dma2 semaphore(%run_scoped3A_503 : memref<!tpu.dma_semaphore, #tpu.memory_space<semaphore_mem>>) src(%dma_wait3A_531 : memref<16x128xi32, #tpu.memory_space<hbm>>) dst(%dma_wait3A_528 : memref<16x128xi32, #tpu.memory_space<vmem>>)
          tpu.yield
        }) : () -> ()
        "tpu.region"() ({
          %run_scoped3A_503 = tpu.sem_alloc : memref<!tpu.dma_semaphore, #tpu.memory_space<semaphore_mem>>
          %dma_start3A_504 = arith.constant 0 : i32
          %dma_start3A_505 = arith.constant 0 : i32
          %dma_start3A_506 = tpu.memref_slice %arg8[%sub3A_500, %dma_start3A_504, %dma_start3A_505] : memref<2x16x128xi32, #tpu.memory_space<vmem>> -> memref<1x16x128xi32, #tpu.memory_space<vmem>>
          %dma_start3A_507 = tpu.memref_squeeze %dma_start3A_506 : memref<1x16x128xi32, #tpu.memory_space<vmem>> -> memref<16x128xi32, #tpu.memory_space<vmem>>
          %dma_start3A_508 = arith.constant 0 : i32
          %dma_start3A_509 = tpu.memref_slice %arg3[%add3A, %mul3A_502, %dma_start3A_508] : memref<32x80x128xi32, #tpu.memory_space<hbm>> -> memref<1x16x128xi32, #tpu.memory_space<hbm>>
          %dma_start3A_510 = tpu.memref_squeeze %dma_start3A_509 : memref<1x16x128xi32, #tpu.memory_space<hbm>> -> memref<16x128xi32, #tpu.memory_space<hbm>>
          %dma_start3A_511 = arith.constant 0 : i32
          %dma_start3A_512 = arith.constant 0 : i32
          %dma_start3A_513 = tpu.memref_slice %arg8[%sub3A_500, %dma_start3A_511, %dma_start3A_512] : memref<2x16x128xi32, #tpu.memory_space<vmem>> -> memref<1x16x128xi32, #tpu.memory_space<vmem>>
          %dma_start3A_514 = tpu.memref_squeeze %dma_start3A_513 : memref<1x16x128xi32, #tpu.memory_space<vmem>> -> memref<16x128xi32, #tpu.memory_space<vmem>>
          %dma_start3A_515 = arith.constant 0 : i32
          %dma_start3A_516 = tpu.memref_slice %arg3[%add3A, %mul3A_502, %dma_start3A_515] : memref<32x80x128xi32, #tpu.memory_space<hbm>> -> memref<1x16x128xi32, #tpu.memory_space<hbm>>
          %dma_start3A_517 = tpu.memref_squeeze %dma_start3A_516 : memref<1x16x128xi32, #tpu.memory_space<hbm>> -> memref<16x128xi32, #tpu.memory_space<hbm>>
          tpu.enqueue_dma source(%dma_start3A_517 : memref<16x128xi32, #tpu.memory_space<hbm>>) target(%dma_start3A_514 : memref<16x128xi32, #tpu.memory_space<vmem>>) target_semaphore(%run_scoped3A_503 : memref<!tpu.dma_semaphore, #tpu.memory_space<semaphore_mem>>)
          %dma_wait3A_518 = arith.constant 0 : i32
          %dma_wait3A_519 = arith.constant 0 : i32
          %dma_wait3A_520 = tpu.memref_slice %arg8[%sub3A_500, %dma_wait3A_518, %dma_wait3A_519] : memref<2x16x128xi32, #tpu.memory_space<vmem>> -> memref<1x16x128xi32, #tpu.memory_space<vmem>>
          %dma_wait3A_521 = tpu.memref_squeeze %dma_wait3A_520 : memref<1x16x128xi32, #tpu.memory_space<vmem>> -> memref<16x128xi32, #tpu.memory_space<vmem>>
          %dma_wait3A_522 = arith.constant 0 : i32
          %dma_wait3A_523 = tpu.memref_slice %arg3[%add3A, %mul3A_502, %dma_wait3A_522] : memref<32x80x128xi32, #tpu.memory_space<hbm>> -> memref<1x16x128xi32, #tpu.memory_space<hbm>>
          %dma_wait3A_524 = tpu.memref_squeeze %dma_wait3A_523 : memref<1x16x128xi32, #tpu.memory_space<hbm>> -> memref<16x128xi32, #tpu.memory_space<hbm>>
          %dma_wait3A_525 = arith.constant 0 : i32
          %dma_wait3A_526 = arith.constant 0 : i32
          %dma_wait3A_527 = tpu.memref_slice %arg8[%sub3A_500, %dma_wait3A_525, %dma_wait3A_526] : memref<2x16x128xi32, #tpu.memory_space<vmem>> -> memref<1x16x128xi32, #tpu.memory_space<vmem>>
          %dma_wait3A_528 = tpu.memref_squeeze %dma_wait3A_527 : memref<1x16x128xi32, #tpu.memory_space<vmem>> -> memref<16x128xi32, #tpu.memory_space<vmem>>
          %dma_wait3A_529 = arith.constant 0 : i32
          %dma_wait3A_530 = tpu.memref_slice %arg3[%add3A, %mul3A_502, %dma_wait3A_529] : memref<32x80x128xi32, #tpu.memory_space<hbm>> -> memref<1x16x128xi32, #tpu.memory_space<hbm>>
          %dma_wait3A_531 = tpu.memref_squeeze %dma_wait3A_530 : memref<1x16x128xi32, #tpu.memory_space<hbm>> -> memref<16x128xi32, #tpu.memory_space<hbm>>
          tpu.wait_dma2 semaphore(%run_scoped3A_503 : memref<!tpu.dma_semaphore, #tpu.memory_space<semaphore_mem>>) src(%dma_wait3A_531 : memref<16x128xi32, #tpu.memory_space<hbm>>) dst(%dma_wait3A_528 : memref<16x128xi32, #tpu.memory_space<vmem>>)
          tpu.yield
        }) : () -> ()
        "tpu.region"() ({
          %run_scoped3A_503 = tpu.sem_alloc : memref<!tpu.dma_semaphore, #tpu.memory_space<semaphore_mem>>
          %dma_start3A_504 = arith.constant 0 : i32
          %dma_start3A_505 = arith.constant 0 : i32
          %dma_start3A_506 = tpu.memref_slice %arg9[%sub3A_500, %dma_start3A_504, %dma_start3A_505] : memref<2x16x128xf32, #tpu.memory_space<vmem>> -> memref<1x16x128xf32, #tpu.memory_space<vmem>>
          %dma_start3A_507 = tpu.memref_squeeze %dma_start3A_506 : memref<1x16x128xf32, #tpu.memory_space<vmem>> -> memref<16x128xf32, #tpu.memory_space<vmem>>
          %dma_start3A_508 = arith.constant 0 : i32
          %dma_start3A_509 = tpu.memref_slice %arg4[%add3A, %mul3A_502, %dma_start3A_508] : memref<32x80x128xf32, #tpu.memory_space<hbm>> -> memref<1x16x128xf32, #tpu.memory_space<hbm>>
          %dma_start3A_510 = tpu.memref_squeeze %dma_start3A_509 : memref<1x16x128xf32, #tpu.memory_space<hbm>> -> memref<16x128xf32, #tpu.memory_space<hbm>>
          %dma_start3A_511 = arith.constant 0 : i32
          %dma_start3A_512 = arith.constant 0 : i32
          %dma_start3A_513 = tpu.memref_slice %arg9[%sub3A_500, %dma_start3A_511, %dma_start3A_512] : memref<2x16x128xf32, #tpu.memory_space<vmem>> -> memref<1x16x128xf32, #tpu.memory_space<vmem>>
          %dma_start3A_514 = tpu.memref_squeeze %dma_start3A_513 : memref<1x16x128xf32, #tpu.memory_space<vmem>> -> memref<16x128xf32, #tpu.memory_space<vmem>>
          %dma_start3A_515 = arith.constant 0 : i32
          %dma_start3A_516 = tpu.memref_slice %arg4[%add3A, %mul3A_502, %dma_start3A_515] : memref<32x80x128xf32, #tpu.memory_space<hbm>> -> memref<1x16x128xf32, #tpu.memory_space<hbm>>
          %dma_start3A_517 = tpu.memref_squeeze %dma_start3A_516 : memref<1x16x128xf32, #tpu.memory_space<hbm>> -> memref<16x128xf32, #tpu.memory_space<hbm>>
          tpu.enqueue_dma source(%dma_start3A_517 : memref<16x128xf32, #tpu.memory_space<hbm>>) target(%dma_start3A_514 : memref<16x128xf32, #tpu.memory_space<vmem>>) target_semaphore(%run_scoped3A_503 : memref<!tpu.dma_semaphore, #tpu.memory_space<semaphore_mem>>)
          %dma_wait3A_518 = arith.constant 0 : i32
          %dma_wait3A_519 = arith.constant 0 : i32
          %dma_wait3A_520 = tpu.memref_slice %arg9[%sub3A_500, %dma_wait3A_518, %dma_wait3A_519] : memref<2x16x128xf32, #tpu.memory_space<vmem>> -> memref<1x16x128xf32, #tpu.memory_space<vmem>>
          %dma_wait3A_521 = tpu.memref_squeeze %dma_wait3A_520 : memref<1x16x128xf32, #tpu.memory_space<vmem>> -> memref<16x128xf32, #tpu.memory_space<vmem>>
          %dma_wait3A_522 = arith.constant 0 : i32
          %dma_wait3A_523 = tpu.memref_slice %arg4[%add3A, %mul3A_502, %dma_wait3A_522] : memref<32x80x128xf32, #tpu.memory_space<hbm>> -> memref<1x16x128xf32, #tpu.memory_space<hbm>>
          %dma_wait3A_524 = tpu.memref_squeeze %dma_wait3A_523 : memref<1x16x128xf32, #tpu.memory_space<hbm>> -> memref<16x128xf32, #tpu.memory_space<hbm>>
          %dma_wait3A_525 = arith.constant 0 : i32
          %dma_wait3A_526 = arith.constant 0 : i32
          %dma_wait3A_527 = tpu.memref_slice %arg9[%sub3A_500, %dma_wait3A_525, %dma_wait3A_526] : memref<2x16x128xf32, #tpu.memory_space<vmem>> -> memref<1x16x128xf32, #tpu.memory_space<vmem>>
          %dma_wait3A_528 = tpu.memref_squeeze %dma_wait3A_527 : memref<1x16x128xf32, #tpu.memory_space<vmem>> -> memref<16x128xf32, #tpu.memory_space<vmem>>
          %dma_wait3A_529 = arith.constant 0 : i32
          %dma_wait3A_530 = tpu.memref_slice %arg4[%add3A, %mul3A_502, %dma_wait3A_529] : memref<32x80x128xf32, #tpu.memory_space<hbm>> -> memref<1x16x128xf32, #tpu.memory_space<hbm>>
          %dma_wait3A_531 = tpu.memref_squeeze %dma_wait3A_530 : memref<1x16x128xf32, #tpu.memory_space<hbm>> -> memref<16x128xf32, #tpu.memory_space<hbm>>
          tpu.wait_dma2 semaphore(%run_scoped3A_503 : memref<!tpu.dma_semaphore, #tpu.memory_space<semaphore_mem>>) src(%dma_wait3A_531 : memref<16x128xf32, #tpu.memory_space<hbm>>) dst(%dma_wait3A_528 : memref<16x128xf32, #tpu.memory_space<vmem>>)
          tpu.yield
        }) : () -> ()
      } else {
      }
      %and3A_364 = arith.constant 1 : i32
      %and3A_365 = arith.andi %scan3A_294, %and3A_364 : i32
      %ge3A = arith.constant 2 : i32
      %ge3A_366 = arith.cmpi sge, %scan3A_294, %ge3A : i32
      %convert_element_type3A_367 = arith.extui %ge3A_366 : i1 to i32
      %cond3A_368 = arith.constant 0 : i32
      %cond3A_369 = arith.cmpi ne, %convert_element_type3A_367, %cond3A_368 : i32
      scf.if %cond3A_369 {
        %dma_wait3A_497 = arith.constant 0 : i32
        %dma_wait3A_498 = arith.constant 0 : i32
        %dma_wait3A_499 = tpu.memref_slice %arg13[%and3A_365, %dma_wait3A_497, %dma_wait3A_498] : memref<2x64x128xf32, #tpu.memory_space<vmem>> -> memref<1x64x128xf32, #tpu.memory_space<vmem>>
        %dma_wait3A_500 = tpu.memref_squeeze %dma_wait3A_499 : memref<1x64x128xf32, #tpu.memory_space<vmem>> -> memref<64x128xf32, #tpu.memory_space<vmem>>
        %dma_wait3A_501 = arith.constant 0 : i32
        %dma_wait3A_502 = tpu.memref_slice %arg11[%and3A_365, %dma_wait3A_501] : memref<2x64xi32, #tpu.memory_space<vmem>> -> memref<1x64xi32, #tpu.memory_space<vmem>>
        %dma_wait3A_503 = tpu.memref_squeeze %dma_wait3A_502 : memref<1x64xi32, #tpu.memory_space<vmem>> -> memref<64xi32, #tpu.memory_space<vmem>>
        %dma_wait3A_504 = arith.constant 0 : i32
        %dma_wait3A_505 = arith.constant 0 : i32
        %dma_wait3A_506 = tpu.memref_slice %arg14[%dma_wait3A_504, %dma_wait3A_505] : memref<10112x128xf32, #tpu.memory_space<vmem_shared>> -> memref<10112x128xf32, #tpu.memory_space<vmem_shared>>
        %dma_wait3A_507 = tpu.memref_slice %arg16[%and3A_365] : memref<2x!tpu.dma_semaphore, #tpu.memory_space<semaphore_mem>> -> memref<1x!tpu.dma_semaphore, #tpu.memory_space<semaphore_mem>>
        %dma_wait3A_508 = tpu.memref_squeeze %dma_wait3A_507 : memref<1x!tpu.dma_semaphore, #tpu.memory_space<semaphore_mem>> -> memref<!tpu.dma_semaphore, #tpu.memory_space<semaphore_mem>>
        tpu.wait_indirect_dma semaphore(%dma_wait3A_508 : memref<!tpu.dma_semaphore, #tpu.memory_space<semaphore_mem>>) src(%dma_wait3A_500 : memref<64x128xf32, #tpu.memory_space<vmem>>) dst(%dma_wait3A_506 : memref<10112x128xf32, #tpu.memory_space<vmem_shared>>)
      } else {
      }
      %jit3A_370 = arith.constant 2 : i32
      %div3A_371 = arith.divsi %scan3A_294, %jit3A_370 : i32
      %sign3A_372 = arith.constant 0 : i32
      %sign3A_373 = arith.cmpi sgt, %scan3A_294, %sign3A_372 : i32
      %sign3A_374 = arith.extui %sign3A_373 : i1 to i32
      %sign3A_375 = arith.constant 0 : i32
      %sign3A_376 = arith.cmpi slt, %scan3A_294, %sign3A_375 : i32
      %sign3A_377 = arith.extui %sign3A_376 : i1 to i32
      %sign3A_378 = arith.subi %sign3A_374, %sign3A_377 : i32
      %sign3A_379 = arith.constant 0 : i32
      %sign3A_380 = arith.cmpi sgt, %jit3A_370, %sign3A_379 : i32
      %sign3A_381 = arith.extui %sign3A_380 : i1 to i32
      %sign3A_382 = arith.constant 0 : i32
      %sign3A_383 = arith.cmpi slt, %jit3A_370, %sign3A_382 : i32
      %sign3A_384 = arith.extui %sign3A_383 : i1 to i32
      %sign3A_385 = arith.subi %sign3A_381, %sign3A_384 : i32
      %ne3A_386 = arith.cmpi ne, %sign3A_378, %sign3A_385 : i32
      %rem3A_387 = arith.remsi %scan3A_294, %jit3A_370 : i32
      %ne3A_388 = arith.constant 0 : i32
      %ne3A_389 = arith.cmpi ne, %rem3A_387, %ne3A_388 : i32
      %and3A_390 = arith.andi %ne3A_386, %ne3A_389 : i1
      %sub3A_391 = arith.constant 1 : i32
      %sub3A_392 = arith.subi %div3A_371, %sub3A_391 : i32
      %select_n3A_393 = arith.select %and3A_390, %sub3A_392, %div3A_371 : i32
      %jit3A_394 = arith.constant 16 : i32
      %div3A_395 = arith.divsi %select_n3A_393, %jit3A_394 : i32
      %sign3A_396 = arith.constant 0 : i32
      %sign3A_397 = arith.cmpi sgt, %select_n3A_393, %sign3A_396 : i32
      %sign3A_398 = arith.extui %sign3A_397 : i1 to i32
      %sign3A_399 = arith.constant 0 : i32
      %sign3A_400 = arith.cmpi slt, %select_n3A_393, %sign3A_399 : i32
      %sign3A_401 = arith.extui %sign3A_400 : i1 to i32
      %sign3A_402 = arith.subi %sign3A_398, %sign3A_401 : i32
      %sign3A_403 = arith.constant 0 : i32
      %sign3A_404 = arith.cmpi sgt, %jit3A_394, %sign3A_403 : i32
      %sign3A_405 = arith.extui %sign3A_404 : i1 to i32
      %sign3A_406 = arith.constant 0 : i32
      %sign3A_407 = arith.cmpi slt, %jit3A_394, %sign3A_406 : i32
      %sign3A_408 = arith.extui %sign3A_407 : i1 to i32
      %sign3A_409 = arith.subi %sign3A_405, %sign3A_408 : i32
      %ne3A_410 = arith.cmpi ne, %sign3A_402, %sign3A_409 : i32
      %rem3A_411 = arith.remsi %select_n3A_393, %jit3A_394 : i32
      %ne3A_412 = arith.constant 0 : i32
      %ne3A_413 = arith.cmpi ne, %rem3A_411, %ne3A_412 : i32
      %and3A_414 = arith.andi %ne3A_410, %ne3A_413 : i1
      %sub3A_415 = arith.constant 1 : i32
      %sub3A_416 = arith.subi %div3A_395, %sub3A_415 : i32
      %select_n3A_417 = arith.select %and3A_414, %sub3A_416, %div3A_395 : i32
      %mul3A_418 = arith.constant 16 : i32
      %mul3A_419 = arith.muli %select_n3A_417, %mul3A_418 : i32
      %sub3A_420 = arith.subi %select_n3A_393, %mul3A_419 : i32
      %and3A_421 = arith.constant 1 : i32
      %and3A_422 = arith.andi %select_n3A_417, %and3A_421 : i32
      %and3A_423 = arith.constant 1 : i32
      %and3A_424 = arith.andi %scan3A_294, %and3A_423 : i32
      %mul3A_425 = arith.constant 64 : i32
      %mul3A_426 = arith.muli %and3A_424, %mul3A_425 : i32
      %add3A_427 = arith.constant 0 : i32
      %add3A_428 = arith.addi %mul3A_426, %add3A_427 : i32
      %get3A_429 = arith.index_cast %and3A_422 : i32 to index
      %get3A_430 = arith.index_cast %sub3A_420 : i32 to index
      %get3A_431 = arith.index_cast %add3A_428 : i32 to index
      %get3A_432 = tpu.vector_load %arg8[%get3A_429, %get3A_430, %get3A_431] {strides = array<i32>} : memref<2x16x128xi32, #tpu.memory_space<vmem>>, vector<16xi32>,
      %swap3A_433 = arith.index_cast %and3A_365 : i32 to index
      %swap3A_434 = arith.constant 0 : index
      %swap3A_435 = tpu.vector_load %arg11[%swap3A_433, %swap3A_434] {strides = array<i32>} : memref<2x64xi32, #tpu.memory_space<vmem>>, vector<16xi32>,
      tpu.vector_store %arg11[%swap3A_433, %swap3A_434], %get3A_432 {strides = array<i32>} : memref<2x64xi32, #tpu.memory_space<vmem>>, vector<16xi32>,
      %add3A_436 = arith.constant 16 : i32
      %add3A_437 = arith.addi %mul3A_426, %add3A_436 : i32
      %get3A_438 = arith.index_cast %and3A_422 : i32 to index
      %get3A_439 = arith.index_cast %sub3A_420 : i32 to index
      %get3A_440 = arith.index_cast %add3A_437 : i32 to index
      %get3A_441 = tpu.vector_load %arg8[%get3A_438, %get3A_439, %get3A_440] {strides = array<i32>} : memref<2x16x128xi32, #tpu.memory_space<vmem>>, vector<16xi32>,
      %swap3A_442 = arith.index_cast %and3A_365 : i32 to index
      %swap3A_443 = arith.constant 16 : index
      %swap3A_444 = tpu.vector_load %arg11[%swap3A_442, %swap3A_443] {strides = array<i32>} : memref<2x64xi32, #tpu.memory_space<vmem>>, vector<16xi32>,
      tpu.vector_store %arg11[%swap3A_442, %swap3A_443], %get3A_441 {strides = array<i32>} : memref<2x64xi32, #tpu.memory_space<vmem>>, vector<16xi32>,
      %add3A_445 = arith.constant 32 : i32
      %add3A_446 = arith.addi %mul3A_426, %add3A_445 : i32
      %get3A_447 = arith.index_cast %and3A_422 : i32 to index
      %get3A_448 = arith.index_cast %sub3A_420 : i32 to index
      %get3A_449 = arith.index_cast %add3A_446 : i32 to index
      %get3A_450 = tpu.vector_load %arg8[%get3A_447, %get3A_448, %get3A_449] {strides = array<i32>} : memref<2x16x128xi32, #tpu.memory_space<vmem>>, vector<16xi32>,
      %swap3A_451 = arith.index_cast %and3A_365 : i32 to index
      %swap3A_452 = arith.constant 32 : index
      %swap3A_453 = tpu.vector_load %arg11[%swap3A_451, %swap3A_452] {strides = array<i32>} : memref<2x64xi32, #tpu.memory_space<vmem>>, vector<16xi32>,
      tpu.vector_store %arg11[%swap3A_451, %swap3A_452], %get3A_450 {strides = array<i32>} : memref<2x64xi32, #tpu.memory_space<vmem>>, vector<16xi32>,
      %add3A_454 = arith.constant 48 : i32
      %add3A_455 = arith.addi %mul3A_426, %add3A_454 : i32
      %get3A_456 = arith.index_cast %and3A_422 : i32 to index
      %get3A_457 = arith.index_cast %sub3A_420 : i32 to index
      %get3A_458 = arith.index_cast %add3A_455 : i32 to index
      %get3A_459 = tpu.vector_load %arg8[%get3A_456, %get3A_457, %get3A_458] {strides = array<i32>} : memref<2x16x128xi32, #tpu.memory_space<vmem>>, vector<16xi32>,
      %swap3A_460 = arith.index_cast %and3A_365 : i32 to index
      %swap3A_461 = arith.constant 48 : index
      %swap3A_462 = tpu.vector_load %arg11[%swap3A_460, %swap3A_461] {strides = array<i32>} : memref<2x64xi32, #tpu.memory_space<vmem>>, vector<16xi32>,
      tpu.vector_store %arg11[%swap3A_460, %swap3A_461], %get3A_459 {strides = array<i32>} : memref<2x64xi32, #tpu.memory_space<vmem>>, vector<16xi32>,
      %broadcast_in_dim3A_463 = vector.broadcast %and3A_339 : i32 to vector<16xi32>
      %broadcast_in_dim3A_464 = vector.broadcast %sub3A_337 : i32 to vector<16xi32>
      %broadcast_in_dim3A_465 = arith.constant 0 : i32
      %broadcast_in_dim3A_466 = vector.broadcast %broadcast_in_dim3A_465 : i32 to vector<16xi32>
      %and3A_467 = arith.constant 1 : i32
      %and3A_468 = arith.andi %scan3A_294, %and3A_467 : i32
      %mul3A_469 = arith.constant 64 : i32
      %mul3A_470 = arith.muli %and3A_468, %mul3A_469 : i32
      %add3A_471 = vector.broadcast %mul3A_470 : i32 to vector<16xi32>
      %add3A_472 = arith.addi %broadcast_in_dim3A_466, %add3A_471 : vector<16xi32>
      %broadcast_in_dim3A_473 = vector.broadcast %and3A_365 : i32 to vector<16xi32>
      %broadcast_in_dim3A_474 = arith.constant -65536 : i32
      %broadcast_in_dim3A_475 = vector.broadcast %broadcast_in_dim3A_474 : i32 to vector<16xi32>
      %parallel_loop3A = arith.constant 0 : i32
      %parallel_loop3A_476 = arith.constant 64 : i32
      %parallel_loop3A_477 = arith.constant 1 : i32
      scf.for %parallel_loop3A_497 = %parallel_loop3A to %parallel_loop3A_476 step %parallel_loop3A_477  : i32 {
        %parallel_loop3A_498 = vector.broadcast %parallel_loop3A_497 : i32 to vector<16xi32>
        %parallel_loop3A_499 = arith.addi %add3A_472, %parallel_loop3A_498 : vector<16xi32>
        %parallel_loop3A_500 = tpu.vector_load_idx %arg9[%broadcast_in_dim3A_463, %broadcast_in_dim3A_464, %parallel_loop3A_499] : memref<2x16x128xf32, #tpu.memory_space<vmem>>[vector<16xi32>, vector<16xi32>, vector<16xi32>], vector<16xf32>,
        %parallel_loop3A_501 = arith.constant 0 : i32
        %parallel_loop3A_502 = vector.broadcast %parallel_loop3A_501 : i32 to vector<16xi32>
        %parallel_loop3A_503 = vector.broadcast %parallel_loop3A_497 : i32 to vector<16xi32>
        %parallel_loop3A_504 = arith.addi %parallel_loop3A_502, %parallel_loop3A_503 : vector<16xi32>
        %parallel_loop3A_505 = arith.index_cast %and3A_341 : i32 to index
        %parallel_loop3A_506 = arith.index_cast %parallel_loop3A_497 : i32 to index
        %parallel_loop3A_507 = arith.constant 0 : index
        %parallel_loop3A_508 = tpu.vector_load %arg12[%parallel_loop3A_505, %parallel_loop3A_506, %parallel_loop3A_507] {strides = array<i32>} : memref<4x64x64xi32, #tpu.memory_space<vmem>>, vector<16xi32>,
        %parallel_loop3A_509 = arith.constant 16 : i32
        %parallel_loop3A_510 = vector.broadcast %parallel_loop3A_509 : i32 to vector<16xi32>
        %parallel_loop3A_511 = arith.shli %parallel_loop3A_508, %parallel_loop3A_510 : vector<16xi32>
        %parallel_loop3A_512 = vector.bitcast %parallel_loop3A_511 : vector<16xi32> to vector<16xf32>
        %parallel_loop3A_513 = arith.mulf %parallel_loop3A_512, %parallel_loop3A_500 : vector<16xf32>
        %parallel_loop3A_514 = arith.andi %parallel_loop3A_508, %broadcast_in_dim3A_475 : vector<16xi32>
        %parallel_loop3A_515 = vector.bitcast %parallel_loop3A_514 : vector<16xi32> to vector<16xf32>
        %parallel_loop3A_516 = arith.mulf %parallel_loop3A_515, %parallel_loop3A_500 : vector<16xf32>
        %parallel_loop3A_517 = tpu.iota {dimensions = array<i32: 0>} : vector<16xi32>
        %parallel_loop3A_518 = arith.constant 2 : i32
        %parallel_loop3A_519 = vector.broadcast %parallel_loop3A_518 : i32 to vector<16xi32>
        %parallel_loop3A_520 = arith.muli %parallel_loop3A_519, %parallel_loop3A_517 : vector<16xi32>
        %parallel_loop3A_521 = arith.constant 0 : i32
        %parallel_loop3A_522 = vector.broadcast %parallel_loop3A_521 : i32 to vector<16xi32>
        %parallel_loop3A_523 = arith.addi %parallel_loop3A_522, %parallel_loop3A_520 : vector<16xi32>
        %parallel_loop3A_524 = arith.constant 0 : i32
        %parallel_loop3A_525 = vector.broadcast %parallel_loop3A_524 : i32 to vector<16xi32>
        %parallel_loop3A_526 = arith.addi %parallel_loop3A_523, %parallel_loop3A_525 : vector<16xi32>
        tpu.vector_store_idx %arg13[%broadcast_in_dim3A_473, %parallel_loop3A_504, %parallel_loop3A_526], %parallel_loop3A_513 : memref<2x64x128xf32, #tpu.memory_space<vmem>>[vector<16xi32>, vector<16xi32>, vector<16xi32>], vector<16xf32>,
        %parallel_loop3A_527 = arith.constant 1 : i32
        %parallel_loop3A_528 = vector.broadcast %parallel_loop3A_527 : i32 to vector<16xi32>
        %parallel_loop3A_529 = arith.addi %parallel_loop3A_526, %parallel_loop3A_528 : vector<16xi32>
        tpu.vector_store_idx %arg13[%broadcast_in_dim3A_473, %parallel_loop3A_504, %parallel_loop3A_529], %parallel_loop3A_516 : memref<2x64x128xf32, #tpu.memory_space<vmem>>[vector<16xi32>, vector<16xi32>, vector<16xi32>], vector<16xf32>,
        %parallel_loop3A_530 = arith.index_cast %and3A_341 : i32 to index
        %parallel_loop3A_531 = arith.index_cast %parallel_loop3A_497 : i32 to index
        %parallel_loop3A_532 = arith.constant 16 : index
        %parallel_loop3A_533 = tpu.vector_load %arg12[%parallel_loop3A_530, %parallel_loop3A_531, %parallel_loop3A_532] {strides = array<i32>} : memref<4x64x64xi32, #tpu.memory_space<vmem>>, vector<16xi32>,
        %parallel_loop3A_534 = arith.constant 16 : i32
        %parallel_loop3A_535 = vector.broadcast %parallel_loop3A_534 : i32 to vector<16xi32>
        %parallel_loop3A_536 = arith.shli %parallel_loop3A_533, %parallel_loop3A_535 : vector<16xi32>
        %parallel_loop3A_537 = vector.bitcast %parallel_loop3A_536 : vector<16xi32> to vector<16xf32>
        %parallel_loop3A_538 = arith.mulf %parallel_loop3A_537, %parallel_loop3A_500 : vector<16xf32>
        %parallel_loop3A_539 = arith.andi %parallel_loop3A_533, %broadcast_in_dim3A_475 : vector<16xi32>
        %parallel_loop3A_540 = vector.bitcast %parallel_loop3A_539 : vector<16xi32> to vector<16xf32>
        %parallel_loop3A_541 = arith.mulf %parallel_loop3A_540, %parallel_loop3A_500 : vector<16xf32>
        %parallel_loop3A_542 = tpu.iota {dimensions = array<i32: 0>} : vector<16xi32>
        %parallel_loop3A_543 = arith.constant 2 : i32
        %parallel_loop3A_544 = vector.broadcast %parallel_loop3A_543 : i32 to vector<16xi32>
        %parallel_loop3A_545 = arith.muli %parallel_loop3A_544, %parallel_loop3A_542 : vector<16xi32>
        %parallel_loop3A_546 = arith.constant 0 : i32
        %parallel_loop3A_547 = vector.broadcast %parallel_loop3A_546 : i32 to vector<16xi32>
        %parallel_loop3A_548 = arith.addi %parallel_loop3A_547, %parallel_loop3A_545 : vector<16xi32>
        %parallel_loop3A_549 = arith.constant 32 : i32
        %parallel_loop3A_550 = vector.broadcast %parallel_loop3A_549 : i32 to vector<16xi32>
        %parallel_loop3A_551 = arith.addi %parallel_loop3A_548, %parallel_loop3A_550 : vector<16xi32>
        tpu.vector_store_idx %arg13[%broadcast_in_dim3A_473, %parallel_loop3A_504, %parallel_loop3A_551], %parallel_loop3A_538 : memref<2x64x128xf32, #tpu.memory_space<vmem>>[vector<16xi32>, vector<16xi32>, vector<16xi32>], vector<16xf32>,
        %parallel_loop3A_552 = arith.constant 1 : i32
        %parallel_loop3A_553 = vector.broadcast %parallel_loop3A_552 : i32 to vector<16xi32>
        %parallel_loop3A_554 = arith.addi %parallel_loop3A_551, %parallel_loop3A_553 : vector<16xi32>
        tpu.vector_store_idx %arg13[%broadcast_in_dim3A_473, %parallel_loop3A_504, %parallel_loop3A_554], %parallel_loop3A_541 : memref<2x64x128xf32, #tpu.memory_space<vmem>>[vector<16xi32>, vector<16xi32>, vector<16xi32>], vector<16xf32>,
        %parallel_loop3A_555 = arith.index_cast %and3A_341 : i32 to index
        %parallel_loop3A_556 = arith.index_cast %parallel_loop3A_497 : i32 to index
        %parallel_loop3A_557 = arith.constant 32 : index
        %parallel_loop3A_558 = tpu.vector_load %arg12[%parallel_loop3A_555, %parallel_loop3A_556, %parallel_loop3A_557] {strides = array<i32>} : memref<4x64x64xi32, #tpu.memory_space<vmem>>, vector<16xi32>,
        %parallel_loop3A_559 = arith.constant 16 : i32
        %parallel_loop3A_560 = vector.broadcast %parallel_loop3A_559 : i32 to vector<16xi32>
        %parallel_loop3A_561 = arith.shli %parallel_loop3A_558, %parallel_loop3A_560 : vector<16xi32>
        %parallel_loop3A_562 = vector.bitcast %parallel_loop3A_561 : vector<16xi32> to vector<16xf32>
        %parallel_loop3A_563 = arith.mulf %parallel_loop3A_562, %parallel_loop3A_500 : vector<16xf32>
        %parallel_loop3A_564 = arith.andi %parallel_loop3A_558, %broadcast_in_dim3A_475 : vector<16xi32>
        %parallel_loop3A_565 = vector.bitcast %parallel_loop3A_564 : vector<16xi32> to vector<16xf32>
        %parallel_loop3A_566 = arith.mulf %parallel_loop3A_565, %parallel_loop3A_500 : vector<16xf32>
        %parallel_loop3A_567 = tpu.iota {dimensions = array<i32: 0>} : vector<16xi32>
        %parallel_loop3A_568 = arith.constant 2 : i32
        %parallel_loop3A_569 = vector.broadcast %parallel_loop3A_568 : i32 to vector<16xi32>
        %parallel_loop3A_570 = arith.muli %parallel_loop3A_569, %parallel_loop3A_567 : vector<16xi32>
        %parallel_loop3A_571 = arith.constant 0 : i32
        %parallel_loop3A_572 = vector.broadcast %parallel_loop3A_571 : i32 to vector<16xi32>
        %parallel_loop3A_573 = arith.addi %parallel_loop3A_572, %parallel_loop3A_570 : vector<16xi32>
        %parallel_loop3A_574 = arith.constant 64 : i32
        %parallel_loop3A_575 = vector.broadcast %parallel_loop3A_574 : i32 to vector<16xi32>
        %parallel_loop3A_576 = arith.addi %parallel_loop3A_573, %parallel_loop3A_575 : vector<16xi32>
        tpu.vector_store_idx %arg13[%broadcast_in_dim3A_473, %parallel_loop3A_504, %parallel_loop3A_576], %parallel_loop3A_563 : memref<2x64x128xf32, #tpu.memory_space<vmem>>[vector<16xi32>, vector<16xi32>, vector<16xi32>], vector<16xf32>,
        %parallel_loop3A_577 = arith.constant 1 : i32
        %parallel_loop3A_578 = vector.broadcast %parallel_loop3A_577 : i32 to vector<16xi32>
        %parallel_loop3A_579 = arith.addi %parallel_loop3A_576, %parallel_loop3A_578 : vector<16xi32>
        tpu.vector_store_idx %arg13[%broadcast_in_dim3A_473, %parallel_loop3A_504, %parallel_loop3A_579], %parallel_loop3A_566 : memref<2x64x128xf32, #tpu.memory_space<vmem>>[vector<16xi32>, vector<16xi32>, vector<16xi32>], vector<16xf32>,
        %parallel_loop3A_580 = arith.index_cast %and3A_341 : i32 to index
        %parallel_loop3A_581 = arith.index_cast %parallel_loop3A_497 : i32 to index
        %parallel_loop3A_582 = arith.constant 48 : index
        %parallel_loop3A_583 = tpu.vector_load %arg12[%parallel_loop3A_580, %parallel_loop3A_581, %parallel_loop3A_582] {strides = array<i32>} : memref<4x64x64xi32, #tpu.memory_space<vmem>>, vector<16xi32>,
        %parallel_loop3A_584 = arith.constant 16 : i32
        %parallel_loop3A_585 = vector.broadcast %parallel_loop3A_584 : i32 to vector<16xi32>
        %parallel_loop3A_586 = arith.shli %parallel_loop3A_583, %parallel_loop3A_585 : vector<16xi32>
        %parallel_loop3A_587 = vector.bitcast %parallel_loop3A_586 : vector<16xi32> to vector<16xf32>
        %parallel_loop3A_588 = arith.mulf %parallel_loop3A_587, %parallel_loop3A_500 : vector<16xf32>
        %parallel_loop3A_589 = arith.andi %parallel_loop3A_583, %broadcast_in_dim3A_475 : vector<16xi32>
        %parallel_loop3A_590 = vector.bitcast %parallel_loop3A_589 : vector<16xi32> to vector<16xf32>
        %parallel_loop3A_591 = arith.mulf %parallel_loop3A_590, %parallel_loop3A_500 : vector<16xf32>
        %parallel_loop3A_592 = tpu.iota {dimensions = array<i32: 0>} : vector<16xi32>
        %parallel_loop3A_593 = arith.constant 2 : i32
        %parallel_loop3A_594 = vector.broadcast %parallel_loop3A_593 : i32 to vector<16xi32>
        %parallel_loop3A_595 = arith.muli %parallel_loop3A_594, %parallel_loop3A_592 : vector<16xi32>
        %parallel_loop3A_596 = arith.constant 0 : i32
        %parallel_loop3A_597 = vector.broadcast %parallel_loop3A_596 : i32 to vector<16xi32>
        %parallel_loop3A_598 = arith.addi %parallel_loop3A_597, %parallel_loop3A_595 : vector<16xi32>
        %parallel_loop3A_599 = arith.constant 96 : i32
        %parallel_loop3A_600 = vector.broadcast %parallel_loop3A_599 : i32 to vector<16xi32>
        %parallel_loop3A_601 = arith.addi %parallel_loop3A_598, %parallel_loop3A_600 : vector<16xi32>
        tpu.vector_store_idx %arg13[%broadcast_in_dim3A_473, %parallel_loop3A_504, %parallel_loop3A_601], %parallel_loop3A_588 : memref<2x64x128xf32, #tpu.memory_space<vmem>>[vector<16xi32>, vector<16xi32>, vector<16xi32>], vector<16xf32>,
        %parallel_loop3A_602 = arith.constant 1 : i32
        %parallel_loop3A_603 = vector.broadcast %parallel_loop3A_602 : i32 to vector<16xi32>
        %parallel_loop3A_604 = arith.addi %parallel_loop3A_601, %parallel_loop3A_603 : vector<16xi32>
        tpu.vector_store_idx %arg13[%broadcast_in_dim3A_473, %parallel_loop3A_504, %parallel_loop3A_604], %parallel_loop3A_591 : memref<2x64x128xf32, #tpu.memory_space<vmem>>[vector<16xi32>, vector<16xi32>, vector<16xi32>], vector<16xf32>,
      } {sc.loop_unroll_factor = 2 : i64, sc.parallel_access}
      %add3A_478 = arith.constant 4 : i32
      %add3A_479 = arith.addi %scan3A_294, %add3A_478 : i32
      %lt3A_480 = arith.constant 160 : i32
      %lt3A_481 = arith.cmpi slt, %add3A_479, %lt3A_480 : i32
      %convert_element_type3A_482 = arith.extui %lt3A_481 : i1 to i32
      %cond3A_483 = arith.constant 0 : i32
      %cond3A_484 = arith.cmpi ne, %convert_element_type3A_482, %cond3A_483 : i32
      scf.if %cond3A_484 {
        %add3A_497 = arith.constant 4 : i32
        %add3A_498 = arith.addi %scan3A_294, %add3A_497 : i32
        %jit3A_499 = arith.constant 2 : i32
        %div3A_500 = arith.divsi %add3A_498, %jit3A_499 : i32
        %sign3A_501 = arith.constant 0 : i32
        %sign3A_502 = arith.cmpi sgt, %add3A_498, %sign3A_501 : i32
        %sign3A_503 = arith.extui %sign3A_502 : i1 to i32
        %sign3A_504 = arith.constant 0 : i32
        %sign3A_505 = arith.cmpi slt, %add3A_498, %sign3A_504 : i32
        %sign3A_506 = arith.extui %sign3A_505 : i1 to i32
        %sign3A_507 = arith.subi %sign3A_503, %sign3A_506 : i32
        %sign3A_508 = arith.constant 0 : i32
        %sign3A_509 = arith.cmpi sgt, %jit3A_499, %sign3A_508 : i32
        %sign3A_510 = arith.extui %sign3A_509 : i1 to i32
        %sign3A_511 = arith.constant 0 : i32
        %sign3A_512 = arith.cmpi slt, %jit3A_499, %sign3A_511 : i32
        %sign3A_513 = arith.extui %sign3A_512 : i1 to i32
        %sign3A_514 = arith.subi %sign3A_510, %sign3A_513 : i32
        %ne3A_515 = arith.cmpi ne, %sign3A_507, %sign3A_514 : i32
        %rem3A_516 = arith.remsi %add3A_498, %jit3A_499 : i32
        %ne3A_517 = arith.constant 0 : i32
        %ne3A_518 = arith.cmpi ne, %rem3A_516, %ne3A_517 : i32
        %and3A_519 = arith.andi %ne3A_515, %ne3A_518 : i1
        %sub3A_520 = arith.constant 1 : i32
        %sub3A_521 = arith.subi %div3A_500, %sub3A_520 : i32
        %select_n3A_522 = arith.select %and3A_519, %sub3A_521, %div3A_500 : i32
        %jit3A_523 = arith.constant 16 : i32
        %div3A_524 = arith.divsi %select_n3A_522, %jit3A_523 : i32
        %sign3A_525 = arith.constant 0 : i32
        %sign3A_526 = arith.cmpi sgt, %select_n3A_522, %sign3A_525 : i32
        %sign3A_527 = arith.extui %sign3A_526 : i1 to i32
        %sign3A_528 = arith.constant 0 : i32
        %sign3A_529 = arith.cmpi slt, %select_n3A_522, %sign3A_528 : i32
        %sign3A_530 = arith.extui %sign3A_529 : i1 to i32
        %sign3A_531 = arith.subi %sign3A_527, %sign3A_530 : i32
        %sign3A_532 = arith.constant 0 : i32
        %sign3A_533 = arith.cmpi sgt, %jit3A_523, %sign3A_532 : i32
        %sign3A_534 = arith.extui %sign3A_533 : i1 to i32
        %sign3A_535 = arith.constant 0 : i32
        %sign3A_536 = arith.cmpi slt, %jit3A_523, %sign3A_535 : i32
        %sign3A_537 = arith.extui %sign3A_536 : i1 to i32
        %sign3A_538 = arith.subi %sign3A_534, %sign3A_537 : i32
        %ne3A_539 = arith.cmpi ne, %sign3A_531, %sign3A_538 : i32
        %rem3A_540 = arith.remsi %select_n3A_522, %jit3A_523 : i32
        %ne3A_541 = arith.constant 0 : i32
        %ne3A_542 = arith.cmpi ne, %rem3A_540, %ne3A_541 : i32
        %and3A_543 = arith.andi %ne3A_539, %ne3A_542 : i1
        %sub3A_544 = arith.constant 1 : i32
        %sub3A_545 = arith.subi %div3A_524, %sub3A_544 : i32
        %select_n3A_546 = arith.select %and3A_543, %sub3A_545, %div3A_524 : i32
        %mul3A_547 = arith.constant 16 : i32
        %mul3A_548 = arith.muli %select_n3A_546, %mul3A_547 : i32
        %sub3A_549 = arith.subi %select_n3A_522, %mul3A_548 : i32
        %and3A_550 = arith.constant 1 : i32
        %and3A_551 = arith.andi %select_n3A_546, %and3A_550 : i32
        %and3A_552 = arith.constant 1 : i32
        %and3A_553 = arith.andi %add3A_498, %and3A_552 : i32
        %mul3A_554 = arith.constant 64 : i32
        %mul3A_555 = arith.muli %and3A_553, %mul3A_554 : i32
        %add3A_556 = arith.constant 0 : i32
        %add3A_557 = arith.addi %mul3A_555, %add3A_556 : i32
        %get3A_558 = arith.index_cast %and3A_551 : i32 to index
        %get3A_559 = arith.index_cast %sub3A_549 : i32 to index
        %get3A_560 = arith.index_cast %add3A_557 : i32 to index
        %get3A_561 = tpu.vector_load %arg7[%get3A_558, %get3A_559, %get3A_560] {strides = array<i32>} : memref<2x16x128xi32, #tpu.memory_space<vmem>>, vector<16xi32>,
        %swap3A_562 = arith.index_cast %and3A_341 : i32 to index
        %swap3A_563 = arith.constant 0 : index
        %swap3A_564 = tpu.vector_load %arg10[%swap3A_562, %swap3A_563] {strides = array<i32>} : memref<4x64xi32, #tpu.memory_space<vmem>>, vector<16xi32>,
        tpu.vector_store %arg10[%swap3A_562, %swap3A_563], %get3A_561 {strides = array<i32>} : memref<4x64xi32, #tpu.memory_space<vmem>>, vector<16xi32>,
        %add3A_565 = arith.constant 16 : i32
        %add3A_566 = arith.addi %mul3A_555, %add3A_565 : i32
        %get3A_567 = arith.index_cast %and3A_551 : i32 to index
        %get3A_568 = arith.index_cast %sub3A_549 : i32 to index
        %get3A_569 = arith.index_cast %add3A_566 : i32 to index
        %get3A_570 = tpu.vector_load %arg7[%get3A_567, %get3A_568, %get3A_569] {strides = array<i32>} : memref<2x16x128xi32, #tpu.memory_space<vmem>>, vector<16xi32>,
        %swap3A_571 = arith.index_cast %and3A_341 : i32 to index
        %swap3A_572 = arith.constant 16 : index
        %swap3A_573 = tpu.vector_load %arg10[%swap3A_571, %swap3A_572] {strides = array<i32>} : memref<4x64xi32, #tpu.memory_space<vmem>>, vector<16xi32>,
        tpu.vector_store %arg10[%swap3A_571, %swap3A_572], %get3A_570 {strides = array<i32>} : memref<4x64xi32, #tpu.memory_space<vmem>>, vector<16xi32>,
        %add3A_574 = arith.constant 32 : i32
        %add3A_575 = arith.addi %mul3A_555, %add3A_574 : i32
        %get3A_576 = arith.index_cast %and3A_551 : i32 to index
        %get3A_577 = arith.index_cast %sub3A_549 : i32 to index
        %get3A_578 = arith.index_cast %add3A_575 : i32 to index
        %get3A_579 = tpu.vector_load %arg7[%get3A_576, %get3A_577, %get3A_578] {strides = array<i32>} : memref<2x16x128xi32, #tpu.memory_space<vmem>>, vector<16xi32>,
        %swap3A_580 = arith.index_cast %and3A_341 : i32 to index
        %swap3A_581 = arith.constant 32 : index
        %swap3A_582 = tpu.vector_load %arg10[%swap3A_580, %swap3A_581] {strides = array<i32>} : memref<4x64xi32, #tpu.memory_space<vmem>>, vector<16xi32>,
        tpu.vector_store %arg10[%swap3A_580, %swap3A_581], %get3A_579 {strides = array<i32>} : memref<4x64xi32, #tpu.memory_space<vmem>>, vector<16xi32>,
        %add3A_583 = arith.constant 48 : i32
        %add3A_584 = arith.addi %mul3A_555, %add3A_583 : i32
        %get3A_585 = arith.index_cast %and3A_551 : i32 to index
        %get3A_586 = arith.index_cast %sub3A_549 : i32 to index
        %get3A_587 = arith.index_cast %add3A_584 : i32 to index
        %get3A_588 = tpu.vector_load %arg7[%get3A_585, %get3A_586, %get3A_587] {strides = array<i32>} : memref<2x16x128xi32, #tpu.memory_space<vmem>>, vector<16xi32>,
        %swap3A_589 = arith.index_cast %and3A_341 : i32 to index
        %swap3A_590 = arith.constant 48 : index
        %swap3A_591 = tpu.vector_load %arg10[%swap3A_589, %swap3A_590] {strides = array<i32>} : memref<4x64xi32, #tpu.memory_space<vmem>>, vector<16xi32>,
        tpu.vector_store %arg10[%swap3A_589, %swap3A_590], %get3A_588 {strides = array<i32>} : memref<4x64xi32, #tpu.memory_space<vmem>>, vector<16xi32>,
        %dma_start3A_592 = arith.constant 0 : i32
        %dma_start3A_593 = arith.constant 0 : i32
        %dma_start3A_594 = tpu.memref_slice %arg12[%and3A_341, %dma_start3A_592, %dma_start3A_593] : memref<4x64x64xi32, #tpu.memory_space<vmem>> -> memref<1x64x64xi32, #tpu.memory_space<vmem>>
        %dma_start3A_595 = tpu.memref_squeeze %dma_start3A_594 : memref<1x64x64xi32, #tpu.memory_space<vmem>> -> memref<64x64xi32, #tpu.memory_space<vmem>>
        %dma_start3A_596 = arith.constant 0 : i32
        %dma_start3A_597 = tpu.memref_slice %arg10[%and3A_341, %dma_start3A_596] : memref<4x64xi32, #tpu.memory_space<vmem>> -> memref<1x64xi32, #tpu.memory_space<vmem>>
        %dma_start3A_598 = tpu.memref_squeeze %dma_start3A_597 : memref<1x64xi32, #tpu.memory_space<vmem>> -> memref<64xi32, #tpu.memory_space<vmem>>
        %dma_start3A_599 = arith.constant 0 : i32
        %dma_start3A_600 = arith.constant 0 : i32
        %dma_start3A_601 = tpu.memref_slice %arg5[%dma_start3A_599, %dma_start3A_600] : memref<10000x64xi32, #tpu.memory_space<hbm>> -> memref<10000x64xi32, #tpu.memory_space<hbm>>
        %dma_start3A_602 = tpu.memref_slice %arg15[%and3A_343] : memref<4x!tpu.dma_semaphore, #tpu.memory_space<semaphore_mem>> -> memref<1x!tpu.dma_semaphore, #tpu.memory_space<semaphore_mem>>
        %dma_start3A_603 = tpu.memref_squeeze %dma_start3A_602 : memref<1x!tpu.dma_semaphore, #tpu.memory_space<semaphore_mem>> -> memref<!tpu.dma_semaphore, #tpu.memory_space<semaphore_mem>>
        tpu.enqueue_indirect_dma source(%dma_start3A_601 : memref<10000x64xi32, #tpu.memory_space<hbm>>) target(%dma_start3A_595 : memref<64x64xi32, #tpu.memory_space<vmem>>) offsets(%dma_start3A_598 : memref<64xi32, #tpu.memory_space<vmem>>) semaphore(%dma_start3A_603 : memref<!tpu.dma_semaphore, #tpu.memory_space<semaphore_mem>>)
      } else {
      }
      %dma_start3A_485 = arith.constant 0 : i32
      %dma_start3A_486 = arith.constant 0 : i32
      %dma_start3A_487 = tpu.memref_slice %arg13[%and3A_365, %dma_start3A_485, %dma_start3A_486] : memref<2x64x128xf32, #tpu.memory_space<vmem>> -> memref<1x64x128xf32, #tpu.memory_space<vmem>>
      %dma_start3A_488 = tpu.memref_squeeze %dma_start3A_487 : memref<1x64x128xf32, #tpu.memory_space<vmem>> -> memref<64x128xf32, #tpu.memory_space<vmem>>
      %dma_start3A_489 = arith.constant 0 : i32
      %dma_start3A_490 = tpu.memref_slice %arg11[%and3A_365, %dma_start3A_489] : memref<2x64xi32, #tpu.memory_space<vmem>> -> memref<1x64xi32, #tpu.memory_space<vmem>>
      %dma_start3A_491 = tpu.memref_squeeze %dma_start3A_490 : memref<1x64xi32, #tpu.memory_space<vmem>> -> memref<64xi32, #tpu.memory_space<vmem>>
      %dma_start3A_492 = arith.constant 0 : i32
      %dma_start3A_493 = arith.constant 0 : i32
      %dma_start3A_494 = tpu.memref_slice %arg14[%dma_start3A_492, %dma_start3A_493] : memref<10112x128xf32, #tpu.memory_space<vmem_shared>> -> memref<10112x128xf32, #tpu.memory_space<vmem_shared>>
      %dma_start3A_495 = tpu.memref_slice %arg16[%and3A_365] : memref<2x!tpu.dma_semaphore, #tpu.memory_space<semaphore_mem>> -> memref<1x!tpu.dma_semaphore, #tpu.memory_space<semaphore_mem>>
      %dma_start3A_496 = tpu.memref_squeeze %dma_start3A_495 : memref<1x!tpu.dma_semaphore, #tpu.memory_space<semaphore_mem>> -> memref<!tpu.dma_semaphore, #tpu.memory_space<semaphore_mem>>
      tpu.enqueue_indirect_dma source(%dma_start3A_488 : memref<64x128xf32, #tpu.memory_space<vmem>>) target(%dma_start3A_494 : memref<10112x128xf32, #tpu.memory_space<vmem_shared>>) offsets(%dma_start3A_491 : memref<64xi32, #tpu.memory_space<vmem>>) semaphore(%dma_start3A_496 : memref<!tpu.dma_semaphore, #tpu.memory_space<semaphore_mem>>) {add = true}
    }
    %scan3A_263 = arith.constant 160 : i32
    %dma_wait3A = arith.constant 0 : i32
    %dma_wait3A_264 = arith.constant 0 : i32
    %dma_wait3A_265 = arith.constant 0 : i32
    %dma_wait3A_266 = arith.constant 0 : i32
    %dma_wait3A_267 = arith.constant 0 : i32
    %dma_wait3A_268 = tpu.memref_slice %arg13[%dma_wait3A, %dma_wait3A_266, %dma_wait3A_267] : memref<2x64x128xf32, #tpu.memory_space<vmem>> -> memref<1x64x128xf32, #tpu.memory_space<vmem>>
    %dma_wait3A_269 = tpu.memref_squeeze %dma_wait3A_268 : memref<1x64x128xf32, #tpu.memory_space<vmem>> -> memref<64x128xf32, #tpu.memory_space<vmem>>
    %dma_wait3A_270 = arith.constant 0 : i32
    %dma_wait3A_271 = tpu.memref_slice %arg11[%dma_wait3A_264, %dma_wait3A_270] : memref<2x64xi32, #tpu.memory_space<vmem>> -> memref<1x64xi32, #tpu.memory_space<vmem>>
    %dma_wait3A_272 = tpu.memref_squeeze %dma_wait3A_271 : memref<1x64xi32, #tpu.memory_space<vmem>> -> memref<64xi32, #tpu.memory_space<vmem>>
    %dma_wait3A_273 = arith.constant 0 : i32
    %dma_wait3A_274 = arith.constant 0 : i32
    %dma_wait3A_275 = tpu.memref_slice %arg14[%dma_wait3A_273, %dma_wait3A_274] : memref<10112x128xf32, #tpu.memory_space<vmem_shared>> -> memref<10112x128xf32, #tpu.memory_space<vmem_shared>>
    %dma_wait3A_276 = tpu.memref_slice %arg16[%dma_wait3A_265] : memref<2x!tpu.dma_semaphore, #tpu.memory_space<semaphore_mem>> -> memref<1x!tpu.dma_semaphore, #tpu.memory_space<semaphore_mem>>
    %dma_wait3A_277 = tpu.memref_squeeze %dma_wait3A_276 : memref<1x!tpu.dma_semaphore, #tpu.memory_space<semaphore_mem>> -> memref<!tpu.dma_semaphore, #tpu.memory_space<semaphore_mem>>
    tpu.wait_indirect_dma semaphore(%dma_wait3A_277 : memref<!tpu.dma_semaphore, #tpu.memory_space<semaphore_mem>>) src(%dma_wait3A_269 : memref<64x128xf32, #tpu.memory_space<vmem>>) dst(%dma_wait3A_275 : memref<10112x128xf32, #tpu.memory_space<vmem_shared>>)
    %dma_wait3A_278 = arith.constant 1 : i32
    %dma_wait3A_279 = arith.constant 1 : i32
    %dma_wait3A_280 = arith.constant 1 : i32
    %dma_wait3A_281 = arith.constant 0 : i32
    %dma_wait3A_282 = arith.constant 0 : i32
    %dma_wait3A_283 = tpu.memref_slice %arg13[%dma_wait3A_278, %dma_wait3A_281, %dma_wait3A_282] : memref<2x64x128xf32, #tpu.memory_space<vmem>> -> memref<1x64x128xf32, #tpu.memory_space<vmem>>
    %dma_wait3A_284 = tpu.memref_squeeze %dma_wait3A_283 : memref<1x64x128xf32, #tpu.memory_space<vmem>> -> memref<64x128xf32, #tpu.memory_space<vmem>>
    %dma_wait3A_285 = arith.constant 0 : i32
    %dma_wait3A_286 = tpu.memref_slice %arg11[%dma_wait3A_279, %dma_wait3A_285] : memref<2x64xi32, #tpu.memory_space<vmem>> -> memref<1x64xi32, #tpu.memory_space<vmem>>
    %dma_wait3A_287 = tpu.memref_squeeze %dma_wait3A_286 : memref<1x64xi32, #tpu.memory_space<vmem>> -> memref<64xi32, #tpu.memory_space<vmem>>
    %dma_wait3A_288 = arith.constant 0 : i32
    %dma_wait3A_289 = arith.constant 0 : i32
    %dma_wait3A_290 = tpu.memref_slice %arg14[%dma_wait3A_288, %dma_wait3A_289] : memref<10112x128xf32, #tpu.memory_space<vmem_shared>> -> memref<10112x128xf32, #tpu.memory_space<vmem_shared>>
    %dma_wait3A_291 = tpu.memref_slice %arg16[%dma_wait3A_280] : memref<2x!tpu.dma_semaphore, #tpu.memory_space<semaphore_mem>> -> memref<1x!tpu.dma_semaphore, #tpu.memory_space<semaphore_mem>>
    %dma_wait3A_292 = tpu.memref_squeeze %dma_wait3A_291 : memref<1x!tpu.dma_semaphore, #tpu.memory_space<semaphore_mem>> -> memref<!tpu.dma_semaphore, #tpu.memory_space<semaphore_mem>>
    tpu.wait_indirect_dma semaphore(%dma_wait3A_292 : memref<!tpu.dma_semaphore, #tpu.memory_space<semaphore_mem>>) src(%dma_wait3A_284 : memref<64x128xf32, #tpu.memory_space<vmem>>) dst(%dma_wait3A_290 : memref<10112x128xf32, #tpu.memory_space<vmem_shared>>)
    %barrier3A_293 = arith.constant 0 : index
    tpu.barrier barrier_id(%barrier3A_293)
    "tpu.region"() ({
      %run_scoped3A_294 = tpu.sem_alloc : memref<!tpu.dma_semaphore, #tpu.memory_space<semaphore_mem>>
      %dma_start3A_295 = arith.constant 0 : i32
      %dma_start3A_296 = tpu.memref_slice %arg6[%arg0, %mul3A_8, %dma_start3A_295] : memref<2x10112x128xf32, #tpu.memory_space<hbm>> -> memref<1x632x128xf32, #tpu.memory_space<hbm>>
      %dma_start3A_297 = tpu.memref_squeeze %dma_start3A_296 : memref<1x632x128xf32, #tpu.memory_space<hbm>> -> memref<632x128xf32, #tpu.memory_space<hbm>>
      %dma_start3A_298 = arith.constant 0 : i32
      %dma_start3A_299 = tpu.memref_slice %arg14[%mul3A_8, %dma_start3A_298] : memref<10112x128xf32, #tpu.memory_space<vmem_shared>> -> memref<632x128xf32, #tpu.memory_space<vmem_shared>>
      tpu.enqueue_dma source(%dma_start3A_299 : memref<632x128xf32, #tpu.memory_space<vmem_shared>>) target(%dma_start3A_297 : memref<632x128xf32, #tpu.memory_space<hbm>>) target_semaphore(%run_scoped3A_294 : memref<!tpu.dma_semaphore, #tpu.memory_space<semaphore_mem>>)
      %dma_wait3A_300 = arith.constant 0 : i32
      %dma_wait3A_301 = tpu.memref_slice %arg6[%arg0, %mul3A_8, %dma_wait3A_300] : memref<2x10112x128xf32, #tpu.memory_space<hbm>> -> memref<1x632x128xf32, #tpu.memory_space<hbm>>
      %dma_wait3A_302 = tpu.memref_squeeze %dma_wait3A_301 : memref<1x632x128xf32, #tpu.memory_space<hbm>> -> memref<632x128xf32, #tpu.memory_space<hbm>>
      %dma_wait3A_303 = arith.constant 0 : i32
      %dma_wait3A_304 = tpu.memref_slice %arg14[%mul3A_8, %dma_wait3A_303] : memref<10112x128xf32, #tpu.memory_space<vmem_shared>> -> memref<632x128xf32, #tpu.memory_space<vmem_shared>>
      tpu.wait_dma2 semaphore(%run_scoped3A_294 : memref<!tpu.dma_semaphore, #tpu.memory_space<semaphore_mem>>) src(%dma_wait3A_304 : memref<632x128xf32, #tpu.memory_space<vmem_shared>>) dst(%dma_wait3A_302 : memref<632x128xf32, #tpu.memory_space<hbm>>)
      tpu.yield
    }) : () -> ()
    return
  }
}

#map = affine_map<(d0, d1) -> (0, 0)>
module attributes {stable_mosaic.version = 14 : i64} {
  func.func @_k2_body(%arg0: i32, %arg1: i32, %arg2: memref<32x10240xi32, #tpu.memory_space<hbm>>, %arg3: memref<32x10240xi32, #tpu.memory_space<hbm>>, %arg4: memref<2x10240xf32, #tpu.memory_space<hbm>>, %arg5: memref<32x10240xf32, #tpu.memory_space<hbm>>, %arg6: memref<32x10240xf32, #tpu.memory_space<hbm>>, %arg7: memref<10240xf32, #tpu.memory_space<vmem>>, %arg8: memref<10240xf32, #tpu.memory_space<vmem>>, %arg9: memref<10240xf32, #tpu.memory_space<vmem>>, %arg10: memref<10240xi32, #tpu.memory_space<vmem>>, %arg11: memref<10240xi32, #tpu.memory_space<vmem>>, %arg12: memref<10240xf32, #tpu.memory_space<vmem>>) attributes {dimension_semantics = [#tpu.dimension_semantics<core_parallel>, #tpu.dimension_semantics<subcore_parallel>], iteration_bounds = array<i64: 2, 16>, scalar_prefetch = 0 : i64, scratch_operands = 6 : i64, tpu.core_type = #tpu.core_type<sc_vector_subcore>, window_params = [{transform_indices = #map}, {transform_indices = #map}, {transform_indices = #map}, {transform_indices = #map}, {transform_indices = #map}]} {
    %mul3A = arith.constant 2 : i32
    %mul3A_0 = arith.muli %arg1, %mul3A : i32
    %add3A = arith.addi %mul3A_0, %arg0 : i32
    %broadcast_in_dim3A = arith.constant 0.000000e+00 : f32
    %broadcast_in_dim3A_1 = vector.broadcast %broadcast_in_dim3A : f32 to vector<16xf32>
    %run_scoped3A = arith.constant 0 : i32
    "tpu.region"() ({
      %run_scoped3A_13 = tpu.sem_alloc : memref<!tpu.dma_semaphore, #tpu.memory_space<semaphore_mem>>
      %dma_start3A = arith.constant 0 : i32
      %dma_start3A_14 = tpu.memref_slice %arg4[%run_scoped3A, %dma_start3A] : memref<2x10240xf32, #tpu.memory_space<hbm>> -> memref<1x10240xf32, #tpu.memory_space<hbm>>
      %dma_start3A_15 = tpu.memref_squeeze %dma_start3A_14 : memref<1x10240xf32, #tpu.memory_space<hbm>> -> memref<10240xf32, #tpu.memory_space<hbm>>
      %dma_start3A_16 = arith.constant 0 : i32
      %dma_start3A_17 = tpu.memref_slice %arg4[%run_scoped3A, %dma_start3A_16] : memref<2x10240xf32, #tpu.memory_space<hbm>> -> memref<1x10240xf32, #tpu.memory_space<hbm>>
      %dma_start3A_18 = tpu.memref_squeeze %dma_start3A_17 : memref<1x10240xf32, #tpu.memory_space<hbm>> -> memref<10240xf32, #tpu.memory_space<hbm>>
      tpu.enqueue_dma source(%dma_start3A_18 : memref<10240xf32, #tpu.memory_space<hbm>>) target(%arg7 : memref<10240xf32, #tpu.memory_space<vmem>>) target_semaphore(%run_scoped3A_13 : memref<!tpu.dma_semaphore, #tpu.memory_space<semaphore_mem>>)
      %dma_wait3A = arith.constant 0 : i32
      %dma_wait3A_19 = tpu.memref_slice %arg4[%run_scoped3A, %dma_wait3A] : memref<2x10240xf32, #tpu.memory_space<hbm>> -> memref<1x10240xf32, #tpu.memory_space<hbm>>
      %dma_wait3A_20 = tpu.memref_squeeze %dma_wait3A_19 : memref<1x10240xf32, #tpu.memory_space<hbm>> -> memref<10240xf32, #tpu.memory_space<hbm>>
      %dma_wait3A_21 = arith.constant 0 : i32
      %dma_wait3A_22 = tpu.memref_slice %arg4[%run_scoped3A, %dma_wait3A_21] : memref<2x10240xf32, #tpu.memory_space<hbm>> -> memref<1x10240xf32, #tpu.memory_space<hbm>>
      %dma_wait3A_23 = tpu.memref_squeeze %dma_wait3A_22 : memref<1x10240xf32, #tpu.memory_space<hbm>> -> memref<10240xf32, #tpu.memory_space<hbm>>
      tpu.wait_dma2 semaphore(%run_scoped3A_13 : memref<!tpu.dma_semaphore, #tpu.memory_space<semaphore_mem>>) src(%dma_wait3A_23 : memref<10240xf32, #tpu.memory_space<hbm>>) dst(%arg7 : memref<10240xf32, #tpu.memory_space<vmem>>)
      tpu.yield
    }) : () -> ()
    %run_scoped3A_2 = arith.constant 1 : i32
    "tpu.region"() ({
      %run_scoped3A_13 = tpu.sem_alloc : memref<!tpu.dma_semaphore, #tpu.memory_space<semaphore_mem>>
      %dma_start3A = arith.constant 0 : i32
      %dma_start3A_14 = tpu.memref_slice %arg4[%run_scoped3A_2, %dma_start3A] : memref<2x10240xf32, #tpu.memory_space<hbm>> -> memref<1x10240xf32, #tpu.memory_space<hbm>>
      %dma_start3A_15 = tpu.memref_squeeze %dma_start3A_14 : memref<1x10240xf32, #tpu.memory_space<hbm>> -> memref<10240xf32, #tpu.memory_space<hbm>>
      %dma_start3A_16 = arith.constant 0 : i32
      %dma_start3A_17 = tpu.memref_slice %arg4[%run_scoped3A_2, %dma_start3A_16] : memref<2x10240xf32, #tpu.memory_space<hbm>> -> memref<1x10240xf32, #tpu.memory_space<hbm>>
      %dma_start3A_18 = tpu.memref_squeeze %dma_start3A_17 : memref<1x10240xf32, #tpu.memory_space<hbm>> -> memref<10240xf32, #tpu.memory_space<hbm>>
      tpu.enqueue_dma source(%dma_start3A_18 : memref<10240xf32, #tpu.memory_space<hbm>>) target(%arg8 : memref<10240xf32, #tpu.memory_space<vmem>>) target_semaphore(%run_scoped3A_13 : memref<!tpu.dma_semaphore, #tpu.memory_space<semaphore_mem>>)
      %dma_wait3A = arith.constant 0 : i32
      %dma_wait3A_19 = tpu.memref_slice %arg4[%run_scoped3A_2, %dma_wait3A] : memref<2x10240xf32, #tpu.memory_space<hbm>> -> memref<1x10240xf32, #tpu.memory_space<hbm>>
      %dma_wait3A_20 = tpu.memref_squeeze %dma_wait3A_19 : memref<1x10240xf32, #tpu.memory_space<hbm>> -> memref<10240xf32, #tpu.memory_space<hbm>>
      %dma_wait3A_21 = arith.constant 0 : i32
      %dma_wait3A_22 = tpu.memref_slice %arg4[%run_scoped3A_2, %dma_wait3A_21] : memref<2x10240xf32, #tpu.memory_space<hbm>> -> memref<1x10240xf32, #tpu.memory_space<hbm>>
      %dma_wait3A_23 = tpu.memref_squeeze %dma_wait3A_22 : memref<1x10240xf32, #tpu.memory_space<hbm>> -> memref<10240xf32, #tpu.memory_space<hbm>>
      tpu.wait_dma2 semaphore(%run_scoped3A_13 : memref<!tpu.dma_semaphore, #tpu.memory_space<semaphore_mem>>) src(%dma_wait3A_23 : memref<10240xf32, #tpu.memory_space<hbm>>) dst(%arg8 : memref<10240xf32, #tpu.memory_space<vmem>>)
      tpu.yield
    }) : () -> ()
    %parallel_loop3A = arith.constant 0 : i32
    %parallel_loop3A_3 = arith.constant 640 : i32
    %parallel_loop3A_4 = arith.constant 1 : i32
    scf.for %parallel_loop3A_13 = %parallel_loop3A to %parallel_loop3A_3 step %parallel_loop3A_4  : i32 {
      %parallel_loop3A_14 = arith.constant 16 : i32
      %parallel_loop3A_15 = arith.muli %parallel_loop3A_13, %parallel_loop3A_14 : i32
      %parallel_loop3A_16 = arith.index_cast %parallel_loop3A_15 : i32 to index
      %parallel_loop3A_17 = tpu.vector_load %arg9[%parallel_loop3A_16] {strides = array<i32>} : memref<10240xf32, #tpu.memory_space<vmem>>, vector<16xf32>,
      tpu.vector_store %arg9[%parallel_loop3A_16], %broadcast_in_dim3A_1 {strides = array<i32>} : memref<10240xf32, #tpu.memory_space<vmem>>, vector<16xf32>,
    } {sc.loop_unroll_factor = 4 : i64, sc.parallel_access}
    "tpu.region"() ({
      %run_scoped3A_13 = tpu.sem_alloc : memref<!tpu.dma_semaphore, #tpu.memory_space<semaphore_mem>>
      %dma_start3A = arith.constant 0 : i32
      %dma_start3A_14 = tpu.memref_slice %arg2[%add3A, %dma_start3A] : memref<32x10240xi32, #tpu.memory_space<hbm>> -> memref<1x10240xi32, #tpu.memory_space<hbm>>
      %dma_start3A_15 = tpu.memref_squeeze %dma_start3A_14 : memref<1x10240xi32, #tpu.memory_space<hbm>> -> memref<10240xi32, #tpu.memory_space<hbm>>
      %dma_start3A_16 = arith.constant 0 : i32
      %dma_start3A_17 = tpu.memref_slice %arg2[%add3A, %dma_start3A_16] : memref<32x10240xi32, #tpu.memory_space<hbm>> -> memref<1x10240xi32, #tpu.memory_space<hbm>>
      %dma_start3A_18 = tpu.memref_squeeze %dma_start3A_17 : memref<1x10240xi32, #tpu.memory_space<hbm>> -> memref<10240xi32, #tpu.memory_space<hbm>>
      tpu.enqueue_dma source(%dma_start3A_18 : memref<10240xi32, #tpu.memory_space<hbm>>) target(%arg10 : memref<10240xi32, #tpu.memory_space<vmem>>) target_semaphore(%run_scoped3A_13 : memref<!tpu.dma_semaphore, #tpu.memory_space<semaphore_mem>>)
      %dma_wait3A = arith.constant 0 : i32
      %dma_wait3A_19 = tpu.memref_slice %arg2[%add3A, %dma_wait3A] : memref<32x10240xi32, #tpu.memory_space<hbm>> -> memref<1x10240xi32, #tpu.memory_space<hbm>>
      %dma_wait3A_20 = tpu.memref_squeeze %dma_wait3A_19 : memref<1x10240xi32, #tpu.memory_space<hbm>> -> memref<10240xi32, #tpu.memory_space<hbm>>
      %dma_wait3A_21 = arith.constant 0 : i32
      %dma_wait3A_22 = tpu.memref_slice %arg2[%add3A, %dma_wait3A_21] : memref<32x10240xi32, #tpu.memory_space<hbm>> -> memref<1x10240xi32, #tpu.memory_space<hbm>>
      %dma_wait3A_23 = tpu.memref_squeeze %dma_wait3A_22 : memref<1x10240xi32, #tpu.memory_space<hbm>> -> memref<10240xi32, #tpu.memory_space<hbm>>
      tpu.wait_dma2 semaphore(%run_scoped3A_13 : memref<!tpu.dma_semaphore, #tpu.memory_space<semaphore_mem>>) src(%dma_wait3A_23 : memref<10240xi32, #tpu.memory_space<hbm>>) dst(%arg10 : memref<10240xi32, #tpu.memory_space<vmem>>)
      tpu.yield
    }) : () -> ()
    "tpu.region"() ({
      %run_scoped3A_13 = tpu.sem_alloc : memref<!tpu.dma_semaphore, #tpu.memory_space<semaphore_mem>>
      %dma_start3A = arith.constant 0 : i32
      %dma_start3A_14 = tpu.memref_slice %arg3[%add3A, %dma_start3A] : memref<32x10240xi32, #tpu.memory_space<hbm>> -> memref<1x10240xi32, #tpu.memory_space<hbm>>
      %dma_start3A_15 = tpu.memref_squeeze %dma_start3A_14 : memref<1x10240xi32, #tpu.memory_space<hbm>> -> memref<10240xi32, #tpu.memory_space<hbm>>
      %dma_start3A_16 = arith.constant 0 : i32
      %dma_start3A_17 = tpu.memref_slice %arg3[%add3A, %dma_start3A_16] : memref<32x10240xi32, #tpu.memory_space<hbm>> -> memref<1x10240xi32, #tpu.memory_space<hbm>>
      %dma_start3A_18 = tpu.memref_squeeze %dma_start3A_17 : memref<1x10240xi32, #tpu.memory_space<hbm>> -> memref<10240xi32, #tpu.memory_space<hbm>>
      tpu.enqueue_dma source(%dma_start3A_18 : memref<10240xi32, #tpu.memory_space<hbm>>) target(%arg11 : memref<10240xi32, #tpu.memory_space<vmem>>) target_semaphore(%run_scoped3A_13 : memref<!tpu.dma_semaphore, #tpu.memory_space<semaphore_mem>>)
      %dma_wait3A = arith.constant 0 : i32
      %dma_wait3A_19 = tpu.memref_slice %arg3[%add3A, %dma_wait3A] : memref<32x10240xi32, #tpu.memory_space<hbm>> -> memref<1x10240xi32, #tpu.memory_space<hbm>>
      %dma_wait3A_20 = tpu.memref_squeeze %dma_wait3A_19 : memref<1x10240xi32, #tpu.memory_space<hbm>> -> memref<10240xi32, #tpu.memory_space<hbm>>
      %dma_wait3A_21 = arith.constant 0 : i32
      %dma_wait3A_22 = tpu.memref_slice %arg3[%add3A, %dma_wait3A_21] : memref<32x10240xi32, #tpu.memory_space<hbm>> -> memref<1x10240xi32, #tpu.memory_space<hbm>>
      %dma_wait3A_23 = tpu.memref_squeeze %dma_wait3A_22 : memref<1x10240xi32, #tpu.memory_space<hbm>> -> memref<10240xi32, #tpu.memory_space<hbm>>
      tpu.wait_dma2 semaphore(%run_scoped3A_13 : memref<!tpu.dma_semaphore, #tpu.memory_space<semaphore_mem>>) src(%dma_wait3A_23 : memref<10240xi32, #tpu.memory_space<hbm>>) dst(%arg11 : memref<10240xi32, #tpu.memory_space<vmem>>)
      tpu.yield
    }) : () -> ()
    %parallel_loop3A_5 = arith.constant 0 : i32
    %parallel_loop3A_6 = arith.constant 640 : i32
    %parallel_loop3A_7 = arith.constant 1 : i32
    scf.for %parallel_loop3A_13 = %parallel_loop3A_5 to %parallel_loop3A_6 step %parallel_loop3A_7  : i32 {
      %parallel_loop3A_14 = arith.constant 16 : i32
      %parallel_loop3A_15 = arith.muli %parallel_loop3A_13, %parallel_loop3A_14 : i32
      %parallel_loop3A_16 = arith.index_cast %parallel_loop3A_15 : i32 to index
      %parallel_loop3A_17 = tpu.vector_load %arg10[%parallel_loop3A_16] {strides = array<i32>} : memref<10240xi32, #tpu.memory_space<vmem>>, vector<16xi32>,
      %parallel_loop3A_18 = tpu.vector_load_idx %arg7[%parallel_loop3A_17] : memref<10240xf32, #tpu.memory_space<vmem>>[vector<16xi32>], vector<16xf32>,
      %parallel_loop3A_19 = arith.index_cast %parallel_loop3A_15 : i32 to index
      %parallel_loop3A_20 = tpu.vector_load %arg11[%parallel_loop3A_19] {strides = array<i32>} : memref<10240xi32, #tpu.memory_space<vmem>>, vector<16xi32>,
      %parallel_loop3A_21 = tpu.vector_load_idx %arg8[%parallel_loop3A_20] : memref<10240xf32, #tpu.memory_space<vmem>>[vector<16xi32>], vector<16xf32>,
      %parallel_loop3A_22 = arith.addf %parallel_loop3A_18, %parallel_loop3A_21 : vector<16xf32>
      %parallel_loop3A_23 = arith.constant 0.00999999977 : f32
      %parallel_loop3A_24 = vector.broadcast %parallel_loop3A_23 : f32 to vector<16xf32>
      %parallel_loop3A_25 = arith.mulf %parallel_loop3A_22, %parallel_loop3A_24 : vector<16xf32>
      %parallel_loop3A_26 = arith.maximumf %parallel_loop3A_22, %parallel_loop3A_25 : vector<16xf32>
      %parallel_loop3A_27 = math.exp %parallel_loop3A_26 : vector<16xf32>
      %parallel_loop3A_28 = arith.index_cast %parallel_loop3A_15 : i32 to index
      %parallel_loop3A_29 = tpu.vector_load %arg12[%parallel_loop3A_28] {strides = array<i32>} : memref<10240xf32, #tpu.memory_space<vmem>>, vector<16xf32>,
      tpu.vector_store %arg12[%parallel_loop3A_28], %parallel_loop3A_27 {strides = array<i32>} : memref<10240xf32, #tpu.memory_space<vmem>>, vector<16xf32>,
    } {sc.loop_unroll_factor = 2 : i64, sc.parallel_access}
    %scan3A = arith.constant 0 : i32
    %scan3A_8 = arith.constant 0 : i32
    %scan3A_9 = arith.constant 640 : i32
    %scan3A_10 = arith.addi %scan3A_8, %scan3A_9 : i32
    %scan3A_11 = arith.constant 1 : i32
    scf.for %scan3A_13 = %scan3A_8 to %scan3A_10 step %scan3A_11  : i32 {
      %mul3A_14 = arith.constant 16 : i32
      %mul3A_15 = arith.muli %scan3A_13, %mul3A_14 : i32
      %get3A = arith.index_cast %mul3A_15 : i32 to index
      %get3A_16 = tpu.vector_load %arg11[%get3A] {strides = array<i32>} : memref<10240xi32, #tpu.memory_space<vmem>>, vector<16xi32>,
      %get3A_17 = arith.index_cast %mul3A_15 : i32 to index
      %get3A_18 = tpu.vector_load %arg12[%get3A_17] {strides = array<i32>} : memref<10240xf32, #tpu.memory_space<vmem>>, vector<16xf32>,
      tpu.vector_store_idx %arg9[%get3A_16], %get3A_18 {add = true} : memref<10240xf32, #tpu.memory_space<vmem>>[vector<16xi32>], vector<16xf32>,
    }
    %scan3A_12 = arith.constant 640 : i32
    "tpu.region"() ({
      %run_scoped3A_13 = tpu.sem_alloc : memref<!tpu.dma_semaphore, #tpu.memory_space<semaphore_mem>>
      %dma_start3A = arith.constant 0 : i32
      %dma_start3A_14 = tpu.memref_slice %arg5[%add3A, %dma_start3A] : memref<32x10240xf32, #tpu.memory_space<hbm>> -> memref<1x10240xf32, #tpu.memory_space<hbm>>
      %dma_start3A_15 = tpu.memref_squeeze %dma_start3A_14 : memref<1x10240xf32, #tpu.memory_space<hbm>> -> memref<10240xf32, #tpu.memory_space<hbm>>
      %dma_start3A_16 = arith.constant 0 : i32
      %dma_start3A_17 = tpu.memref_slice %arg5[%add3A, %dma_start3A_16] : memref<32x10240xf32, #tpu.memory_space<hbm>> -> memref<1x10240xf32, #tpu.memory_space<hbm>>
      %dma_start3A_18 = tpu.memref_squeeze %dma_start3A_17 : memref<1x10240xf32, #tpu.memory_space<hbm>> -> memref<10240xf32, #tpu.memory_space<hbm>>
      tpu.enqueue_dma source(%arg12 : memref<10240xf32, #tpu.memory_space<vmem>>) target(%dma_start3A_18 : memref<10240xf32, #tpu.memory_space<hbm>>) target_semaphore(%run_scoped3A_13 : memref<!tpu.dma_semaphore, #tpu.memory_space<semaphore_mem>>)
      %dma_wait3A = arith.constant 0 : i32
      %dma_wait3A_19 = tpu.memref_slice %arg5[%add3A, %dma_wait3A] : memref<32x10240xf32, #tpu.memory_space<hbm>> -> memref<1x10240xf32, #tpu.memory_space<hbm>>
      %dma_wait3A_20 = tpu.memref_squeeze %dma_wait3A_19 : memref<1x10240xf32, #tpu.memory_space<hbm>> -> memref<10240xf32, #tpu.memory_space<hbm>>
      %dma_wait3A_21 = arith.constant 0 : i32
      %dma_wait3A_22 = tpu.memref_slice %arg5[%add3A, %dma_wait3A_21] : memref<32x10240xf32, #tpu.memory_space<hbm>> -> memref<1x10240xf32, #tpu.memory_space<hbm>>
      %dma_wait3A_23 = tpu.memref_squeeze %dma_wait3A_22 : memref<1x10240xf32, #tpu.memory_space<hbm>> -> memref<10240xf32, #tpu.memory_space<hbm>>
      tpu.wait_dma2 semaphore(%run_scoped3A_13 : memref<!tpu.dma_semaphore, #tpu.memory_space<semaphore_mem>>) src(%arg12 : memref<10240xf32, #tpu.memory_space<vmem>>) dst(%dma_wait3A_23 : memref<10240xf32, #tpu.memory_space<hbm>>)
      tpu.yield
    }) : () -> ()
    "tpu.region"() ({
      %run_scoped3A_13 = tpu.sem_alloc : memref<!tpu.dma_semaphore, #tpu.memory_space<semaphore_mem>>
      %dma_start3A = arith.constant 0 : i32
      %dma_start3A_14 = tpu.memref_slice %arg6[%add3A, %dma_start3A] : memref<32x10240xf32, #tpu.memory_space<hbm>> -> memref<1x10240xf32, #tpu.memory_space<hbm>>
      %dma_start3A_15 = tpu.memref_squeeze %dma_start3A_14 : memref<1x10240xf32, #tpu.memory_space<hbm>> -> memref<10240xf32, #tpu.memory_space<hbm>>
      %dma_start3A_16 = arith.constant 0 : i32
      %dma_start3A_17 = tpu.memref_slice %arg6[%add3A, %dma_start3A_16] : memref<32x10240xf32, #tpu.memory_space<hbm>> -> memref<1x10240xf32, #tpu.memory_space<hbm>>
      %dma_start3A_18 = tpu.memref_squeeze %dma_start3A_17 : memref<1x10240xf32, #tpu.memory_space<hbm>> -> memref<10240xf32, #tpu.memory_space<hbm>>
      tpu.enqueue_dma source(%arg9 : memref<10240xf32, #tpu.memory_space<vmem>>) target(%dma_start3A_18 : memref<10240xf32, #tpu.memory_space<hbm>>) target_semaphore(%run_scoped3A_13 : memref<!tpu.dma_semaphore, #tpu.memory_space<semaphore_mem>>)
      %dma_wait3A = arith.constant 0 : i32
      %dma_wait3A_19 = tpu.memref_slice %arg6[%add3A, %dma_wait3A] : memref<32x10240xf32, #tpu.memory_space<hbm>> -> memref<1x10240xf32, #tpu.memory_space<hbm>>
      %dma_wait3A_20 = tpu.memref_squeeze %dma_wait3A_19 : memref<1x10240xf32, #tpu.memory_space<hbm>> -> memref<10240xf32, #tpu.memory_space<hbm>>
      %dma_wait3A_21 = arith.constant 0 : i32
      %dma_wait3A_22 = tpu.memref_slice %arg6[%add3A, %dma_wait3A_21] : memref<32x10240xf32, #tpu.memory_space<hbm>> -> memref<1x10240xf32, #tpu.memory_space<hbm>>
      %dma_wait3A_23 = tpu.memref_squeeze %dma_wait3A_22 : memref<1x10240xf32, #tpu.memory_space<hbm>> -> memref<10240xf32, #tpu.memory_space<hbm>>
      tpu.wait_dma2 semaphore(%run_scoped3A_13 : memref<!tpu.dma_semaphore, #tpu.memory_space<semaphore_mem>>) src(%arg9 : memref<10240xf32, #tpu.memory_space<vmem>>) dst(%dma_wait3A_23 : memref<10240xf32, #tpu.memory_space<hbm>>)
      tpu.yield
    }) : () -> ()
    return
  }
}

module attributes {stable_mosaic.version = 14 : i64} {
  func.func @_k1_body(%arg0: memref<10000x128xf32, #tpu.memory_space<vmem>>, %arg1: memref<128x128xf32, #tpu.memory_space<vmem>>, %arg2: memref<2x128xf32, #tpu.memory_space<vmem>>, %arg3: memref<10000x128xbf16, #tpu.memory_space<vmem>>, %arg4: memref<2x10240xf32, #tpu.memory_space<vmem>>) attributes {dimension_semantics = [], scalar_prefetch = 0 : i64, scratch_operands = 0 : i64, tpu.core_type = #tpu.core_type<tc>} {
    %get3A = arith.constant 0 : index
    %get3A_0 = arith.constant 0 : index
    %get3A_1 = vector.load %arg0[%get3A, %get3A_0] : memref<10000x128xf32, #tpu.memory_space<vmem>>, vector<10000x128xf32>
    %get3A_2 = arith.constant 0 : index
    %get3A_3 = arith.constant 0 : index
    %get3A_4 = vector.load %arg1[%get3A_2, %get3A_3] : memref<128x128xf32, #tpu.memory_space<vmem>>, vector<128x128xf32>
    %dot_general3A = arith.constant dense<0.000000e+00> : vector<10000x128xf32>
    %dot_general3A_5 = tpu.matmul %get3A_1, %get3A_4, %dot_general3A {dimension_numbers = #tpu.dot_dimension_numbers<[1], [0], [0], [1], [0, 0, 1, 1], [], []>, transpose_lhs_hint = false} : vector<10000x128xf32>, vector<128x128xf32>, vector<10000x128xf32> -> vector<10000x128xf32>
    %convert_element_type3A = arith.truncf %dot_general3A_5 : vector<10000x128xf32> to vector<10000x128xbf16>
    %swap3A = arith.constant 0 : index
    %swap3A_6 = arith.constant 0 : index
    %swap3A_7 = vector.load %arg3[%swap3A, %swap3A_6] : memref<10000x128xbf16, #tpu.memory_space<vmem>>, vector<10000x128xbf16>
    tpu.vector_store %arg3[%swap3A, %swap3A_6], %convert_element_type3A {strides = array<i32>} : memref<10000x128xbf16, #tpu.memory_space<vmem>>, vector<10000x128xbf16>,
    %get3A_8 = arith.constant 0 : index
    %get3A_9 = arith.constant 0 : index
    %get3A_10 = vector.load %arg2[%get3A_8, %get3A_9] : memref<2x128xf32, #tpu.memory_space<vmem>>, vector<2x128xf32>
    %dot_general3A_11 = arith.constant dense<0.000000e+00> : vector<2x10000xf32>
    %dot_general3A_12 = tpu.matmul %get3A_10, %dot_general3A_5, %dot_general3A_11 {dimension_numbers = #tpu.dot_dimension_numbers<[1], [1], [0], [0], [0, 0, 1, 0], [], []>, transpose_lhs_hint = false} : vector<2x128xf32>, vector<10000x128xf32>, vector<2x10000xf32> -> vector<2x10000xf32>
    %swap3A_13 = arith.constant 0 : index
    %swap3A_14 = arith.constant 0 : index
    %swap3A_15 = vector.load %arg4[%swap3A_13, %swap3A_14] : memref<2x10240xf32, #tpu.memory_space<vmem>>, vector<2x10000xf32>
    tpu.vector_store %arg4[%swap3A_13, %swap3A_14], %dot_general3A_12 {strides = array<i32>} : memref<2x10240xf32, #tpu.memory_space<vmem>>, vector<2x10000xf32>,
    %broadcast_in_dim3A = arith.constant 0.000000e+00 : f32
    %broadcast_in_dim3A_16 = vector.broadcast %broadcast_in_dim3A : f32 to vector<2x240xf32>
    %swap3A_17 = arith.constant 0 : index
    %swap3A_18 = arith.constant 10000 : index
    %swap3A_19 = vector.load %arg4[%swap3A_17, %swap3A_18] : memref<2x10240xf32, #tpu.memory_space<vmem>>, vector<2x240xf32>
    tpu.vector_store %arg4[%swap3A_17, %swap3A_18], %broadcast_in_dim3A_16 {strides = array<i32>} : memref<2x10240xf32, #tpu.memory_space<vmem>>, vector<2x240xf32>,
    return
  }
}

module attributes {stable_mosaic.version = 14 : i64} {
  func.func @_k5_body(%arg0: memref<2x10112x128xf32, #tpu.memory_space<vmem>>, %arg1: memref<32x10240xf32, #tpu.memory_space<vmem>>, %arg2: memref<10000x128xf32, #tpu.memory_space<vmem>>) attributes {dimension_semantics = [], scalar_prefetch = 0 : i64, scratch_operands = 0 : i64, tpu.core_type = #tpu.core_type<tc>} {
    %get3A = arith.constant 0 : index
    %get3A_0 = arith.constant 0 : index
    %get3A_1 = vector.load %arg1[%get3A, %get3A_0] : memref<32x10240xf32, #tpu.memory_space<vmem>>, vector<32x10240xf32>
    %reduce_sum3A = arith.constant dense<0.000000e+00> : vector<10240xf32>
    %reduce_sum3A_2 = vector.multi_reduction <add>, %get3A_1, %reduce_sum3A [0] : vector<32x10240xf32> to vector<10240xf32>
    %slice3A = vector.extract_strided_slice %reduce_sum3A_2 {offsets = [0], sizes = [10000], strides = [1]} : vector<10240xf32> to vector<10000xf32>
    %get3A_3 = arith.constant 0 : index
    %get3A_4 = arith.constant 0 : index
    %get3A_5 = arith.constant 0 : index
    %get3A_6 = vector.load %arg0[%get3A_3, %get3A_4, %get3A_5] : memref<2x10112x128xf32, #tpu.memory_space<vmem>>, vector<1x10000x128xf32>
    %get3A_7 = vector.shape_cast %get3A_6 : vector<1x10000x128xf32> to vector<10000x128xf32>
    %get3A_8 = arith.constant 1 : index
    %get3A_9 = arith.constant 0 : index
    %get3A_10 = arith.constant 0 : index
    %get3A_11 = vector.load %arg0[%get3A_8, %get3A_9, %get3A_10] : memref<2x10112x128xf32, #tpu.memory_space<vmem>>, vector<1x10000x128xf32>
    %get3A_12 = vector.shape_cast %get3A_11 : vector<1x10000x128xf32> to vector<10000x128xf32>
    %add3A = arith.addf %get3A_7, %get3A_12 : vector<10000x128xf32>
    %broadcast_in_dim3A = vector.shape_cast %slice3A : vector<10000xf32> to vector<10000x1xf32>
    %add3A_13 = arith.constant 1.000000e-16 : f32
    %add3A_14 = vector.broadcast %add3A_13 : f32 to vector<10000x1xf32>
    %add3A_15 = arith.addf %broadcast_in_dim3A, %add3A_14 : vector<10000x1xf32>
    %div3A = vector.broadcast %add3A_15 : vector<10000x1xf32> to vector<10000x128xf32>
    %div3A_16 = arith.divf %add3A, %div3A : vector<10000x128xf32>
    %swap3A = arith.constant 0 : index
    %swap3A_17 = arith.constant 0 : index
    %swap3A_18 = vector.load %arg2[%swap3A, %swap3A_17] : memref<10000x128xf32, #tpu.memory_space<vmem>>, vector<10000x128xf32>
    tpu.vector_store %arg2[%swap3A, %swap3A_17], %div3A_16 {strides = array<i32>} : memref<10000x128xf32, #tpu.memory_space<vmem>>, vector<10000x128xf32>,
    return
  }
}

</mosaic_0001>

<sc_bundles>
// kernel: kernel.6.cloned.1.call-start
scs
__scs_entry_jumppad:
0x0: {  	(pc) =	sbr.rel $0x88, $3  }
0x1: {  	(tag) =	ssettag $0x0;
	lr =	simm.s32 $0x1  }
0x2: {  	[smem:$0x3F9D] =	sst lr;
	_ =	strace $0xD0000000  }
0x3: {  	_ = 	snop  }
0x4: {  	_ = 	snop  }
0x5: {  	_ = 	snop  }
0x6: {  	_ = 	snop  }
0x7: {  	_ = 	snop  }
__scs_overlays_trampoline_lowered:
0x8: {  	[smem:$0x3FAC] =	sst s0  }
0x9: {  	[smem:$0x3FAD] =	sst s1  }
0xa: {  	[smem:$0x3FAE] =	sst s2  }
0xb: {  	[smem:$0x3FAF] =	sst s3  }
0xc: {  	[smem:$0x3FB0] =	sst s4  }
0xd: {  	[smem:$0x3FB1] =	sst s5  }
0xe: {  	[smem:$0x3FB2] =	sst s6  }
0xf: {  	[smem:$0x3FB3] =	sst s7  }
0x10: {  	[smem:$0x3FB4] =	sst s8  }
0x11: {  	[smem:$0x3FB5] =	sst s9;
	s0 =	simm.s32 @!p0 $0x0  }
0x12: {  	s1 =	sld [smem:$0x3F9B];
	s0 =	simm.s32 @p0 $0x1  }
0x13: {  	[smem:$0x3FB6] =	sst s0;
	s0 =	simm.s32 @!p1 $0x0  }
0x14: {  	s2 =	sld [smem:$0x3F9A];
	s0 =	simm.s32 @p1 $0x1  }
0x15: {  	[smem:$0x3FB7] =	sst s0;
	s0 =	simm.s32 @!p2 $0x0  }
0x16: {  	s3 =	sld [smem:$0x3FDB];
	s0 =	simm.s32 @p2 $0x1  }
0x17: {  	s4 =	simm.s32 $0x1BF5;
	[smem:$0x3FB9] =	sst s0  }
0x18: {  	s0 =	sld [smem:$0x3F9C];
	_ =	swait.ge [sflag:s4], $0x0  }
0x19: {  	s7 =	sld [smem:$0x3F9D]  }
0x1a: {  	s8 =	sadd.s32 $0xFFFFE003, lr  }
0x1b: {  	s9 =	sadd.s32 $0xFFFFFEF7, lr;
	s5 =	simm.s32 $0xFFFFFFFF;
	p2 =	slt.u32 s8, $0xFFFFF086  }
0x1c: {  	p1 =	slt.u32 s9, $0xF7A;
	s5 =	simm.s32 @!p2 $0x0  }
0x1d: {  	s5 =	simm.s32 @p1 $0x1;
	p0 =	seq.s32 s7, s2  }
0x1e: {  	s7 =	smul.u32 @!p0 $0xF7A, s2;
	p2 =	seq.s32 @!p0 s5, $0x0  }
0x1f: {  	s9 =	smul.u32 $0xF7A, s1;
	s8 =	simm.s32 @!p0 $0x1BF5;
	p2 =	por !p2, p0  }
0x20: {  	[sflag:s8] =	ssyncset.s32 @!p0 $0xFFFFF086;
	s6 =	sadd.s32 @!p0 s3, s7;
	s7 =	simm.s32 @!p0 $0x108  }
0x21: {  	s3 =	sadd.s32 s3, s9;
	s6 =	sadd.s32 @!p0 $0x88, s6;
	s7 =	simm.s32 @p2 $0x1082  }
0x22: {  	[simem:s7], [sflag:s8] =	dma.local @!p0 [hbm:s6], $0xF7A  }
0x23: {  	s9 =	sor.u32 $0xD0000000, s2;
	s6 =	simm.s32 $0x108;
	_ =	swait.ge @!p0 [sflag:s8], $0x0  }
0x24: {  	s3 =	sadd.s32 $0x88, s3;
	s6 =	simm.s32 @!p1 $0x1082;
	[sflag:s4] =	ssyncset.s32 $0xFFFFF086  }
0x25: {  	[simem:s6], [sflag:s4] =	dma.local [hbm:s3], $0xF7A  }
0x26: {  	[smem:$0x3F9D] =	sst s1;
	(tag) =	ssettag s2;
	_ =	strace s9  }
0x27: {  	s1 =	sld [smem:$0x3FAD]  }
0x28: {  	s2 =	sld [smem:$0x3FAE]  }
0x29: {  	s4 =	sld [smem:$0x3FB0]  }
0x2a: {  	p0 =	seq.s32 s5, $0x0;
	s5 =	sld [smem:$0x3FB1]  }
0x2b: {  	s6 =	sld [smem:$0x3FB2]  }
0x2c: {  	s7 =	sld [smem:$0x3FB3]  }
0x2d: {  	s3 =	simm.s32 $0x108;
	s8 =	sld [smem:$0x3FB4]  }
0x2e: {  	s3 =	simm.s32 @!p0 $0x1082;
	s9 =	sld [smem:$0x3FB5]  }
0x2f: {  	lr =	sadd.s32 s0, s3;
	s0 =	sld [smem:$0x3FAC]  }
0x30: {  	s3 =	sld [smem:$0x3FAF]  }
0x31: {  	[smem:$0x3FB8] =	sst s10  }
0x32: {  	s10 =	sld [smem:$0x3FB6];
	_ =	sdelay $0x3  }
0x33: {  	p0 =	seq.s32 s10, $0x1;
	s10 =	sld [smem:$0x3FB8];
	_ =	sdelay $0x3  }
0x34: {  	[smem:$0x3FB8] =	sst s10  }
0x35: {  	s10 =	sld [smem:$0x3FB7];
	_ =	sdelay $0x3  }
0x36: {  	p1 =	seq.s32 s10, $0x1;
	s10 =	sld [smem:$0x3FB8];
	_ =	sdelay $0x3  }
0x37: {  	[smem:$0x3FB8] =	sst s10  }
0x38: {  	s10 =	sld [smem:$0x3FB9]  }
0x39: {  	_ = 	snop;
	(pc) =	sbr.ind lr, $3  }
0x3a: {  	_ = 	snop  }
0x3b: {  	_ = 	snop  }
0x3c: {  	p2 =	seq.s32 s10, $0x1;
	s10 =	sld [smem:$0x3FB8]  }
0x3d: {  	_ =	shalt  }
0x3e: {  	_ =	shalt  }
0x3f: {  	_ =	shalt  }
0x40: {  	_ =	shalt  }
0x41: {  	_ =	shalt  }
0x42: {  	_ =	shalt  }
0x43: {  	_ =	shalt  }
0x44: {  	_ =	shalt  }
0x45: {  	_ =	shalt  }
0x46: {  	_ =	shalt  }
0x47: {  	_ =	shalt  }
0x48: {  	_ =	shalt  }
0x49: {  	_ =	shalt  }
0x4a: {  	_ =	shalt  }
0x4b: {  	_ =	shalt  }
0x4c: {  	_ =	shalt  }
0x4d: {  	_ =	shalt  }
0x4e: {  	_ =	shalt  }
0x4f: {  	_ =	shalt  }
0x50: {  	_ =	shalt  }
0x51: {  	_ =	shalt  }
0x52: {  	_ =	shalt  }
0x53: {  	_ =	shalt  }
0x54: {  	_ =	shalt  }
0x55: {  	_ =	shalt  }
0x56: {  	_ =	shalt  }
0x57: {  	_ =	shalt  }
0x58: {  	_ =	shalt  }
0x59: {  	_ =	shalt  }
0x5a: {  	_ =	shalt  }
0x5b: {  	_ =	shalt  }
0x5c: {  	_ =	shalt  }
0x5d: {  	_ =	shalt  }
0x5e: {  	_ =	shalt  }
0x5f: {  	_ =	shalt  }
0x60: {  	_ =	shalt  }
0x61: {  	_ =	shalt  }
0x62: {  	_ =	shalt  }
0x63: {  	_ =	shalt  }
0x64: {  	_ =	shalt  }
0x65: {  	_ =	shalt  }
0x66: {  	_ =	shalt  }
0x67: {  	_ =	shalt  }
0x68: {  	_ =	shalt  }
0x69: {  	_ =	shalt  }
0x6a: {  	_ =	shalt  }
0x6b: {  	_ =	shalt  }
0x6c: {  	_ =	shalt  }
0x6d: {  	_ =	shalt  }
0x6e: {  	_ =	shalt  }
0x6f: {  	_ =	shalt  }
0x70: {  	_ =	shalt  }
0x71: {  	_ =	shalt  }
0x72: {  	_ =	shalt  }
0x73: {  	_ =	shalt  }
0x74: {  	_ =	shalt  }
0x75: {  	_ =	shalt  }
0x76: {  	_ =	shalt  }
0x77: {  	_ =	shalt  }
0x78: {  	_ =	shalt  }
0x79: {  	_ =	shalt  }
0x7a: {  	_ =	shalt  }
0x7b: {  	_ =	shalt  }
0x7c: {  	_ =	shalt  }
0x7d: {  	_ =	shalt  }
0x7e: {  	_ =	shalt  }
0x7f: {  	_ =	shalt  }
0x80: {  	_ =	shalt  }
0x81: {  	_ =	shalt  }
0x82: {  	_ =	shalt  }
0x83: {  	_ =	shalt  }
0x84: {  	_ =	shalt  }
0x85: {  	_ =	shalt  }
0x86: {  	_ =	shalt  }
0x87: {  	_ =	shalt  }
.Lfunc_end0:
.L_simem_size_0:
called_computation_lowered:
.L_overlay_start_0:
0x88: {  	s2 =	sld [smem:$0x3FD9]  }
0x89: {  	s3 =	sld [smem:$0x3FFE];
	_ =	sdelay $0x1  }
0x8a: {  	s1 =	srdreg.scid  }
0x8b: {  	s0 =	sand.u32 $0x1, s1  }
0x8c: {  	s16 =	sshll.u32 s0, $0xA;
	s2 =	sadd.s32 s3, s2  }
0x8d: {  	s2 =	sadd.s32 s2, s16  }
0x8e: {  	[smem:$0x3FC4] =	sst s2  }
0x8f: {  	_ = 	snop  }
0x90: {  	(tm) =	ssettm $0x1  }
0x91: {  	s17 =	sld [smem:$0x3FFB];
	_ =	sdelay $0x3  }
0x92: {  	_ =	strace s17  }
0x93: {  	s2 =	sld [smem:$0x3FFC];
	_ =	sdelay $0x3  }
0x94: {  	_ =	strace s2  }
0x95: {  	s2 =	sld [smem:$0x3FFD];
	_ =	sdelay $0x3  }
0x96: {  	_ =	strace s2  }
0x97: {  	_ =	strace $0x8FFFFFFF  }
0x98: {  	s18 =	sld [smem:$0x3FDB];
	_ =	sdelay $0x1  }
0x99: {  	s19 =	simm.s32 $_scs_section_size  }
0x9a: {  	s4 =	simm.s32 $_size__tile_overlayer_lowered;
	s5 =	simm.s32 $_tile_overlayer_lowered  }
0x9b: {  	s22 =	simm.s32 $0x1BFF;
	s21 =	sshll.u32 s5, $0x1;
	s2 =	sadd.s32 s19, s18  }
0x9c: {  	s6 =	simm.s32 $0x0;
	s20 =	sshll.u32 s4, $0x1;
	s4 =	sadd.s32 s21, s2  }
0x9d: {  	[timem:s6], [sflag:s22] =	dma.local [hbm:s4], s20  }
0x9e: {  	_ =	swait.ge [sflag:s22], s20  }
0x9f: {  	s3 =	ssub.s32 $0x0, s20;
	[sflag:s22] =	ssyncset.done $0x0  }
0xa0: {  	[sflag:s22] =	ssyncadd.s32 s3;
	_ =	sdelay $0x1  }
0xa1: {  	s23 =	simm.s32 $0x1B8B  }
0xa2: {  	_ =	swait.ge [sflag:s23], $0x1  }
0xa3: {  	[sflag:s23] =	ssyncset.done $0x0  }
0xa4: {  	s25 =	simm.s32 $0x1B8E;
	s24 =	sld [smem:$0x3FFE];
	[sflag:s23] =	ssyncadd.s32 $0xFFFFFFFF  }
0xa5: {  	s26 =	simm.s32 $execute0_lowered;
	[smem:$0x3FD2] =	sst s25  }
0xa6: {  	s4 =	sshll.u32 s26, $0x1;
	_ =	strace $0x80000046;
	[dreg:$0x1] =	wrdreg $0xFFFFFFFF  }
0xa7: {  	s28 =	simm.s32 $_size_execute0_lowered;
	s2 =	sadd.s32 s2, s4;
	[dreg:$0x0] =	wrdreg $0x0  }
0xa8: {  	s4 =	sshll.u32 s28, $0x1;
	[dreg:$0x2] =	wrdreg s2  }
0xa9: {  	[dreg:$0x3] =	wrdreg s4  }
0xaa: {  	[dreg:$0x4] =	wrdreg $0xC0  }
0xab: {  	_ =	task [dreg:s6], $0x5FFFF  }
0xac: {  	[dreg:$0x1] =	wrdreg $0xFFFFFFFF  }
0xad: {  	[dreg:$0x0] =	wrdreg $0x60  }
0xae: {  	[dreg:$0x2] =	wrdreg s24  }
0xaf: {  	[dreg:$0x3] =	wrdreg $0x9  }
0xb0: {  	_ =	task.clear_ibuf [dreg:s6], $0x4FFFF;
	_ =	strace $0x90000046  }
0xb1: {  	s29 =	simm.s32 $0x9;
	_ =	strace $0x80000048  }
0xb2: {  	_ =	swait.ge [sflag:s29], $0x1  }
0xb3: {  	[sflag:s29] =	ssyncadd.s32 $0xFFFFFFFF  }
0xb4: {  	_ =	strace $0x90000048  }
0xb5: {  	_ =	sfence  }
0xb6: {  	s30 =	sld [smem:$0x0];
	_ =	sdelay $0x2  }
0xb7: {  	s31 =	sshll.u32 s1, $0xD;
	s1 =	sshrl.u32 s1, $0x2  }
0xb8: {  	s3 =	sand.u32 $0x4000, s31;
	s1 =	sadd.s32 s1, s30  }
0xb9: {  	s0 =	sor.u32 s3, s0;
	s1 =	sshll.u32 s1, $0x11  }
0xba: {  	s0 =	sor.u32 s1, s0  }
0xbb: {  	s0 =	sadd.s32 $0x8F2B, s0  }
0xbc: {  	[sflag:s0] =	ssyncadd.remote.s32 $0x1  }
0xbd: {  	_ =	sfence.sel $0xFFFF  }
0xbe: {  	[dreg:$0x0] =	wrdreg $0xFFFFFFFF;
	(pc) =	sbr.abs _section_cstart, $3  }
0xbf: {  	[dreg:$0x1] =	wrdreg $0xFFFFFFFF  }
0xc0: {  	_ =	task.clear_ibuf [dreg:s6], $0x2FFFF;
	_ =	strace $0x9FFFFFFF  }
0xc1: {  	(tm) =	ssettm $0x7FFFFFFF  }
tec
execute0_lowered:
.L_overlay_start_1:
0x0: {  	(tag) =	ssettag $0x1  }
0x1: {  	s1 =	srdreg.scid;
	s0 =	stileid.u32  }
0x2: {  	s4 =	rddreg [dreg:$0x0];
	s2 =	simm.s32 $0x0;
	s10 =	simm.s32 $0x1  }
0x3: {  	s11 =	simm.s32 $0x2800;
	s12 =	simm.s32 $0x7800;
	s13 =	simm.s32 $0xA000  }
0x4: {  	s14 =	simm.s32 $0x5000;
	s3 =	sand.u32 $0x1, s1;
	s5 =	sshll.u32 s0, $0x1  }
0x5: {  	s15 =	simm.s32 $0xC800;
	s16 =	simm.s32 $0x0;
	s5 =	sor.u32 s3, s5  }
0x6: {  	[smem:$0x7FF] =	sst s2;
	s6 =	ssub.s32 $0x2, s3;
	s5 =	smul.u32 $0x500, s5  }
0x7: {  	s1 =	rddreg [dreg:$0x1];
	_ =	strace $0x80000047;
	s7 =	sshrl.u32 s6, $0x1  }
0x8: {  	s3 =	sadd.s32 $0x14E00, s4;
	s9 =	ssub.s32 s6, s7;
	s8 =	sadd.s32 s5, s4  }
0x9: {  	s4 =	sadd.s32 $0x15300, s4;
	s9 =	smax.u32 s9, $0x1;
	s5 =	sadd.s32 $0xAE00, s8  }
0xa: {  	v0 =	vimm.f32 $0.0e+00;
	s6 =	sadd.s32 $0xE00, s8;
	s7 =	sadd.s32 $0x1F800, s8;
	s8 =	sadd.s32 $0x15800, s8  }
.LBB2_1:
0xb: {  	[tilespmem:s2], [sflag:$0x1] =	stream.linear.gather [hbm4b:s3+s2], $0x2800, $0x38;
	[tilespmem:$0xF000] =	vst v63  }
0xc: {  	_ =	swait.ge [sflag:s10], $0x2800  }
0xd: {  	[sflag:s10] =	ssyncset.done $0x0  }
0xe: {  	[sflag:s10] =	ssyncadd.s32 $0xFFFFD800  }
0xf: {  	[tilespmem:s11], [sflag:$0x1] =	stream.linear.gather [hbm4b:s4+s2], $0x2800, $0x38;
	[tilespmem:$0xF000] =	vst v63  }
0x10: {  	_ =	swait.ge [sflag:s10], $0x2800  }
0x11: {  	[sflag:s10] =	ssyncset.done $0x0  }
0x12: {  	s17 =	simm.s32 $0x5020;
	[sflag:s10] =	ssyncadd.s32 $0xFFFFD800  }
0x13: {  	[tilespmem:s17+$0xFFFFFFE0] =	vst v0  }
0x14: {  	[tilespmem:s17+$0x10] =	vst v0  }
0x15: {  	s18 =	simm.s32 $0x0;
	[tilespmem:s17+$0x0] =	vst v0  }
.LBB2_2:
0x16: {  	s18 =	sadd.s32 $0x4, s18  }
0x17: {  	[tilespmem:s17+$0xFFFFFFF0] =	vst v0;
	s17 =	sadd.s32 $0x40, s17;
	p0 =	slt.u32 s18, $0x27C  }
.Ltmp0:
0x18: {  	[tilespmem:s17+$0xFFFFFFE0] =	vst v0;
	(pc) =	sbr.rel @p0 .LBB2_2-.Ltmp0, $3  }
0x19: {  	_ =	sdelay $0x1  }
0x1a: {  	[tilespmem:s17+$0x10] =	vst v0  }
0x1b: {  	[tilespmem:s17+$0x0] =	vst v0  }
0x1c: {  	[tilespmem:s17+$0xFFFFFFF0] =	vst v0  }
0x1d: {  	[tilespmem:s12], [sflag:$0x1] =	stream.linear.gather [hbm4b:s5+s2], $0x2800, $0x38;
	[tilespmem:$0xF000] =	vst v63  }
0x1e: {  	_ =	swait.ge [sflag:s10], $0x2800  }
0x1f: {  	[sflag:s10] =	ssyncset.done $0x0  }
0x20: {  	[sflag:s10] =	ssyncadd.s32 $0xFFFFD800  }
0x21: {  	[tilespmem:s13], [sflag:$0x1] =	stream.linear.gather [hbm4b:s6+s2], $0x2800, $0x38;
	[tilespmem:$0xF000] =	vst v63  }
0x22: {  	_ =	swait.ge [sflag:s10], $0x2800  }
0x23: {  	[sflag:s10] =	ssyncset.done $0x0  }
0x24: {  	s26 =	simm.s32 $0x7810;
	[sflag:s10] =	ssyncadd.s32 $0xFFFFD800  }
0x25: {  	s18 =	simm.s32 $0xA010;
	v1 =	vld [tilespmem:s26+$0x0]  }
0x26: {  	v2 =	vld [tilespmem:s18+$0x0];
	_ =	sdelay $0x4  }
0x27: {  	v3 =	vld [tilespmem:s18+$0xFFFFFFF0]  }
0x28: {  	s17 =	simm.s32 $0x0;
	v4 =	vld [tilespmem:s26+$0xFFFFFFF0]  }
0x29: {  	v1 =	vld.idx.msk [tilespmem:v1+s17+$0x0], $0xffff  }
0x2a: {  	s28 =	simm.s32 $0x7830;
	v2 =	vld.idx.msk [tilespmem:v2+s11+$0x0], $0xffff  }
0x2b: {  	v5 =	vld [tilespmem:s28+$0x0]  }
0x2c: {  	s19 =	simm.s32 $0xA030;
	v8 =	vld [tilespmem:s28+$0xFFFFFFF0]  }
0x2d: {  	v6 =	vld [tilespmem:s19+$0x0]  }
0x2e: {  	s29 =	simm.s32 $0x7850;
	v7 =	vld [tilespmem:s19+$0xFFFFFFF0]  }
0x2f: {  	v9 =	vld [tilespmem:s29+$0x0];
	v1 =	vadd.f32 v2, v1  }
0x30: {  	v4 =	vld.idx.msk [tilespmem:v4+s17+$0x0], $0xffff  }
0x31: {  	s30 =	simm.s32 $0xA050;
	v2 =	vld.idx.msk [tilespmem:v3+s11+$0x0], $0xffff;
	v3 =	vmul.f32 $9.999999770e-03, v1  }
0x32: {  	v10 =	vld [tilespmem:s30+$0x0]  }
0x33: {  	v5 =	vld.idx.msk [tilespmem:v5+s17+$0x0], $0xffff;
	v1 =	vmax.f32 v1, v3  }
0x34: {  	v8 =	vld.idx.msk [tilespmem:v8+s17+$0x0], $0xffff;
	v1 =	vmul.f32 $1.442695020e+00, v1  }
0x35: {  	v3 =	vld.idx.msk [tilespmem:v6+s11+$0x0], $0xffff  }
0x36: {  	v7 =	vld.idx.msk [tilespmem:v7+s11+$0x0], $0xffff;
	(erf) = vpow2.f32 v1;
	v1 =	vadd.f32 v2, v4;
	_ =	sdelay $0x1  }
0x37: {  	v4 =	vmul.f32 $9.999999770e-03, v1  }
0x38: {  	v11 =	vld [tilespmem:s30+$0xFFFFFFF0]  }
0x39: {  	v6 =	vld [tilespmem:s29+$0xFFFFFFF0];
	v2 =	vadd.f32 v3, v5;
	v4 =	vmax.f32 v1, v4  }
0x3a: {  	v9 =	vld.idx.msk [tilespmem:v9+s17+$0x0], $0xffff;
	v8 =	vadd.f32 v7, v8;
	v7 =	vmul.f32 $1.442695020e+00, v4  }
0x3b: {  	s31 =	simm.s32 $0x7870;
	v10 =	vld.idx.msk [tilespmem:v10+s11+$0x0], $0xffff;
	v5 =	vmul.f32 $9.999999770e-03, v2  }
0x3c: {  	s19 =	simm.s32 $0xA070;
	v3 =	vld [tilespmem:s31+$0x0];
	(erf) = vpow2.f32 v7  }
0x3d: {  	v1 =	vld [tilespmem:s19+$0x0];
	v2 =	vmax.f32 v2, v5  }
0x3e: {  	v4 =	vld [tilespmem:s19+$0xFFFFFFF0];
	v12 =	vmul.f32 $1.442695020e+00, v2  }
0x3f: {  	v5 =	vld [tilespmem:s31+$0xFFFFFFF0]  }
0x40: {  	v13 =	vmul.f32 $9.999999770e-03, v8;
	v7 =	vpop (erf);
	(erf) = vpow2.f32 v12  }
0x41: {  	s18 =	simm.s32 $0xC810;
	v2 =	vld.idx.msk [tilespmem:v6+s17+$0x0], $0xffff  }
0x42: {  	s20 =	simm.s32 $0x6;
	s21 =	simm.s32 $0x7890;
	v8 =	vmax.f32 v8, v13;
	v6 =	vld.idx.msk [tilespmem:v11+s11+$0x0], $0xffff;
	[tilespmem:s18+$0x0] =	vst v7;
	v7 =	vadd.f32 v10, v9  }
.LBB2_4:
0x43: {  	v9 =	vld [tilespmem:s21+$0x0];
	v8 =	vmul.f32 $1.442695020e+00, v8;
	v10 =	vmov v4  }
0x44: {  	v11 =	vld.idx.msk [tilespmem:v3+s17+$0x0], $0xffff;
	v3 =	vmul.f32 $9.999999770e-03, v7;
	v12 =	vmov v5  }
0x45: {  	s19 =	sadd.s32 $0x20, s19;
	s20 =	sadd.s32 $0x2, s20;
	v13 =	vld.idx.msk [tilespmem:v1+s11+$0x0], $0xffff;
	(erf) = vpow2.f32 v8;
	v4 =	vpop (erf)  }
0x46: {  	p0 =	slt.u32 s20, $0x27E;
	v1 =	vld [tilespmem:s19+$0x0];
	v7 =	vmax.f32 v7, v3;
	[tilespmem:s18+$0xFFFFFFF0] =	vst v4  }
.Ltmp1:
0x47: {  	v8 =	vadd.f32 v6, v2;
	v4 =	vld [tilespmem:s19+$0xFFFFFFF0];
	v6 =	vmul.f32 $1.442695020e+00, v7;
	(pc) =	sbr.rel @p0 .LBB2_4-.Ltmp1, $4  }
0x48: {  	v5 =	vld [tilespmem:s21+$0xFFFFFFF0];
	v3 =	vmov v9  }
0x49: {  	s18 =	sadd.s32 $0x20, s18;
	v9 =	vmul.f32 $9.999999770e-03, v8;
	v2 =	vld.idx.msk [tilespmem:v12+s17+$0x0], $0xffff;
	(erf) = vpow2.f32 v6;
	v7 =	vpop (erf)  }
0x4a: {  	v6 =	vld.idx.msk [tilespmem:v10+s11+$0x0], $0xffff;
	[tilespmem:s18+$0x0] =	vst v7  }
0x4b: {  	s21 =	sadd.s32 $0x20, s21;
	v7 =	vadd.f32 v13, v11;
	v8 =	vmax.f32 v8, v9  }
0x4c: {  	_ =	sdelay $0x3  }
0x4d: {  	v1 =	vld.idx.msk [tilespmem:v1+s11+$0x0], $0xffff  }
0x4e: {  	s17 =	simm.s32 $0x0;
	v4 =	vld.idx.msk [tilespmem:v4+s11+$0x0], $0xffff  }
0x4f: {  	v3 =	vld.idx.msk [tilespmem:v3+s17+$0x0], $0xffff  }
0x50: {  	v5 =	vld.idx.msk [tilespmem:v5+s17+$0x0], $0xffff;
	_ =	sdelay $0x2  }
0x51: {  	v2 =	vadd.f32 v6, v2  }
0x52: {  	v61 =	vmul.f32 $9.999999770e-03, v7;
	v1 =	vadd.f32 v1, v3  }
0x53: {  	v3 =	vmul.f32 $9.999999770e-03, v2;
	v4 =	vadd.f32 v4, v5  }
0x54: {  	v62 =	vmul.f32 $1.442695020e+00, v8;
	v6 =	vmax.f32 v7, v61;
	v63 =	vmul.f32 $9.999999770e-03, v1  }
0x55: {  	v6 =	vmul.f32 $1.442695020e+00, v6;
	v2 =	vmax.f32 v2, v3;
	v3 =	vmul.f32 $9.999999770e-03, v4  }
0x56: {  	(erf) = vpow2.f32 v62;
	v2 =	vmul.f32 $1.442695020e+00, v2;
	v1 =	vmax.f32 v1, v63  }
0x57: {  	(erf) = vpow2.f32 v6;
	v3 =	vmax.f32 v4, v3;
	v1 =	vmul.f32 $1.442695020e+00, v1  }
0x58: {  	(erf) = vpow2.f32 v2;
	v2 =	vmul.f32 $1.442695020e+00, v3  }
0x59: {  	(erf) = vpow2.f32 v1  }
0x5a: {  	(erf) = vpow2.f32 v2;
	_ =	sdelay $0x2  }
0x5b: {  	v1 =	vpop (erf)  }
0x5c: {  	s31 =	sadd.s32 $0x20, s18;
	v2 =	vpop (erf);
	[tilespmem:s18+$0xFFFFFFF0] =	vst v1  }
0x5d: {  	p0 =	por $0x1, $0x1;
	v1 =	vpop (erf);
	[tilespmem:s31+$0x0] =	vst v2  }
.Ltmp2:
0x5e: {  	s17 =	sadd.s32 $0x20, s31;
	v2 =	vpop (erf);
	[tilespmem:s31+$0xFFFFFFF0] =	vst v1;
	(pc) =	sbr.rel @!p0 .LBB2_7-.Ltmp2, $4  }
0x5f: {  	[tilespmem:s17+$0x0] =	vst v2;
	v1 =	vpop (erf)  }
0x60: {  	[tilespmem:s17+$0xFFFFFFF0] =	vst v1;
	s17 =	sadd.s32 $0x20, s17;
	v1 =	vpop (erf)  }
0x61: {  	[tilespmem:s17+$0x0] =	vst v1;
	v1 =	vpop (erf)  }
0x62: {  	s18 =	simm.s32 $0x0;
	[tilespmem:s17+$0xFFFFFFF0] =	vst v1;
	s17 =	simm.s32 $0x40  }
.LBB2_6:
0x63: {  	p0 =	sne.s32 s17, $0x9FC0;
	v1 =	vld [tilespmem:s18+$0xA000];
	_ =	sdelay $0x2  }
0x64: {  	v2 =	vld [tilespmem:s18+$0xC800]  }
.Ltmp3:
0x65: {  	(pc) =	sbr.rel @p0 .LBB2_6-.Ltmp3, $2  }
0x66: {  	_ =	sdelay $0x2  }
0x67: {  	s18 =	sshra.s32 s17, $0x2;
	s17 =	sadd.s32 $0x40, s17;
	[tilespmem:v1+s14+$0x0] =	vst.idx.add.f32.msk $0xffff, v2  }
.LBB2_7:
0x68: {  	v1 =	vld [tilespmem:s18+$0xA000];
	_ =	sdelay $0x2  }
0x69: {  	v2 =	vld [tilespmem:s18+$0xC800];
	_ =	sdelay $0x4  }
0x6a: {  	[tilespmem:v1+s14+$0x0] =	vst.idx.add.f32.msk $0xffff, v2  }
0x6b: {  	[hbm4b:s7+s2] =	stream.linear.scatter [tilespmem:s15], [sflag:$0x1], $0x2800, $0x38;
	[tilespmem:$0xF000] =	vst v63  }
0x6c: {  	s16 =	sadd.s32 $0x1, s16;
	_ =	swait.ge [sflag:s10], $0x2800  }
0x6d: {  	p0 =	sne.s32 s16, s9;
	[sflag:s10] =	ssyncset.done $0x0  }
.Ltmp4:
0x6e: {  	[sflag:s10] =	ssyncadd.s32 $0xFFFFD800;
	(pc) =	sbr.rel @p0 .LBB2_1-.Ltmp4, $4  }
0x6f: {  	[hbm4b:s8+s2] =	stream.linear.scatter [tilespmem:s14], [sflag:$0x1], $0x2800, $0x38;
	[tilespmem:$0xF000] =	vst v63  }
0x70: {  	_ =	swait.ge [sflag:s10], $0x2800  }
0x71: {  	[sflag:s10] =	ssyncset.done $0x0  }
0x72: {  	[sflag:s10] =	ssyncadd.s32 $0xFFFFD800  }
0x73: {  	_ =	sfence.sel $0x180000  }
0x74: {  	[bflag:$0x0] =	sbarrier.arrive $0xFFFF  }
0x75: {  	p0 =	sne.s32 s0, $0x0;
	_ =	strace $0x90000047  }
0x76: {  	s0 =	sadd.s32 @!p0 $0x100000, s1;
	[bflag:$0x2] =	sbarrier.arrive $0xFFFF  }
0x77: {  	[sflag:s0] =	ssyncadd.tile.s32 @!p0 $0x1;
	_ =	shalt  }
.Lfunc_end2:
_tile_overlayer_lowered:
.L_overlay_start_2:
0x78: {  	(tag) =	ssettag $0x2  }
0x79: {  	s0 =	rddreg [dreg:$0x0];
	s2 =	stileid.u32  }
0x7a: {  	s1 =	rddreg [dreg:$0x1];
	p0 =	sne.s32 s2, $0x0  }
0x7b: {  	s3 =	rddreg [dreg:$0x2];
	[bflag:$0x3] =	sbarrier.arrive $0xFFFF;
	s2 =	simm.s32 @!p0 $0x1C01  }
0x7c: {  	[timem:s3], [sflag:s2] =	dma.local @!p0 [hbm:s0], s1  }
0x7d: {  	s0 =	simm.s32 @!p0 $0x1  }
0x7e: {  	_ =	swait.ge @!p0 [sflag:s0], s1  }
0x7f: {  	s1 =	ssub.s32 @!p0 $0x0, s1;
	[sflag:s0] =	ssyncset.done @!p0 $0x0  }
0x80: {  	[sflag:s0] =	ssyncadd.s32 @!p0 s1  }
0x81: {  	[bflag:$0x3] =	sbarrier.arrive $0xFFFF  }
0x82: {  	_ =	shalt  }

// kernel: kernel.9.cloned.1.call-start
scs
__scs_entry_jumppad:
0x0: {  	(pc) =	sbr.rel $0x88, $3  }
0x1: {  	(tag) =	ssettag $0x0;
	lr =	simm.s32 $0x1  }
0x2: {  	[smem:$0x3F9D] =	sst lr;
	_ =	strace $0xD0000000  }
0x3: {  	_ = 	snop  }
0x4: {  	_ = 	snop  }
0x5: {  	_ = 	snop  }
0x6: {  	_ = 	snop  }
0x7: {  	_ = 	snop  }
__scs_overlays_trampoline_lowered:
0x8: {  	[smem:$0x3FAC] =	sst s0  }
0x9: {  	[smem:$0x3FAD] =	sst s1  }
0xa: {  	[smem:$0x3FAE] =	sst s2  }
0xb: {  	[smem:$0x3FAF] =	sst s3  }
0xc: {  	[smem:$0x3FB0] =	sst s4  }
0xd: {  	[smem:$0x3FB1] =	sst s5  }
0xe: {  	[smem:$0x3FB2] =	sst s6  }
0xf: {  	[smem:$0x3FB3] =	sst s7  }
0x10: {  	[smem:$0x3FB4] =	sst s8  }
0x11: {  	[smem:$0x3FB5] =	sst s9;
	s0 =	simm.s32 @!p0 $0x0  }
0x12: {  	s1 =	sld [smem:$0x3F9B];
	s0 =	simm.s32 @p0 $0x1  }
0x13: {  	[smem:$0x3FB6] =	sst s0;
	s0 =	simm.s32 @!p1 $0x0  }
0x14: {  	s2 =	sld [smem:$0x3F9A];
	s0 =	simm.s32 @p1 $0x1  }
0x15: {  	[smem:$0x3FB7] =	sst s0;
	s0 =	simm.s32 @!p2 $0x0  }
0x16: {  	s3 =	sld [smem:$0x3FDB];
	s0 =	simm.s32 @p2 $0x1  }
0x17: {  	s4 =	simm.s32 $0x1BF5;
	[smem:$0x3FB9] =	sst s0  }
0x18: {  	s0 =	sld [smem:$0x3F9C];
	_ =	swait.ge [sflag:s4], $0x0  }
0x19: {  	s7 =	sld [smem:$0x3F9D]  }
0x1a: {  	s8 =	sadd.s32 $0xFFFFE003, lr  }
0x1b: {  	s9 =	sadd.s32 $0xFFFFFEF7, lr;
	s5 =	simm.s32 $0xFFFFFFFF;
	p2 =	slt.u32 s8, $0xFFFFF086  }
0x1c: {  	p1 =	slt.u32 s9, $0xF7A;
	s5 =	simm.s32 @!p2 $0x0  }
0x1d: {  	s5 =	simm.s32 @p1 $0x1;
	p0 =	seq.s32 s7, s2  }
0x1e: {  	s7 =	smul.u32 @!p0 $0xF7A, s2;
	p2 =	seq.s32 @!p0 s5, $0x0  }
0x1f: {  	s9 =	smul.u32 $0xF7A, s1;
	s8 =	simm.s32 @!p0 $0x1BF5;
	p2 =	por !p2, p0  }
0x20: {  	[sflag:s8] =	ssyncset.s32 @!p0 $0xFFFFF086;
	s6 =	sadd.s32 @!p0 s3, s7;
	s7 =	simm.s32 @!p0 $0x108  }
0x21: {  	s3 =	sadd.s32 s3, s9;
	s6 =	sadd.s32 @!p0 $0x88, s6;
	s7 =	simm.s32 @p2 $0x1082  }
0x22: {  	[simem:s7], [sflag:s8] =	dma.local @!p0 [hbm:s6], $0xF7A  }
0x23: {  	s9 =	sor.u32 $0xD0000000, s2;
	s6 =	simm.s32 $0x108;
	_ =	swait.ge @!p0 [sflag:s8], $0x0  }
0x24: {  	s3 =	sadd.s32 $0x88, s3;
	s6 =	simm.s32 @!p1 $0x1082;
	[sflag:s4] =	ssyncset.s32 $0xFFFFF086  }
0x25: {  	[simem:s6], [sflag:s4] =	dma.local [hbm:s3], $0xF7A  }
0x26: {  	[smem:$0x3F9D] =	sst s1;
	(tag) =	ssettag s2;
	_ =	strace s9  }
0x27: {  	s1 =	sld [smem:$0x3FAD]  }
0x28: {  	s2 =	sld [smem:$0x3FAE]  }
0x29: {  	s4 =	sld [smem:$0x3FB0]  }
0x2a: {  	p0 =	seq.s32 s5, $0x0;
	s5 =	sld [smem:$0x3FB1]  }
0x2b: {  	s6 =	sld [smem:$0x3FB2]  }
0x2c: {  	s7 =	sld [smem:$0x3FB3]  }
0x2d: {  	s3 =	simm.s32 $0x108;
	s8 =	sld [smem:$0x3FB4]  }
0x2e: {  	s3 =	simm.s32 @!p0 $0x1082;
	s9 =	sld [smem:$0x3FB5]  }
0x2f: {  	lr =	sadd.s32 s0, s3;
	s0 =	sld [smem:$0x3FAC]  }
0x30: {  	s3 =	sld [smem:$0x3FAF]  }
0x31: {  	[smem:$0x3FB8] =	sst s10  }
0x32: {  	s10 =	sld [smem:$0x3FB6];
	_ =	sdelay $0x3  }
0x33: {  	p0 =	seq.s32 s10, $0x1;
	s10 =	sld [smem:$0x3FB8];
	_ =	sdelay $0x3  }
0x34: {  	[smem:$0x3FB8] =	sst s10  }
0x35: {  	s10 =	sld [smem:$0x3FB7];
	_ =	sdelay $0x3  }
0x36: {  	p1 =	seq.s32 s10, $0x1;
	s10 =	sld [smem:$0x3FB8];
	_ =	sdelay $0x3  }
0x37: {  	[smem:$0x3FB8] =	sst s10  }
0x38: {  	s10 =	sld [smem:$0x3FB9]  }
0x39: {  	_ = 	snop;
	(pc) =	sbr.ind lr, $3  }
0x3a: {  	_ = 	snop  }
0x3b: {  	_ = 	snop  }
0x3c: {  	p2 =	seq.s32 s10, $0x1;
	s10 =	sld [smem:$0x3FB8]  }
0x3d: {  	_ =	shalt  }
0x3e: {  	_ =	shalt  }
0x3f: {  	_ =	shalt  }
0x40: {  	_ =	shalt  }
0x41: {  	_ =	shalt  }
0x42: {  	_ =	shalt  }
0x43: {  	_ =	shalt  }
0x44: {  	_ =	shalt  }
0x45: {  	_ =	shalt  }
0x46: {  	_ =	shalt  }
0x47: {  	_ =	shalt  }
0x48: {  	_ =	shalt  }
0x49: {  	_ =	shalt  }
0x4a: {  	_ =	shalt  }
0x4b: {  	_ =	shalt  }
0x4c: {  	_ =	shalt  }
0x4d: {  	_ =	shalt  }
0x4e: {  	_ =	shalt  }
0x4f: {  	_ =	shalt  }
0x50: {  	_ =	shalt  }
0x51: {  	_ =	shalt  }
0x52: {  	_ =	shalt  }
0x53: {  	_ =	shalt  }
0x54: {  	_ =	shalt  }
0x55: {  	_ =	shalt  }
0x56: {  	_ =	shalt  }
0x57: {  	_ =	shalt  }
0x58: {  	_ =	shalt  }
0x59: {  	_ =	shalt  }
0x5a: {  	_ =	shalt  }
0x5b: {  	_ =	shalt  }
0x5c: {  	_ =	shalt  }
0x5d: {  	_ =	shalt  }
0x5e: {  	_ =	shalt  }
0x5f: {  	_ =	shalt  }
0x60: {  	_ =	shalt  }
0x61: {  	_ =	shalt  }
0x62: {  	_ =	shalt  }
0x63: {  	_ =	shalt  }
0x64: {  	_ =	shalt  }
0x65: {  	_ =	shalt  }
0x66: {  	_ =	shalt  }
0x67: {  	_ =	shalt  }
0x68: {  	_ =	shalt  }
0x69: {  	_ =	shalt  }
0x6a: {  	_ =	shalt  }
0x6b: {  	_ =	shalt  }
0x6c: {  	_ =	shalt  }
0x6d: {  	_ =	shalt  }
0x6e: {  	_ =	shalt  }
0x6f: {  	_ =	shalt  }
0x70: {  	_ =	shalt  }
0x71: {  	_ =	shalt  }
0x72: {  	_ =	shalt  }
0x73: {  	_ =	shalt  }
0x74: {  	_ =	shalt  }
0x75: {  	_ =	shalt  }
0x76: {  	_ =	shalt  }
0x77: {  	_ =	shalt  }
0x78: {  	_ =	shalt  }
0x79: {  	_ =	shalt  }
0x7a: {  	_ =	shalt  }
0x7b: {  	_ =	shalt  }
0x7c: {  	_ =	shalt  }
0x7d: {  	_ =	shalt  }
0x7e: {  	_ =	shalt  }
0x7f: {  	_ =	shalt  }
0x80: {  	_ =	shalt  }
0x81: {  	_ =	shalt  }
0x82: {  	_ =	shalt  }
0x83: {  	_ =	shalt  }
0x84: {  	_ =	shalt  }
0x85: {  	_ =	shalt  }
0x86: {  	_ =	shalt  }
0x87: {  	_ =	shalt  }
.Lfunc_end0:
.L_simem_size_0:
called_computation.1_lowered:
.L_overlay_start_0:
0x88: {  	s2 =	sld [smem:$0x3FD9]  }
0x89: {  	s3 =	sld [smem:$0x3FFE];
	_ =	sdelay $0x1  }
0x8a: {  	s1 =	srdreg.scid  }
0x8b: {  	s0 =	sand.u32 $0x1, s1  }
0x8c: {  	s17 =	sshll.u32 s0, $0xA;
	s2 =	sadd.s32 s3, s2  }
0x8d: {  	s2 =	sadd.s32 s2, s17  }
0x8e: {  	[smem:$0x3FC4] =	sst s2  }
0x8f: {  	_ = 	snop  }
0x90: {  	s2 =	sld [smem:$0x3FD0];
	(tm) =	ssettm $0x1  }
0x91: {  	s18 =	sld [smem:$0x3FFB];
	_ =	sdelay $0x3  }
0x92: {  	_ =	strace s18  }
0x93: {  	s3 =	sld [smem:$0x3FFC];
	_ =	sdelay $0x3  }
0x94: {  	_ =	strace s3  }
0x95: {  	s3 =	sld [smem:$0x3FFD];
	_ =	sdelay $0x3  }
0x96: {  	_ =	strace s3  }
0x97: {  	_ =	strace $0x8FFFFFFF  }
0x98: {  	s19 =	sld [smem:$0x3FDB];
	_ =	sdelay $0x1  }
0x99: {  	s4 =	simm.s32 $_scs_section_size  }
0x9a: {  	s5 =	simm.s32 $_size__tile_overlayer_lowered;
	s6 =	simm.s32 $_tile_overlayer_lowered  }
0x9b: {  	s22 =	simm.s32 $0x1BFF;
	s21 =	sshll.u32 s6, $0x1;
	s3 =	sadd.s32 s4, s19  }
0x9c: {  	s7 =	simm.s32 $0x0;
	s20 =	sshll.u32 s5, $0x1;
	s5 =	sadd.s32 s21, s3  }
0x9d: {  	[timem:s7], [sflag:s22] =	dma.local [hbm:s5], s20  }
0x9e: {  	_ =	swait.ge [sflag:s22], s20  }
0x9f: {  	s4 =	ssub.s32 $0x0, s20;
	[sflag:s22] =	ssyncset.done $0x0  }
0xa0: {  	[sflag:s22] =	ssyncadd.s32 s4;
	_ =	sdelay $0x1  }
0xa1: {  	s23 =	simm.s32 $0x1B8B  }
0xa2: {  	_ =	swait.ge [sflag:s23], $0x1  }
0xa3: {  	[sflag:s23] =	ssyncset.done $0x0  }
0xa4: {  	s25 =	simm.s32 $0x1B8E;
	s24 =	sld [smem:$0x3FFE];
	[sflag:s23] =	ssyncadd.s32 $0xFFFFFFFF  }
0xa5: {  	s26 =	simm.s32 $execute0_lowered;
	[smem:$0x3FD2] =	sst s25  }
0xa6: {  	s5 =	sshll.u32 s26, $0x1;
	_ =	strace $0x80000049;
	[dreg:$0x1] =	wrdreg $0xFFFFFFFF  }
0xa7: {  	s28 =	simm.s32 $_size_execute0_lowered;
	s3 =	sadd.s32 s3, s5;
	[dreg:$0x0] =	wrdreg $0x0  }
0xa8: {  	s5 =	sshll.u32 s28, $0x1;
	[dreg:$0x2] =	wrdreg s3  }
0xa9: {  	[dreg:$0x3] =	wrdreg s5  }
0xaa: {  	[dreg:$0x4] =	wrdreg $0xC0  }
0xab: {  	_ =	task [dreg:s7], $0x5FFFF  }
0xac: {  	[dreg:$0x1] =	wrdreg $0xFFFFFFFF  }
0xad: {  	[dreg:$0x0] =	wrdreg $0x60  }
0xae: {  	[dreg:$0x2] =	wrdreg s24  }
0xaf: {  	[dreg:$0x3] =	wrdreg s2  }
0xb0: {  	[dreg:$0x4] =	wrdreg $0xB1800  }
0xb1: {  	[dreg:$0x5] =	wrdreg $0x9  }
0xb2: {  	_ =	task.clear_ibuf [dreg:s7], $0x6FFFF;
	_ =	strace $0x90000049  }
0xb3: {  	s29 =	simm.s32 $0x9;
	_ =	strace $0x8000004B  }
0xb4: {  	_ =	swait.ge [sflag:s29], $0x1  }
0xb5: {  	[sflag:s29] =	ssyncadd.s32 $0xFFFFFFFF  }
0xb6: {  	_ =	strace $0x9000004B  }
0xb7: {  	_ =	sfence  }
0xb8: {  	s30 =	sld [smem:$0x0];
	_ =	sdelay $0x2  }
0xb9: {  	s31 =	sshll.u32 s1, $0xD;
	s1 =	sshrl.u32 s1, $0x2  }
0xba: {  	s3 =	sand.u32 $0x4000, s31;
	s1 =	sadd.s32 s1, s30  }
0xbb: {  	s0 =	sor.u32 s3, s0;
	s1 =	sshll.u32 s1, $0x11  }
0xbc: {  	s0 =	sor.u32 s1, s0  }
0xbd: {  	s0 =	sadd.s32 $0x8F2B, s0  }
0xbe: {  	[sflag:s0] =	ssyncadd.remote.s32 $0x1  }
0xbf: {  	_ =	sfence.sel $0xFFFF  }
0xc0: {  	[dreg:$0x0] =	wrdreg $0xFFFFFFFF;
	(pc) =	sbr.abs _section_cstart, $3  }
0xc1: {  	[dreg:$0x1] =	wrdreg $0xFFFFFFFF  }
0xc2: {  	_ =	task.clear_ibuf [dreg:s7], $0x2FFFF;
	_ =	strace $0x9FFFFFFF  }
0xc3: {  	(tm) =	ssettm $0x7FFFFFFF  }
tec
execute0_lowered:
.L_overlay_start_1:
0x0: {  	(tag) =	ssettag $0x1  }
0x1: {  	s0 =	rddreg [dreg:$0x0]  }
0x2: {  	s2 =	rddreg [dreg:$0x1];
	s1 =	srdreg.scid  }
0x3: {  	s12 =	stileid.u32;
	s3 =	rddreg [dreg:$0x2];
	s4 =	simm.s32 $0x0  }
0x4: {  	s28 =	simm.s32 $0x2000;
	s29 =	simm.s32 $0x40;
	s30 =	simm.s32 $0x5  }
0x5: {  	s31 =	simm.s32 $0x6;
	s1 =	sand.u32 $0x1, s1;
	s10 =	smul.u32 $0x4F000, s12  }
0x6: {  	s8 =	smul.u32 $0x13C00, s12;
	[smem:$0x7FF] =	sst s4;
	s5 =	sadd.s32 $0xAE00, s0  }
0x7: {  	s12 =	sshll.u32 s12, $0x1;
	s6 =	smul.u32 $0x13C000, s1;
	s10 =	sshrl.u32 s10, $0x2  }
0x8: {  	_ =	strace $0x8000004A;
	s15 =	ssub.s32 $0x2, s1;
	s10 =	sadd.s32 s10, s3  }
0x9: {  	s1 =	sor.u32 s1, s12;
	s11 =	sshrl.u32 s15, $0x1;
	s16 =	sadd.s32 $0x2000, s10  }
0xa: {  	s1 =	smul.u32 $0x2800, s1;
	s17 =	sadd.s32 $0x4000, s10;
	[dreg:$0x4] =	wrdreg s16  }
0xb: {  	s7 =	sadd.s32 s8, s6;
	s18 =	sadd.s32 $0x6000, s10;
	[dreg:$0x5] =	wrdreg s17  }
0xc: {  	s6 =	sadd.s32 $0xE00, s0;
	s19 =	sadd.s32 $0x8000, s10;
	[dreg:$0x6] =	wrdreg s18  }
0xd: {  	s8 =	sadd.s32 s8, s3;
	s20 =	sadd.s32 $0xA000, s10;
	[dreg:$0x7] =	wrdreg s19  }
0xe: {  	s9 =	sshrl.u32 s7, $0x3;
	s21 =	sadd.s32 $0xC000, s10;
	[dreg:$0x8] =	wrdreg s20  }
0xf: {  	s7 =	sadd.s32 $0x1F800, s0;
	s22 =	sadd.s32 $0xE000, s10;
	[dreg:$0x9] =	wrdreg s21  }
0x10: {  	v0 =	vlaneseq.u32;
	s23 =	sadd.s32 $0x10000, s10;
	s10 =	sadd.s32 $0x12000, s10;
	[dreg:$0xa] =	wrdreg s22  }
0x11: {  	v0 =	vmul.u32 $0x2, v0;
	s24 =	sshrl.u32 s1, $0x3;
	s0 =	sadd.s32 s9, s0;
	[dreg:$0xb] =	wrdreg s23  }
0x12: {  	s9 =	ssub.s32 s15, s11;
	[dreg:$0xc] =	wrdreg s10;
	s25 =	sadd.s32 s5, s24  }
0x13: {  	v1 =	vimm.f32 $0.0e+00;
	v2 =	vor.u32 $0x1, v0;
	s26 =	sadd.s32 s6, s24;
	s20 =	sadd.s32 s7, s24;
	[dreg:$0xd] =	wrdreg s25  }
0x14: {  	v3 =	vor.u32 $0x20, v0;
	v4 =	vor.u32 $0x21, v0;
	v5 =	vor.u32 $0x40, v0;
	s21 =	sadd.s32 $0x800, s1;
	s24 =	simm.s32 $0x7180;
	[dreg:$0xe] =	wrdreg s26  }
0x15: {  	v6 =	vor.u32 $0x41, v0;
	v7 =	vor.u32 $0x60, v0;
	v8 =	vor.u32 $0x61, v0;
	s22 =	sadd.s32 $0x29800, s0;
	s23 =	smax.u32 s9, $0x1;
	s25 =	simm.s32 $0x7  }
.LBB2_1:
0x16: {  	s0 =	simm.s32 $0x0;
	s1 =	simm.s32 $0x200  }
.LBB2_2:
0x17: {  	p0 =	sne.s32 s1, $0x7E00;
	[tilespmem:s0+$0x71F0] =	vst v1  }
0x18: {  	[tilespmem:s0+$0x7180] =	vst v1  }
0x19: {  	[tilespmem:s0+$0x7190] =	vst v1  }
.Ltmp0:
0x1a: {  	[tilespmem:s0+$0x71A0] =	vst v1;
	(pc) =	sbr.rel @p0 .LBB2_2-.Ltmp0, $4  }
0x1b: {  	[tilespmem:s0+$0x71B0] =	vst v1  }
0x1c: {  	[tilespmem:s0+$0x71C0] =	vst v1  }
0x1d: {  	[tilespmem:s0+$0x71D0] =	vst v1  }
0x1e: {  	[tilespmem:s0+$0x71E0] =	vst v1;
	s0 =	sshra.s32 s1, $0x2;
	s1 =	sadd.s32 $0x200, s1  }
0x1f: {  	[tilespmem:s0+$0x71F0] =	vst v1  }
0x20: {  	[tilespmem:s0+$0x7180] =	vst v1  }
0x21: {  	[tilespmem:s0+$0x7190] =	vst v1  }
0x22: {  	[tilespmem:s0+$0x71A0] =	vst v1  }
0x23: {  	[tilespmem:s0+$0x71B0] =	vst v1  }
0x24: {  	[tilespmem:s0+$0x71C0] =	vst v1  }
0x25: {  	[tilespmem:s0+$0x71D0] =	vst v1  }
0x26: {  	[tilespmem:s0+$0x71E0] =	vst v1  }
0x27: {  	[spmem:s8] =	stream.linear.scatter [tilespmem:s24], [sflag:$0x7], $0x2000, $0x38;
	[tilespmem:$0x1ED80] =	vst v63  }
0x28: {  	_ =	swait.ge [sflag:s25], $0x2000  }
0x29: {  	[sflag:s25] =	ssyncset.done $0x0  }
0x2a: {  	s15 =	rddreg [dreg:$0x4];
	[sflag:s25] =	ssyncadd.s32 $0xFFFFE000  }
0x2b: {  	[spmem:s15] =	stream.linear.scatter [tilespmem:s24], [sflag:$0x7], $0x2000, $0x38;
	[tilespmem:$0x1ED80] =	vst v63  }
0x2c: {  	_ =	swait.ge [sflag:s25], $0x2000  }
0x2d: {  	[sflag:s25] =	ssyncset.done $0x0  }
0x2e: {  	s16 =	rddreg [dreg:$0x5];
	[sflag:s25] =	ssyncadd.s32 $0xFFFFE000  }
0x2f: {  	[spmem:s16] =	stream.linear.scatter [tilespmem:s24], [sflag:$0x7], $0x2000, $0x38;
	[tilespmem:$0x1ED80] =	vst v63  }
0x30: {  	_ =	swait.ge [sflag:s25], $0x2000  }
0x31: {  	[sflag:s25] =	ssyncset.done $0x0  }
0x32: {  	s17 =	rddreg [dreg:$0x6];
	[sflag:s25] =	ssyncadd.s32 $0xFFFFE000  }
0x33: {  	[spmem:s17] =	stream.linear.scatter [tilespmem:s24], [sflag:$0x7], $0x2000, $0x38;
	[tilespmem:$0x1ED80] =	vst v63  }
0x34: {  	_ =	swait.ge [sflag:s25], $0x2000  }
0x35: {  	[sflag:s25] =	ssyncset.done $0x0  }
0x36: {  	s18 =	rddreg [dreg:$0x7];
	[sflag:s25] =	ssyncadd.s32 $0xFFFFE000  }
0x37: {  	[spmem:s18] =	stream.linear.scatter [tilespmem:s24], [sflag:$0x7], $0x2000, $0x38;
	[tilespmem:$0x1ED80] =	vst v63  }
0x38: {  	_ =	swait.ge [sflag:s25], $0x2000  }
0x39: {  	[sflag:s25] =	ssyncset.done $0x0  }
0x3a: {  	s19 =	rddreg [dreg:$0x8];
	[sflag:s25] =	ssyncadd.s32 $0xFFFFE000  }
0x3b: {  	[spmem:s19] =	stream.linear.scatter [tilespmem:s24], [sflag:$0x7], $0x2000, $0x38;
	[tilespmem:$0x1ED80] =	vst v63  }
0x3c: {  	_ =	swait.ge [sflag:s25], $0x2000  }
0x3d: {  	[sflag:s25] =	ssyncset.done $0x0  }
0x3e: {  	s26 =	rddreg [dreg:$0x9];
	[sflag:s25] =	ssyncadd.s32 $0xFFFFE000  }
0x3f: {  	[spmem:s26] =	stream.linear.scatter [tilespmem:s24], [sflag:$0x7], $0x2000, $0x38;
	[tilespmem:$0x1ED80] =	vst v63  }
0x40: {  	_ =	swait.ge [sflag:s25], $0x2000  }
0x41: {  	[sflag:s25] =	ssyncset.done $0x0  }
0x42: {  	s1 =	rddreg [dreg:$0xa];
	[sflag:s25] =	ssyncadd.s32 $0xFFFFE000  }
0x43: {  	[spmem:s1] =	stream.linear.scatter [tilespmem:s24], [sflag:$0x7], $0x2000, $0x38;
	[tilespmem:$0x1ED80] =	vst v63  }
0x44: {  	_ =	swait.ge [sflag:s25], $0x2000  }
0x45: {  	[sflag:s25] =	ssyncset.done $0x0  }
0x46: {  	s9 =	rddreg [dreg:$0xb];
	[sflag:s25] =	ssyncadd.s32 $0xFFFFE000  }
0x47: {  	[spmem:s9] =	stream.linear.scatter [tilespmem:s24], [sflag:$0x7], $0x2000, $0x38;
	[tilespmem:$0x1ED80] =	vst v63  }
0x48: {  	_ =	swait.ge [sflag:s25], $0x2000  }
0x49: {  	[sflag:s25] =	ssyncset.done $0x0  }
0x4a: {  	s10 =	rddreg [dreg:$0xc];
	[sflag:s25] =	ssyncadd.s32 $0xFFFFE000  }
0x4b: {  	[spmem:s10] =	stream.linear.scatter [tilespmem:s24], [sflag:$0x7], $0x1C00, $0x38;
	[tilespmem:$0x1ED80] =	vst v63  }
0x4c: {  	_ =	swait.ge [sflag:s25], $0x1C00  }
0x4d: {  	[sflag:s25] =	ssyncset.done $0x0  }
0x4e: {  	[sflag:s25] =	ssyncadd.s32 $0xFFFFE400  }
0x4f: {  	[bflag:$0x0] =	sbarrier.arrive $0xFFFF  }
0x50: {  	s1 =	simm.s32 $0x0;
	s11 =	rddreg [dreg:$0xd]  }
0x51: {  	[tilespmem:s1], [sflag:$0x7] =	stream.linear.gather [hbm4b:s11+s1], $0x800, $0x38;
	[tilespmem:$0x1ED80] =	vst v63  }
0x52: {  	_ =	swait.ge [sflag:s25], $0x800  }
0x53: {  	[sflag:s25] =	ssyncset.done $0x0  }
0x54: {  	s9 =	simm.s32 $0x1000;
	s12 =	rddreg [dreg:$0xe];
	[sflag:s25] =	ssyncadd.s32 $0xFFFFF800  }
0x55: {  	[tilespmem:s9], [sflag:$0x7] =	stream.linear.gather [hbm4b:s12+s1], $0x800, $0x38;
	[tilespmem:$0x1ED80] =	vst v63  }
0x56: {  	_ =	swait.ge [sflag:s25], $0x800  }
0x57: {  	[sflag:s25] =	ssyncset.done $0x0  }
0x58: {  	[sflag:s25] =	ssyncadd.s32 $0xFFFFF800  }
0x59: {  	[tilespmem:s28], [sflag:$0x7] =	stream.linear.gather [hbm4b:s20+s1], $0x800, $0x38;
	[tilespmem:$0x1ED80] =	vst v63  }
0x5a: {  	_ =	swait.ge [sflag:s25], $0x800  }
0x5b: {  	[sflag:s25] =	ssyncset.done $0x0  }
0x5c: {  	[sflag:s25] =	ssyncadd.s32 $0xFFFFF800  }
0x5d: {  	v9 =	vld [tilespmem:$0x0]  }
0x5e: {  	v10 =	vld [tilespmem:$0x10]  }
0x5f: {  	v11 =	vld [tilespmem:$0x20]  }
0x60: {  	v12 =	vld [tilespmem:$0x30];
	_ =	sdelay $0x1  }
0x61: {  	[tilespmem:$0x3000] =	vst v9  }
0x62: {  	[tilespmem:$0x3010] =	vst v10  }
0x63: {  	[tilespmem:$0x3020] =	vst v11  }
0x64: {  	s13 =	simm.s32 $0x3000;
	s14 =	simm.s32 $0x3180;
	[tilespmem:$0x3030] =	vst v12  }
0x65: {  	[tilespmem:s14], [sflag:$0x1] =	stream.indirect.gather [hbm4b:s2+s29], $0x40, s13, s29, $0xb8;
	[tilespmem:$0x1ED80] =	vst v63  }
0x66: {  	v9 =	vld [tilespmem:$0x40]  }
0x67: {  	v10 =	vld [tilespmem:$0x50]  }
0x68: {  	v11 =	vld [tilespmem:$0x60]  }
0x69: {  	v61 =	vld [tilespmem:$0x70];
	_ =	sdelay $0x1  }
0x6a: {  	[tilespmem:$0x3040] =	vst v9  }
0x6b: {  	[tilespmem:$0x3050] =	vst v10  }
0x6c: {  	[tilespmem:$0x3060] =	vst v11  }
0x6d: {  	s15 =	simm.s32 $0x3040;
	s16 =	simm.s32 $0x4180;
	[tilespmem:$0x3070] =	vst v61  }
0x6e: {  	[tilespmem:s16], [sflag:$0x2] =	stream.indirect.gather [hbm4b:s2+s29], $0x40, s15, s29, $0xb8;
	[tilespmem:$0x1ED80] =	vst v63  }
0x6f: {  	v9 =	vld [tilespmem:$0x80]  }
0x70: {  	v10 =	vld [tilespmem:$0x90]  }
0x71: {  	v11 =	vld [tilespmem:$0xA0]  }
0x72: {  	v62 =	vld [tilespmem:$0xB0];
	_ =	sdelay $0x1  }
0x73: {  	[tilespmem:$0x3080] =	vst v9  }
0x74: {  	[tilespmem:$0x3090] =	vst v10  }
0x75: {  	[tilespmem:$0x30A0] =	vst v11  }
0x76: {  	s17 =	simm.s32 $0x3080;
	s18 =	simm.s32 $0x5180;
	[tilespmem:$0x30B0] =	vst v62  }
0x77: {  	[tilespmem:s18], [sflag:$0x3] =	stream.indirect.gather [hbm4b:s2+s29], $0x40, s17, s29, $0xb8;
	[tilespmem:$0x1ED80] =	vst v63  }
0x78: {  	v9 =	vld [tilespmem:$0xC0]  }
0x79: {  	v10 =	vld [tilespmem:$0xD0]  }
0x7a: {  	v11 =	vld [tilespmem:$0xE0]  }
0x7b: {  	v63 =	vld [tilespmem:$0xF0];
	_ =	sdelay $0x1  }
0x7c: {  	[tilespmem:$0x30C0] =	vst v9  }
0x7d: {  	[tilespmem:$0x30D0] =	vst v10  }
0x7e: {  	[tilespmem:$0x30E0] =	vst v11  }
0x7f: {  	s19 =	simm.s32 $0x30C0;
	s26 =	simm.s32 $0x6180;
	[tilespmem:$0x30F0] =	vst v63  }
0x80: {  	[tilespmem:s26], [sflag:$0x4] =	stream.indirect.gather [hbm4b:s2+s29], $0x40, s19, s29, $0xb8;
	[tilespmem:$0x1ED80] =	vst v63  }
0x81: {  	s0 =	simm.s32 $0x0;
	s26 =	simm.s32 $0x0  }
.LBB2_4:
0x82: {  	s11 =	sshrl.u32 s0, $0x1;
	s9 =	sand.u32 $0x1E, s0  }
0x83: {  	p0 =	seq.s32 s11, $0x0;
	p1 =	sne.s32 s9, $0x0  }
0x84: {  	p0 =	por !p0, !p1  }
0x85: {  	s9 =	simm.s32 $0x1;
	p0 =	por !p0, !p0  }
0x86: {  	s10 =	sshrl.u32 s0, $0x5;
	s12 =	sand.u32 $0x1F, s0;
	s9 =	simm.s32 @!p0 $0x0  }
0x87: {  	p0 =	sne.s32 s12, $0x0;
	s13 =	ssub.s32 s10, s9  }
0x88: {  	s10 =	sand.u32 $0x3, s0;
	p1 =	sgt.s32 @!p0 s13, $0x3  }
0x89: {  	s9 =	sadd.s32 $0x1, s10;
	p0 =	por p1, p0  }
0x8a: {  	_ =	swait.ge [sflag:s9], $0x1000;
	s12 =	sshll.u32 @!p0 s13, $0xB  }
0x8b: {  	s14 =	sand.u32 $0x1, s13;
	[sflag:s9] =	ssyncset.done $0x0;
	s12 =	sadd.s32 @!p0 s12, s21  }
0x8c: {  	s15 =	sshll.u32 @!p0 s14, $0xB;
	s17 =	simm.s32 @!p0 $0x0;
	s12 =	sshrl.u32 @!p0 s12, $0x3  }
0x8d: {  	[sflag:s9] =	ssyncadd.s32 $0xFFFFF000;
	s15 =	sxor.u32 @!p0 $0x800, s15;
	s16 =	sadd.s32 @!p0 s5, s12  }
0x8e: {  	[tilespmem:s15], [sflag:$0x7] =	stream.linear.gather @!p0 [hbm4b:s16+s17], $0x800, $0x38;
	[tilespmem:$0x1ED80] =	vst v63  }
0x8f: {  	s16 =	simm.s32 @!p0 $0x7  }
0x90: {  	_ =	swait.ge @!p0 [sflag:s16], $0x800  }
0x91: {  	[sflag:s16] =	ssyncset.done @!p0 $0x0  }
0x92: {  	s18 =	sor.u32 @!p0 $0x1000, s15;
	s19 =	sadd.s32 @!p0 s6, s12;
	[sflag:s16] =	ssyncadd.s32 @!p0 $0xFFFFF800  }
0x93: {  	[tilespmem:s18], [sflag:$0x7] =	stream.linear.gather @!p0 [hbm4b:s19+s17], $0x800, $0x38;
	[tilespmem:$0x1ED80] =	vst v63  }
0x94: {  	_ =	swait.ge @!p0 [sflag:s16], $0x800  }
0x95: {  	[sflag:s16] =	ssyncset.done @!p0 $0x0  }
0x96: {  	s12 =	sadd.s32 @!p0 s7, s12;
	s15 =	sor.u32 @!p0 $0x2000, s15;
	[sflag:s16] =	ssyncadd.s32 @!p0 $0xFFFFF800  }
0x97: {  	[tilespmem:s15], [sflag:$0x7] =	stream.linear.gather @!p0 [hbm4b:s12+s17], $0x800, $0x38;
	[tilespmem:$0x1ED80] =	vst v63  }
0x98: {  	p1 =	slt.u32 s0, $0x2;
	s13 =	sshll.u32 s13, $0x4;
	_ =	swait.ge @!p0 [sflag:s16], $0x800  }
0x99: {  	s17 =	ssub.s32 s11, s13;
	s11 =	sand.u32 $0x1, s0;
	[sflag:s16] =	ssyncset.done @!p0 $0x0  }
0x9a: {  	s13 =	sadd.s32 @!p1 $0x5, s11;
	s18 =	sshll.u32 s17, $0x9;
	[sflag:s16] =	ssyncadd.s32 @!p0 $0xFFFFF800  }
0x9b: {  	s19 =	sshll.u32 s14, $0xB;
	s15 =	sshra.s32 s18, $0x2;
	_ =	swait.ge @!p1 [sflag:s13], $0x2000  }
0x9c: {  	s14 =	sshll.u32 s11, $0x6;
	s15 =	sadd.s32 s15, s19;
	[sflag:s13] =	ssyncset.done @!p1 $0x0  }
0x9d: {  	s15 =	sor.u32 s14, s15;
	[sflag:s13] =	ssyncadd.s32 @!p1 $0xFFFFE000  }
0x9e: {  	v9 =	vld [tilespmem:s15+$0x1000];
	_ =	sdelay $0x4  }
0x9f: {  	[tilespmem:s14+$0x3100] =	vst v9  }
0xa0: {  	v9 =	vld [tilespmem:s15+$0x1010];
	_ =	sdelay $0x4  }
0xa1: {  	[tilespmem:s14+$0x3110] =	vst v9  }
0xa2: {  	v9 =	vld [tilespmem:s15+$0x1020];
	_ =	sdelay $0x3  }
0xa3: {  	s12 =	sshll.u32 s17, $0x7  }
0xa4: {  	s12 =	sadd.s32 s19, s12;
	[tilespmem:s14+$0x3120] =	vst v9  }
0xa5: {  	s12 =	sor.u32 s14, s12;
	v9 =	vld [tilespmem:s15+$0x1030]  }
0xa6: {  	s16 =	simm.s32 $0x1;
	v14 =	vmov s12  }
0xa7: {  	v10 =	vor.u32 s16, v14  }
0xa8: {  	s17 =	sand.u32 $0x3, s26  }
0xa9: {  	s12 =	sshll.u32 s17, $0xC;
	v11 =	vor.u32 s1, v14  }
0xaa: {  	s15 =	sadd.s32 $0x31C0, s12;
	[tilespmem:s14+$0x3130] =	vst v9  }
0xab: {  	s12 =	sshll.u32 s11, $0xD;
	v9 =	vmov s16;
	v12 =	vld [tilespmem:s15+$0x0]  }
0xac: {  	v16 =	vmov s12;
	v17 =	vld.idx.msk [tilespmem:v10+s28+$0x0], $0xffff;
	v9 =	vshll.u32 v9, $0x7  }
0xad: {  	v10 =	vmov s1;
	v13 =	vld [tilespmem:s15+$0xFFFFFFC0];
	v22 =	vadd.s32 v16, v9  }
0xae: {  	v10 =	vshll.u32 v10, $0x7;
	v9 =	vld.idx.msk [tilespmem:v11+s28+$0x0], $0xffff;
	v11 =	vor.u32 v0, v22  }
0xaf: {  	v18 =	vadd.s32 v16, v10;
	v10 =	vor.u32 v2, v22  }
0xb0: {  	v19 =	vshll.u32 v12, $0x10  }
0xb1: {  	v15 =	vor.u32 v0, v18;
	v12 =	vand.u32 $0xFFFF0000, v12;
	v19 =	vmul.f32 v19, v17  }
0xb2: {  	v20 =	vor.u32 v2, v18;
	v12 =	vmul.f32 v12, v17  }
0xb3: {  	v21 =	vshll.u32 v13, $0x10;
	[tilespmem:v11+s24+$0x0] =	vst.idx.msk $0xffff, v19  }
0xb4: {  	v13 =	vand.u32 $0xFFFF0000, v13;
	v11 =	vmul.f32 v21, v9;
	[tilespmem:v10+s24+$0x0] =	vst.idx.msk $0xffff, v12  }
0xb5: {  	v10 =	vmul.f32 v13, v9;
	v12 =	vld [tilespmem:s15+$0x10]  }
0xb6: {  	[tilespmem:v15+s24+$0x0] =	vst.idx.msk $0xffff, v11  }
0xb7: {  	[tilespmem:v20+s24+$0x0] =	vst.idx.msk $0xffff, v10  }
0xb8: {  	s18 =	simm.s32 $0x3;
	v11 =	vor.u32 v3, v22;
	v10 =	vld [tilespmem:s15+$0xFFFFFFD0]  }
0xb9: {  	v19 =	vor.u32 v4, v22;
	v13 =	vor.u32 s18, v14  }
0xba: {  	s19 =	simm.s32 $0x2;
	v27 =	vmov s18;
	v23 =	vor.u32 v3, v18;
	v21 =	vshll.u32 v12, $0x10  }
0xbb: {  	v20 =	vor.u32 s19, v14;
	v12 =	vand.u32 $0xFFFF0000, v12;
	v21 =	vmul.f32 v21, v17  }
0xbc: {  	s13 =	sadd.s32 $0x80, s15;
	v24 =	vor.u32 v4, v18;
	v15 =	vmov s19;
	v12 =	vmul.f32 v12, v17  }
0xbd: {  	v25 =	vld [tilespmem:s13+$0x0];
	v31 =	vor.u32 v5, v22;
	v15 =	vshll.u32 v15, $0x7;
	v26 =	vshll.u32 v10, $0x10;
	[tilespmem:v11+s24+$0x0] =	vst.idx.msk $0xffff, v21  }
0xbe: {  	v21 =	vand.u32 $0xFFFF0000, v10;
	v10 =	vld.idx.msk [tilespmem:v13+s28+$0x0], $0xffff;
	v13 =	vmul.f32 v26, v9;
	[tilespmem:v19+s24+$0x0] =	vst.idx.msk $0xffff, v12;
	v12 =	vshll.u32 v27, $0x7  }
0xbf: {  	v11 =	vadd.s32 v16, v15;
	v15 =	vmul.f32 v21, v9;
	v12 =	vadd.s32 v16, v12;
	v21 =	vld [tilespmem:s15+$0x20]  }
0xc0: {  	v32 =	vor.u32 v6, v22;
	[tilespmem:v23+s24+$0x0] =	vst.idx.msk $0xffff, v13;
	v13 =	vld.idx.msk [tilespmem:v20+s28+$0x0], $0xffff;
	v20 =	vor.u32 v0, v12  }
0xc1: {  	s17 =	simm.s32 $0x4;
	v35 =	vor.u32 v7, v22;
	v19 =	vld [tilespmem:s13+$0xFFFFFFC0];
	[tilespmem:v24+s24+$0x0] =	vst.idx.msk $0xffff, v15;
	v24 =	vor.u32 v2, v12  }
0xc2: {  	v30 =	vshll.u32 v25, $0x10;
	v25 =	vand.u32 $0xFFFF0000, v25;
	v23 =	vmov s17  }
0xc3: {  	v26 =	vor.u32 v5, v18;
	v15 =	vshll.u32 v23, $0x7;
	v28 =	vld [tilespmem:s15+$0xFFFFFFE0];
	v30 =	vmul.f32 v30, v10  }
0xc4: {  	v23 =	vor.u32 v0, v11;
	v25 =	vmul.f32 v25, v10;
	v34 =	vshll.u32 v21, $0x10  }
0xc5: {  	v29 =	vor.u32 v2, v11;
	v21 =	vand.u32 $0xFFFF0000, v21;
	[tilespmem:v20+s24+$0x0] =	vst.idx.msk $0xffff, v30;
	v20 =	vmul.f32 v34, v17  }
0xc6: {  	v27 =	vor.u32 v6, v18;
	v33 =	vshll.u32 v19, $0x10;
	v21 =	vmul.f32 v21, v17;
	[tilespmem:v24+s24+$0x0] =	vst.idx.msk $0xffff, v25  }
0xc7: {  	v60 =	vor.u32 v4, v12;
	v19 =	vand.u32 $0xFFFF0000, v19;
	v30 =	vmul.f32 v33, v13;
	v25 =	vld [tilespmem:s13+$0x10];
	[tilespmem:v31+s24+$0x0] =	vst.idx.msk $0xffff, v20  }
0xc8: {  	v15 =	vadd.s32 v16, v15;
	v19 =	vmul.f32 v19, v13;
	v24 =	vshll.u32 v28, $0x10;
	[tilespmem:v32+s24+$0x0] =	vst.idx.msk $0xffff, v21  }
0xc9: {  	v59 =	vmul.f32 v24, v9;
	v24 =	vand.u32 $0xFFFF0000, v28;
	[tilespmem:v23+s24+$0x0] =	vst.idx.msk $0xffff, v30;
	v20 =	vor.u32 v6, v11;
	v30 =	vld [tilespmem:s15+$0x30]  }
0xca: {  	s18 =	simm.s32 $0x5;
	v28 =	vmul.f32 v24, v9;
	[tilespmem:v29+s24+$0x0] =	vst.idx.msk $0xffff, v19;
	v29 =	vor.u32 v3, v12  }
0xcb: {  	v61 =	vor.u32 s18, v14;
	v21 =	vor.u32 v7, v18;
	v18 =	vor.u32 v8, v18;
	v31 =	vld [tilespmem:s13+$0xFFFFFFD0];
	[tilespmem:v26+s24+$0x0] =	vst.idx.msk $0xffff, v59  }
0xcc: {  	v19 =	vor.u32 v5, v11;
	v24 =	vor.u32 s17, v14;
	[tilespmem:v27+s24+$0x0] =	vst.idx.msk $0xffff, v28;
	v23 =	vshll.u32 v25, $0x10  }
0xcd: {  	v25 =	vand.u32 $0xFFFF0000, v25;
	v62 =	vmul.f32 v23, v10;
	v23 =	vor.u32 v8, v22;
	v22 =	vld [tilespmem:s15+$0xFFFFFFF0]  }
0xce: {  	v26 =	vor.u32 v3, v11;
	v27 =	vmul.f32 v25, v10;
	v28 =	vshll.u32 v30, $0x10  }
0xcf: {  	s16 =	sadd.s32 $0x80, s13;
	v25 =	vor.u32 v4, v11;
	[tilespmem:v29+s24+$0x0] =	vst.idx.msk $0xffff, v62;
	v63 =	vmul.f32 v28, v17;
	v29 =	vand.u32 $0xFFFF0000, v30  }
0xd0: {  	s19 =	sshll.u32 s10, $0xC;
	v36 =	vand.u32 $0xFFFF0000, v31;
	v28 =	vld [tilespmem:s16+$0x0];
	v30 =	vshll.u32 v31, $0x10;
	[tilespmem:v60+s24+$0x0] =	vst.idx.msk $0xffff, v27;
	v27 =	vmul.f32 v29, v17  }
0xd1: {  	s14 =	sor.u32 $0x3100, s14;
	s17 =	simm.s32 $0x6;
	s15 =	sadd.s32 $0x3180, s19;
	v31 =	vmov s18;
	v17 =	vld.idx.msk [tilespmem:v61+s28+$0x0], $0xffff;
	v30 =	vmul.f32 v30, v13;
	v29 =	vmul.f32 v36, v13;
	[tilespmem:v35+s24+$0x0] =	vst.idx.msk $0xffff, v63  }
.LBB2_5:
0xd2: {  	p0 =	slt.u32 s17, $0x3E;
	v32 =	vld [tilespmem:s16+$0xFFFFFFC0];
	v31 =	vshll.u32 v31, $0x7;
	v33 =	vshll.u32 v22, $0x10;
	v22 =	vand.u32 $0xFFFF0000, v22;
	[tilespmem:v23+s24+$0x0] =	vst.idx.msk $0xffff, v27  }
0xd3: {  	v27 =	vadd.s32 v16, v31;
	[tilespmem:v26+s24+$0x0] =	vst.idx.msk $0xffff, v30;
	v23 =	vld [tilespmem:s13+$0x20];
	v26 =	vmul.f32 v33, v9  }
0xd4: {  	v30 =	vmov s17;
	v34 =	vmul.f32 v22, v9;
	v24 =	vld.idx.msk [tilespmem:v24+s28+$0x0], $0xffff;
	v31 =	vor.u32 v0, v27;
	[tilespmem:v25+s24+$0x0] =	vst.idx.msk $0xffff, v29  }
0xd5: {  	v22 =	vshll.u32 v30, $0x7;
	v25 =	vor.u32 v0, v15;
	v29 =	vor.u32 v2, v27;
	v30 =	vld [tilespmem:s13+$0xFFFFFFE0];
	[tilespmem:v21+s24+$0x0] =	vst.idx.msk $0xffff, v26  }
0xd6: {  	v33 =	vor.u32 v5, v12;
	v26 =	vor.u32 v2, v15;
	v21 =	vshll.u32 v28, $0x10;
	[tilespmem:v18+s24+$0x0] =	vst.idx.msk $0xffff, v34  }
0xd7: {  	v9 =	vmovc v13;
	v18 =	vmul.f32 v21, v17;
	v21 =	vand.u32 $0xFFFF0000, v28;
	v28 =	vor.u32 v6, v12  }
0xd8: {  	v13 =	vshll.u32 v32, $0x10;
	v21 =	vmul.f32 v21, v17;
	v34 =	vshll.u32 v23, $0x10  }
0xd9: {  	v32 =	vand.u32 $0xFFFF0000, v32;
	v23 =	vand.u32 $0xFFFF0000, v23;
	[tilespmem:v31+s24+$0x0] =	vst.idx.msk $0xffff, v18;
	v18 =	vmul.f32 v34, v10  }
0xda: {  	v31 =	vmul.f32 v13, v24;
	[tilespmem:v29+s24+$0x0] =	vst.idx.msk $0xffff, v21;
	v35 =	vshll.u32 v30, $0x10;
	v21 =	vmul.f32 v23, v10  }
0xdb: {  	v23 =	vmul.f32 v32, v24;
	v34 =	vand.u32 $0xFFFF0000, v30;
	v29 =	vld [tilespmem:s16+$0x10];
	v32 =	vmul.f32 v35, v9;
	[tilespmem:v33+s24+$0x0] =	vst.idx.msk $0xffff, v18  }
0xdc: {  	v22 =	vadd.s32 v16, v22;
	v13 =	vmov v24;
	v30 =	vmul.f32 v34, v9;
	[tilespmem:v28+s24+$0x0] =	vst.idx.msk $0xffff, v21  }
0xdd: {  	v18 =	vor.u32 v8, v11;
	v21 =	vor.u32 v7, v11;
	v11 =	vmov v15;
	[tilespmem:v25+s24+$0x0] =	vst.idx.msk $0xffff, v31;
	v28 =	vld [tilespmem:s13+$0x30]  }
0xde: {  	v15 =	vmov v22;
	v31 =	vor.u32 v3, v27;
	[tilespmem:v26+s24+$0x0] =	vst.idx.msk $0xffff, v23;
	v23 =	vor.u32 v5, v11  }
0xdf: {  	s18 =	sadd.s32 $0x1, s17;
	v24 =	vor.u32 s17, v14;
	v34 =	vor.u32 v4, v27;
	v25 =	vor.u32 v6, v11;
	v33 =	vld [tilespmem:s16+$0xFFFFFFD0];
	[tilespmem:v19+s24+$0x0] =	vst.idx.msk $0xffff, v32  }
0xe0: {  	v35 =	vor.u32 v7, v12;
	v32 =	vor.u32 s18, v14;
	v19 =	vmovc v23;
	v22 =	vshll.u32 v29, $0x10;
	[tilespmem:v20+s24+$0x0] =	vst.idx.msk $0xffff, v30  }
.Ltmp1:
0xe1: {  	v23 =	vor.u32 v8, v12;
	v12 =	vmovc v27;
	v29 =	vand.u32 $0xFFFF0000, v29;
	v20 =	vmovc v25;
	v30 =	vmul.f32 v22, v17;
	v22 =	vld [tilespmem:s13+$0xFFFFFFF0];
	s13 =	smov.u32 s16;
	(pc) =	sbr.rel @p0 .LBB2_5-.Ltmp1, $4  }
0xe2: {  	v26 =	vor.u32 v3, v11;
	v27 =	vmul.f32 v29, v17;
	v29 =	vshll.u32 v28, $0x10  }
0xe3: {  	v25 =	vor.u32 v4, v11;
	s16 =	sadd.s32 $0x80, s16;
	[tilespmem:v31+s24+$0x0] =	vst.idx.msk $0xffff, v30;
	v36 =	vmul.f32 v29, v10;
	v29 =	vand.u32 $0xFFFF0000, v28  }
0xe4: {  	v28 =	vld [tilespmem:s16+$0x0];
	v30 =	vshll.u32 v33, $0x10;
	v33 =	vand.u32 $0xFFFF0000, v33;
	[tilespmem:v34+s24+$0x0] =	vst.idx.msk $0xffff, v27;
	v27 =	vmul.f32 v29, v10;
	v10 =	vmovc v17  }
0xe5: {  	s17 =	sadd.s32 $0x2, s17;
	v31 =	vmov s18;
	v17 =	vld.idx.msk [tilespmem:v32+s28+$0x0], $0xffff;
	v30 =	vmul.f32 v30, v13;
	v29 =	vmul.f32 v33, v13;
	[tilespmem:v35+s24+$0x0] =	vst.idx.msk $0xffff, v36  }
0xe6: {  	_ =	sdelay $0x1  }
0xe7: {  	v14 =	vshll.u32 v31, $0x7  }
0xe8: {  	v47 =	vld [tilespmem:s16+$0xFFFFFFC0];
	v14 =	vadd.s32 v16, v14  }
0xe9: {  	v16 =	vld.idx.msk [tilespmem:v24+s28+$0x0], $0xffff;
	v48 =	vor.u32 v0, v14  }
0xea: {  	v32 =	vor.u32 v2, v14  }
0xeb: {  	v33 =	vor.u32 v0, v15;
	v34 =	vshll.u32 v28, $0x10  }
0xec: {  	v35 =	vor.u32 v2, v15;
	v49 =	vand.u32 $0xFFFF0000, v28;
	v34 =	vmul.f32 v34, v17  }
0xed: {  	v28 =	vmul.f32 v49, v17;
	v36 =	vshll.u32 v47, $0x10  }
0xee: {  	v50 =	vand.u32 $0xFFFF0000, v47;
	v51 =	vmul.f32 v36, v16;
	[tilespmem:v48+s24+$0x0] =	vst.idx.msk $0xffff, v34  }
0xef: {  	v24 =	vmul.f32 v50, v16;
	[tilespmem:v32+s24+$0x0] =	vst.idx.msk $0xffff, v28  }
0xf0: {  	[tilespmem:v33+s24+$0x0] =	vst.idx.msk $0xffff, v51;
	v28 =	vld [tilespmem:s16+$0x10]  }
0xf1: {  	[tilespmem:v35+s24+$0x0] =	vst.idx.msk $0xffff, v24  }
0xf2: {  	v24 =	vld [tilespmem:s16+$0xFFFFFFD0]  }
0xf3: {  	v52 =	vor.u32 v3, v14  }
0xf4: {  	v53 =	vor.u32 v4, v14  }
0xf5: {  	v55 =	vor.u32 v3, v15;
	v54 =	vshll.u32 v28, $0x10  }
0xf6: {  	v56 =	vld [tilespmem:s13+$0x20];
	v58 =	vor.u32 v4, v15;
	[tilespmem:v26+s24+$0x0] =	vst.idx.msk $0xffff, v30;
	v28 =	vand.u32 $0xFFFF0000, v28;
	v57 =	vmul.f32 v54, v17  }
0xf7: {  	[tilespmem:v25+s24+$0x0] =	vst.idx.msk $0xffff, v29;
	v59 =	vmul.f32 v28, v17;
	v60 =	vshll.u32 v24, $0x10  }
0xf8: {  	v29 =	vld [tilespmem:s13+$0xFFFFFFE0];
	v24 =	vand.u32 $0xFFFF0000, v24;
	v28 =	vmul.f32 v60, v16;
	[tilespmem:v52+s24+$0x0] =	vst.idx.msk $0xffff, v57  }
0xf9: {  	v61 =	vor.u32 v5, v12;
	v24 =	vmul.f32 v24, v16;
	[tilespmem:v53+s24+$0x0] =	vst.idx.msk $0xffff, v59  }
0xfa: {  	v62 =	vor.u32 v6, v12;
	[tilespmem:v55+s24+$0x0] =	vst.idx.msk $0xffff, v28;
	v63 =	vld [tilespmem:s16+$0x20]  }
0xfb: {  	v35 =	vshll.u32 v56, $0x10;
	[tilespmem:v58+s24+$0x0] =	vst.idx.msk $0xffff, v24  }
0xfc: {  	v26 =	vand.u32 $0xFFFF0000, v56;
	v36 =	vmul.f32 v35, v10;
	v37 =	vld [tilespmem:s16+$0xFFFFFFE0]  }
0xfd: {  	[tilespmem:v23+s24+$0x0] =	vst.idx.msk $0xffff, v27;
	v39 =	vor.u32 v5, v14;
	v26 =	vmul.f32 v26, v10;
	v38 =	vshll.u32 v29, $0x10  }
0xfe: {  	v40 =	vor.u32 v6, v14;
	v29 =	vand.u32 $0xFFFF0000, v29;
	v23 =	vmul.f32 v38, v13;
	[tilespmem:v61+s24+$0x0] =	vst.idx.msk $0xffff, v36  }
0xff: {  	v42 =	vor.u32 v5, v15;
	v41 =	vmul.f32 v29, v13;
	[tilespmem:v62+s24+$0x0] =	vst.idx.msk $0xffff, v26;
	v43 =	vshll.u32 v63, $0x10  }
0x100: {  	v44 =	vor.u32 v6, v15;
	[tilespmem:v19+s24+$0x0] =	vst.idx.msk $0xffff, v23;
	v30 =	vld [tilespmem:s13+$0x30];
	v46 =	vand.u32 $0xFFFF0000, v63;
	v45 =	vmul.f32 v43, v17  }
0x101: {  	[tilespmem:v20+s24+$0x0] =	vst.idx.msk $0xffff, v41;
	v47 =	vshll.u32 v37, $0x10;
	v23 =	vmul.f32 v46, v17  }
0x102: {  	v25 =	vld [tilespmem:s13+$0xFFFFFFF0];
	v48 =	vand.u32 $0xFFFF0000, v37;
	v20 =	vmul.f32 v47, v16;
	[tilespmem:v39+s24+$0x0] =	vst.idx.msk $0xffff, v45  }
0x103: {  	v49 =	vshll.u32 v22, $0x10;
	v50 =	vor.u32 v7, v12;
	v28 =	vmul.f32 v48, v16;
	[tilespmem:v40+s24+$0x0] =	vst.idx.msk $0xffff, v23  }
0x104: {  	v51 =	vand.u32 $0xFFFF0000, v22;
	v19 =	vmul.f32 v49, v9;
	v52 =	vor.u32 v8, v12;
	[tilespmem:v42+s24+$0x0] =	vst.idx.msk $0xffff, v20;
	v23 =	vld [tilespmem:s16+$0x30]  }
0x105: {  	v9 =	vmul.f32 v51, v9;
	v53 =	vor.u32 v7, v11;
	v54 =	vshll.u32 v30, $0x10;
	[tilespmem:v44+s24+$0x0] =	vst.idx.msk $0xffff, v28  }
0x106: {  	[tilespmem:v21+s24+$0x0] =	vst.idx.msk $0xffff, v19;
	v11 =	vor.u32 v8, v11;
	v56 =	vand.u32 $0xFFFF0000, v30;
	v55 =	vmul.f32 v54, v10;
	v57 =	vld [tilespmem:s16+$0xFFFFFFF0]  }
0x107: {  	[tilespmem:v18+s24+$0x0] =	vst.idx.msk $0xffff, v9;
	v58 =	vor.u32 v7, v14;
	v9 =	vmul.f32 v56, v10;
	v10 =	vshll.u32 v25, $0x10  }
0x108: {  	v59 =	vand.u32 $0xFFFF0000, v25;
	v14 =	vor.u32 v8, v14;
	v10 =	vmul.f32 v10, v13;
	[tilespmem:v50+s24+$0x0] =	vst.idx.msk $0xffff, v55  }
0x109: {  	v60 =	vor.u32 v7, v15;
	[tilespmem:v52+s24+$0x0] =	vst.idx.msk $0xffff, v9;
	v9 =	vmul.f32 v59, v13;
	v61 =	vshll.u32 v23, $0x10  }
0x10a: {  	[tilespmem:v53+s24+$0x0] =	vst.idx.msk $0xffff, v10;
	v10 =	vor.u32 v8, v15;
	v62 =	vand.u32 $0xFFFF0000, v23;
	v13 =	vmul.f32 v61, v17  }
0x10b: {  	p0 =	sgt.u32 s0, $0x9B;
	[tilespmem:v11+s24+$0x0] =	vst.idx.msk $0xffff, v9;
	v9 =	vmul.f32 v62, v17;
	v11 =	vshll.u32 v57, $0x10  }
0x10c: {  	s13 =	sshll.u32 @!p0 s0, $0x6;
	v63 =	vand.u32 $0xFFFF0000, v57;
	v11 =	vmul.f32 v11, v16;
	[tilespmem:v58+s24+$0x0] =	vst.idx.msk $0xffff, v13  }
0x10d: {  	s16 =	sadd.s32 @!p0 $0x100, s13;
	[tilespmem:v14+s24+$0x0] =	vst.idx.msk $0xffff, v9;
	v9 =	vmul.f32 v63, v16  }
0x10e: {  	s13 =	sand.u32 @!p0 $0x40, s13;
	s16 =	sand.u32 @!p0 $0xF80, s16;
	[tilespmem:v60+s24+$0x0] =	vst.idx.msk $0xffff, v11  }
0x10f: {  	s13 =	sor.u32 @!p0 s13, s16;
	[tilespmem:v10+s24+$0x0] =	vst.idx.msk $0xffff, v9  }
0x110: {  	v9 =	vld @!p0 [tilespmem:s13+$0x0];
	_ =	sdelay $0x3  }
0x111: {  	s10 =	sshll.u32 @!p0 s10, $0x6  }
0x112: {  	[tilespmem:s10+$0x3000] =	vst @!p0 v9  }
0x113: {  	v9 =	vld @!p0 [tilespmem:s13+$0x10];
	_ =	sdelay $0x4  }
0x114: {  	[tilespmem:s10+$0x3010] =	vst @!p0 v9  }
0x115: {  	v9 =	vld @!p0 [tilespmem:s13+$0x20];
	_ =	sdelay $0x4  }
0x116: {  	[tilespmem:s10+$0x3020] =	vst @!p0 v9  }
0x117: {  	v9 =	vld @!p0 [tilespmem:s13+$0x30];
	_ =	sdelay $0x4  }
0x118: {  	s0 =	sadd.s32 $0x1, s0;
	s13 =	sor.u32 @!p0 $0x3000, s10;
	[tilespmem:s10+$0x3030] =	vst @!p0 v9;
	s10 =	simm.s32 @!p0 $0x40  }
0x119: {  	[tilespmem:s15], [sflag:s9] =	stream.indirect.gather @!p0 [hbm4b:s2+s10], $0x40, s13, s10, $0xb8;
	[tilespmem:$0x1ED80] =	vst v63  }
0x11a: {  	p0 =	sne.s32 s0, $0xA0  }
.Ltmp2:
0x11b: {  	_ = 	snop;
	(pc) =	sbr.rel @p0 .LBB2_4-.Ltmp2, $3  }
0x11c: {  	_ =	sdelay $0x1  }
0x11d: {  	s18 =	sadd.s32 $0x7180, s12;
	s19 =	sadd.s32 $0x5, s11;
	s26 =	sadd.s32 $0x1, s26  }
0x11e: {  	[spmem:s3] =	stream.indirect.scatter.add.f32 [tilespmem:s18], [sflag:s19], $0x80, s14, s29, $0xb8;
	[tilespmem:$0x1ED80] =	vst v63  }
0x11f: {  	_ =	swait.ge [sflag:s30], $0x2000  }
0x120: {  	[sflag:s30] =	ssyncset.done $0x0  }
0x121: {  	[sflag:s30] =	ssyncadd.s32 $0xFFFFE000  }
0x122: {  	s0 =	stileid.u32;
	_ =	swait.ge [sflag:s31], $0x2000  }
0x123: {  	s1 =	sshrl.u32 s8, $0x3;
	s4 =	sadd.s32 $0x1, s4;
	[sflag:s31] =	ssyncset.done $0x0  }
0x124: {  	s0 =	sshll.u32 s0, $0x6;
	p0 =	sne.s32 s4, s23;
	[sflag:s31] =	ssyncadd.s32 $0xFFFFE000  }
.Ltmp3:
0x125: {  	s0 =	sor.u32 $0x1C07, s0;
	[bflag:$0x0] =	sbarrier.arrive $0xFFFF;
	(pc) =	sbr.rel @p0 .LBB2_1-.Ltmp3, $4  }
0x126: {  	[hbm:s22], [sflag:s0] =	dma.local [spmem:s1], $0x2780  }
0x127: {  	_ =	swait.ge [sflag:s25], $0x2780  }
0x128: {  	[sflag:s25] =	ssyncset.done $0x0  }
0x129: {  	[sflag:s25] =	ssyncadd.s32 $0xFFFFD880  }
0x12a: {  	_ =	sfence.sel $0x180000  }
0x12b: {  	[bflag:$0x0] =	sbarrier.arrive $0xFFFF  }
0x12c: {  	_ =	strace $0x9000004A  }
0x12d: {  	s0 =	stileid.u32;
	[bflag:$0x2] =	sbarrier.arrive $0xFFFF  }
0x12e: {  	p0 =	sne.s32 s0, $0x0;
	s0 =	rddreg [dreg:$0x3]  }
0x12f: {  	s0 =	sadd.s32 @!p0 $0x100000, s0  }
0x130: {  	[sflag:s0] =	ssyncadd.tile.s32 @!p0 $0x1;
	_ =	shalt  }
.Lfunc_end2:
_tile_overlayer_lowered:
.L_overlay_start_2:
0x131: {  	(tag) =	ssettag $0x2  }
0x132: {  	s0 =	rddreg [dreg:$0x0];
	s2 =	stileid.u32  }
0x133: {  	s1 =	rddreg [dreg:$0x1];
	p0 =	sne.s32 s2, $0x0  }
0x134: {  	s3 =	rddreg [dreg:$0x2];
	[bflag:$0x3] =	sbarrier.arrive $0xFFFF;
	s2 =	simm.s32 @!p0 $0x1C07  }
0x135: {  	[timem:s3], [sflag:s2] =	dma.local @!p0 [hbm:s0], s1  }
0x136: {  	s0 =	simm.s32 @!p0 $0x7  }
0x137: {  	_ =	swait.ge @!p0 [sflag:s0], s1  }
0x138: {  	s1 =	ssub.s32 @!p0 $0x0, s1;
	[sflag:s0] =	ssyncset.done @!p0 $0x0  }
0x139: {  	[sflag:s0] =	ssyncadd.s32 @!p0 s1  }
0x13a: {  	[bflag:$0x3] =	sbarrier.arrive $0xFFFF  }
0x13b: {  	_ =	shalt  }

</sc_bundles>
